<compile_context>
chip_gen: v7x
topology: tpu7x:2x2x1
jax: 0.10.2.dev20260603
libtpu: 0.0.44.dev20260713+nightly
codegen_flags: <defaults>
</compile_context>

<pallas_src>
import functools

import jax
import jax.numpy as jnp
from jax import lax
from jax.experimental import pallas as pl
from jax.experimental.pallas import tpu as pltpu
from jax.experimental.pallas import tpu_sc as plsc

QV = 512
EMAX = 8.0
SCALE = QV / EMAX
P_IMG = 512 * 512
HALF = P_IMG // 2
CHR = 32
NCH = 256 // CHR
STRIDE = 640
ROW = 2 * STRIDE


def _make_sc_hist():
    mesh = plsc.VectorSubcoreMesh(core_axis_name="c", subcore_axis_name="s")

    @functools.partial(
        pl.kernel,
        mesh=mesh,
        out_type=jax.ShapeDtypeStruct((32, ROW), jnp.float32),
        compiler_params=pltpu.CompilerParams(
            needs_layout_passes=False, use_tc_tiling_on_sc=True),
        scratch_types=[
            pltpu.VMEM((2, CHR, 512), jnp.float32),
            pltpu.VMEM((2, CHR, 512), jnp.int32),
            pltpu.VMEM((ROW,), jnp.float32),
            pltpu.SemaphoreType.DMA,
            pltpu.SemaphoreType.DMA,
            pltpu.SemaphoreType.DMA,
            pltpu.SemaphoreType.DMA,
        ],
    )
    def hist(x_hbm, t_hbm, out_hbm, xbuf, tbuf, cnt, semx0, semx1,
             semt0, semt1):
        c = lax.axis_index("c")
        s = lax.axis_index("s")
        wid = c * 16 + s
        row0 = c * 256
        semx = (semx0, semx1)
        semt = (semt0, semt1)

        z = jnp.zeros((16,), jnp.float32)
        for k in range(ROW // 16):
            cnt[pl.ds(k * 16, 16)] = z

        ones = jnp.full((16,), 1.0, jnp.float32)

        def issue(cidx):
            slot = cidx % 2
            r = row0 + cidx * CHR
            hx = pltpu.make_async_copy(
                x_hbm.at[s, 0, pl.ds(r, CHR)], xbuf.at[slot], semx[slot])
            ht = pltpu.make_async_copy(
                t_hbm.at[s, 0, pl.ds(r, CHR)], tbuf.at[slot], semt[slot])
            hx.start()
            ht.start()
            return hx, ht

        handles = {0: issue(0)}
        for cidx in range(NCH):
            if cidx + 1 < NCH:
                handles[cidx + 1] = issue(cidx + 1)
            hx, ht = handles.pop(cidx)
            hx.wait()
            ht.wait()
            slot = cidx % 2

            @plsc.parallel_loop(0, CHR * 512 // 16, unroll=8)
            def _(i):
                r = i >> 5
                l = (i & 31) * 16
                xv = xbuf[slot, r, pl.ds(l, 16)]
                ti = tbuf[slot, r, pl.ds(l, 16)]
                sg = jnp.where(ti > 0, 1.0, -1.0)
                e = 1.0 - xv * sg
                bf = jnp.minimum(jnp.maximum(e * SCALE + 1.0, 0.0),
                                 float(QV))
                idx = bf.astype(jnp.int32) + ti * STRIDE
                plsc.addupdate_scatter(cnt, [idx], ones)

        pltpu.sync_copy(cnt, out_hbm.at[wid])

    return hist


_sc_hist = _make_sc_hist()


def _formula_kernel(tab_ref, out_ref):
    rows = tab_ref[...]
    r = rows[0:16] + rows[16:32]
    ncnt_all = r[:, 0:STRIDE]
    pcnt_all = r[:, STRIDE:2 * STRIDE]
    lane = lax.broadcasted_iota(jnp.int32, (16, STRIDE), 1)
    g = jnp.sum(pcnt_all, axis=1, keepdims=True)
    centers = jnp.where(
        lane >= 1,
        (lane.astype(jnp.float32) - 0.5) * (EMAX / QV), 0.0)
    ncnt = jnp.where(lane >= 1, ncnt_all, 0.0)
    pcnt = jnp.where(lane >= 1, pcnt_all, 0.0)
    sn = ncnt * centers
    sp = pcnt * centers
    ii = lax.broadcasted_iota(jnp.int32, (STRIDE, STRIDE), 0)
    jj = lax.broadcasted_iota(jnp.int32, (STRIDE, STRIDE), 1)
    ut = (ii > jj).astype(jnp.float32)
    n0 = lax.dot_general(ncnt, ut, (((1,), (0,)), ((), ())),
                         preferred_element_type=jnp.float32)
    c0 = lax.dot_general(pcnt, ut, (((1,), (0,)), ((), ())),
                         preferred_element_type=jnp.float32)
    a = g + n0
    bv = g - c0
    nb = ncnt
    safe_a = jnp.maximum(a, 1.0)
    safe_n = jnp.maximum(nb, 1.0)
    l1p = jnp.log1p(nb / safe_a)
    ip = jnp.where(nb > 0, l1p / safe_n, 1.0 / safe_a)
    i_n = (bv / (safe_a * (a + nb))
           - pcnt * (l1p - nb / (a + nb)) / (safe_n * safe_n))
    i_n = jnp.where(nb > 0, i_n, 0.0)
    total = jnp.sum(sp * ip + sn * i_n)
    out_ref[0, 0] = total / 16.0


@jax.jit
def kernel(input, target):
    table = _sc_hist(input, target)
    out = pl.pallas_call(
        _formula_kernel,
        in_specs=[pl.BlockSpec((32, ROW), lambda: (0, 0))],
        out_specs=pl.BlockSpec(memory_space=pltpu.SMEM),
        out_shape=jax.ShapeDtypeStruct((1, 1), jnp.float32),
    )(table)
    return out[0, 0]

# --- scband reference (transcript-rebuilt; emitter-appended) ---
"""Pipeline reference for scband-lovasz-hinge-loss-910533066965 (READ-ONLY COPY).

The authoritative reference and input builder live on the scoring server;
editing this copy changes nothing except your own understanding.
"""

import jax, jax.numpy as jnp
import numpy as np


def setup_inputs(seed: int = 0) -> dict:
    key = jax.random.key(seed)
    k1, k2 = jax.random.split(key)
    inp = jax.random.normal(k1, (16, 1, 512, 512), dtype=jnp.float32)
    tgt = jax.random.randint(k2, (16, 1, 512, 512), 0, 2).astype(jnp.int32)
    return {"input": inp, "target": tgt}


def _lovasz_grad(gt_sorted):
    # gt_sorted: float [P], ground truth sorted by decreasing errors
    gts = jnp.sum(gt_sorted)
    intersection = gts - jnp.cumsum(gt_sorted)
    union = gts + jnp.cumsum(1.0 - gt_sorted)
    jaccard = 1.0 - intersection / union
    # jaccard[1:] = jaccard[1:] - jaccard[:-1]
    jaccard = jnp.concatenate([jaccard[:1], jaccard[1:] - jaccard[:-1]])
    return jaccard


def _lovasz_hinge_flat(logits, labels):
    # logits: float [P], labels: float [P] in {0,1}
    signs = 2.0 * labels - 1.0
    errors = 1.0 - logits * signs
    # descending sort of errors
    perm = jnp.argsort(-errors)
    errors_sorted = jnp.take(errors, perm)
    gt_sorted = jnp.take(labels, perm)
    grad = _lovasz_grad(gt_sorted)
    # perm.data in torch detaches indices; gt_sorted depends only on constant labels
    return jnp.dot(jax.nn.relu(errors_sorted), jax.lax.stop_gradient(grad))


def reference(input, target):
    logits = jnp.squeeze(input, axis=1)          # [B, H, W]
    labels = jnp.squeeze(target, axis=1).astype(jnp.float32)  # [B, H, W]
    B = logits.shape[0]
    lf = logits.reshape(B, -1)
    tf = labels.reshape(B, -1)
    # per_image=True: mean over per-image lovasz hinge losses
    losses = jax.vmap(_lovasz_hinge_flat)(lf, tf)
    return jnp.mean(losses)

if __name__ == "__main__":
    import jax
    _d = setup_inputs()
    print(jax.jit(kernel)(*tuple(_d.values())))

</pallas_src>

<mosaic_0001>
#map = affine_map<(d0, d1) -> (0, 0, 0, 0)>
#map1 = affine_map<(d0, d1) -> (0, 0)>
module attributes {stable_mosaic.version = 14 : i64} {
  func.func @hist(%arg0: i32, %arg1: i32, %arg2: memref<16x1x512x512xf32, #tpu.memory_space<hbm>>, %arg3: memref<16x1x512x512xi32, #tpu.memory_space<hbm>>, %arg4: memref<32x1280xf32, #tpu.memory_space<hbm>>, %arg5: memref<2x32x512xf32, #tpu.memory_space<vmem>>, %arg6: memref<2x32x512xi32, #tpu.memory_space<vmem>>, %arg7: memref<1280xf32, #tpu.memory_space<vmem>>, %arg8: memref<!tpu.dma_semaphore, #tpu.memory_space<semaphore_mem>>, %arg9: memref<!tpu.dma_semaphore, #tpu.memory_space<semaphore_mem>>, %arg10: memref<!tpu.dma_semaphore, #tpu.memory_space<semaphore_mem>>, %arg11: memref<!tpu.dma_semaphore, #tpu.memory_space<semaphore_mem>>) attributes {dimension_semantics = [#tpu.dimension_semantics<core_parallel>, #tpu.dimension_semantics<subcore_parallel>], iteration_bounds = array<i64: 2, 16>, scalar_prefetch = 0 : i64, scratch_operands = 7 : i64, tpu.core_type = #tpu.core_type<sc_vector_subcore>, window_params = [{transform_indices = #map}, {transform_indices = #map}, {transform_indices = #map1}]} {
    %mul3A = arith.constant 16 : i32
    %mul3A_0 = arith.muli %arg0, %mul3A : i32
    %add3A = arith.addi %mul3A_0, %arg1 : i32
    %mul3A_1 = arith.constant 256 : i32
    %mul3A_2 = arith.muli %arg0, %mul3A_1 : i32
    %broadcast_in_dim3A = arith.constant 0.000000e+00 : f32
    %broadcast_in_dim3A_3 = vector.broadcast %broadcast_in_dim3A : f32 to vector<16xf32>
    %swap3A = arith.constant 0 : index
    %swap3A_4 = tpu.vector_load %arg7[%swap3A] {strides = array<i32>} : memref<1280xf32, #tpu.memory_space<vmem>>, vector<16xf32>,
    tpu.vector_store %arg7[%swap3A], %broadcast_in_dim3A_3 {strides = array<i32>} : memref<1280xf32, #tpu.memory_space<vmem>>, vector<16xf32>,
    %swap3A_5 = arith.constant 16 : index
    %swap3A_6 = tpu.vector_load %arg7[%swap3A_5] {strides = array<i32>} : memref<1280xf32, #tpu.memory_space<vmem>>, vector<16xf32>,
    tpu.vector_store %arg7[%swap3A_5], %broadcast_in_dim3A_3 {strides = array<i32>} : memref<1280xf32, #tpu.memory_space<vmem>>, vector<16xf32>,
    %swap3A_7 = arith.constant 32 : index
    %swap3A_8 = tpu.vector_load %arg7[%swap3A_7] {strides = array<i32>} : memref<1280xf32, #tpu.memory_space<vmem>>, vector<16xf32>,
    tpu.vector_store %arg7[%swap3A_7], %broadcast_in_dim3A_3 {strides = array<i32>} : memref<1280xf32, #tpu.memory_space<vmem>>, vector<16xf32>,
    %swap3A_9 = arith.constant 48 : index
    %swap3A_10 = tpu.vector_load %arg7[%swap3A_9] {strides = array<i32>} : memref<1280xf32, #tpu.memory_space<vmem>>, vector<16xf32>,
    tpu.vector_store %arg7[%swap3A_9], %broadcast_in_dim3A_3 {strides = array<i32>} : memref<1280xf32, #tpu.memory_space<vmem>>, vector<16xf32>,
    %swap3A_11 = arith.constant 64 : index
    %swap3A_12 = tpu.vector_load %arg7[%swap3A_11] {strides = array<i32>} : memref<1280xf32, #tpu.memory_space<vmem>>, vector<16xf32>,
    tpu.vector_store %arg7[%swap3A_11], %broadcast_in_dim3A_3 {strides = array<i32>} : memref<1280xf32, #tpu.memory_space<vmem>>, vector<16xf32>,
    %swap3A_13 = arith.constant 80 : index
    %swap3A_14 = tpu.vector_load %arg7[%swap3A_13] {strides = array<i32>} : memref<1280xf32, #tpu.memory_space<vmem>>, vector<16xf32>,
    tpu.vector_store %arg7[%swap3A_13], %broadcast_in_dim3A_3 {strides = array<i32>} : memref<1280xf32, #tpu.memory_space<vmem>>, vector<16xf32>,
    %swap3A_15 = arith.constant 96 : index
    %swap3A_16 = tpu.vector_load %arg7[%swap3A_15] {strides = array<i32>} : memref<1280xf32, #tpu.memory_space<vmem>>, vector<16xf32>,
    tpu.vector_store %arg7[%swap3A_15], %broadcast_in_dim3A_3 {strides = array<i32>} : memref<1280xf32, #tpu.memory_space<vmem>>, vector<16xf32>,
    %swap3A_17 = arith.constant 112 : index
    %swap3A_18 = tpu.vector_load %arg7[%swap3A_17] {strides = array<i32>} : memref<1280xf32, #tpu.memory_space<vmem>>, vector<16xf32>,
    tpu.vector_store %arg7[%swap3A_17], %broadcast_in_dim3A_3 {strides = array<i32>} : memref<1280xf32, #tpu.memory_space<vmem>>, vector<16xf32>,
    %swap3A_19 = arith.constant 128 : index
    %swap3A_20 = tpu.vector_load %arg7[%swap3A_19] {strides = array<i32>} : memref<1280xf32, #tpu.memory_space<vmem>>, vector<16xf32>,
    tpu.vector_store %arg7[%swap3A_19], %broadcast_in_dim3A_3 {strides = array<i32>} : memref<1280xf32, #tpu.memory_space<vmem>>, vector<16xf32>,
    %swap3A_21 = arith.constant 144 : index
    %swap3A_22 = tpu.vector_load %arg7[%swap3A_21] {strides = array<i32>} : memref<1280xf32, #tpu.memory_space<vmem>>, vector<16xf32>,
    tpu.vector_store %arg7[%swap3A_21], %broadcast_in_dim3A_3 {strides = array<i32>} : memref<1280xf32, #tpu.memory_space<vmem>>, vector<16xf32>,
    %swap3A_23 = arith.constant 160 : index
    %swap3A_24 = tpu.vector_load %arg7[%swap3A_23] {strides = array<i32>} : memref<1280xf32, #tpu.memory_space<vmem>>, vector<16xf32>,
    tpu.vector_store %arg7[%swap3A_23], %broadcast_in_dim3A_3 {strides = array<i32>} : memref<1280xf32, #tpu.memory_space<vmem>>, vector<16xf32>,
    %swap3A_25 = arith.constant 176 : index
    %swap3A_26 = tpu.vector_load %arg7[%swap3A_25] {strides = array<i32>} : memref<1280xf32, #tpu.memory_space<vmem>>, vector<16xf32>,
    tpu.vector_store %arg7[%swap3A_25], %broadcast_in_dim3A_3 {strides = array<i32>} : memref<1280xf32, #tpu.memory_space<vmem>>, vector<16xf32>,
    %swap3A_27 = arith.constant 192 : index
    %swap3A_28 = tpu.vector_load %arg7[%swap3A_27] {strides = array<i32>} : memref<1280xf32, #tpu.memory_space<vmem>>, vector<16xf32>,
    tpu.vector_store %arg7[%swap3A_27], %broadcast_in_dim3A_3 {strides = array<i32>} : memref<1280xf32, #tpu.memory_space<vmem>>, vector<16xf32>,
    %swap3A_29 = arith.constant 208 : index
    %swap3A_30 = tpu.vector_load %arg7[%swap3A_29] {strides = array<i32>} : memref<1280xf32, #tpu.memory_space<vmem>>, vector<16xf32>,
    tpu.vector_store %arg7[%swap3A_29], %broadcast_in_dim3A_3 {strides = array<i32>} : memref<1280xf32, #tpu.memory_space<vmem>>, vector<16xf32>,
    %swap3A_31 = arith.constant 224 : index
    %swap3A_32 = tpu.vector_load %arg7[%swap3A_31] {strides = array<i32>} : memref<1280xf32, #tpu.memory_space<vmem>>, vector<16xf32>,
    tpu.vector_store %arg7[%swap3A_31], %broadcast_in_dim3A_3 {strides = array<i32>} : memref<1280xf32, #tpu.memory_space<vmem>>, vector<16xf32>,
    %swap3A_33 = arith.constant 240 : index
    %swap3A_34 = tpu.vector_load %arg7[%swap3A_33] {strides = array<i32>} : memref<1280xf32, #tpu.memory_space<vmem>>, vector<16xf32>,
    tpu.vector_store %arg7[%swap3A_33], %broadcast_in_dim3A_3 {strides = array<i32>} : memref<1280xf32, #tpu.memory_space<vmem>>, vector<16xf32>,
    %swap3A_35 = arith.constant 256 : index
    %swap3A_36 = tpu.vector_load %arg7[%swap3A_35] {strides = array<i32>} : memref<1280xf32, #tpu.memory_space<vmem>>, vector<16xf32>,
    tpu.vector_store %arg7[%swap3A_35], %broadcast_in_dim3A_3 {strides = array<i32>} : memref<1280xf32, #tpu.memory_space<vmem>>, vector<16xf32>,
    %swap3A_37 = arith.constant 272 : index
    %swap3A_38 = tpu.vector_load %arg7[%swap3A_37] {strides = array<i32>} : memref<1280xf32, #tpu.memory_space<vmem>>, vector<16xf32>,
    tpu.vector_store %arg7[%swap3A_37], %broadcast_in_dim3A_3 {strides = array<i32>} : memref<1280xf32, #tpu.memory_space<vmem>>, vector<16xf32>,
    %swap3A_39 = arith.constant 288 : index
    %swap3A_40 = tpu.vector_load %arg7[%swap3A_39] {strides = array<i32>} : memref<1280xf32, #tpu.memory_space<vmem>>, vector<16xf32>,
    tpu.vector_store %arg7[%swap3A_39], %broadcast_in_dim3A_3 {strides = array<i32>} : memref<1280xf32, #tpu.memory_space<vmem>>, vector<16xf32>,
    %swap3A_41 = arith.constant 304 : index
    %swap3A_42 = tpu.vector_load %arg7[%swap3A_41] {strides = array<i32>} : memref<1280xf32, #tpu.memory_space<vmem>>, vector<16xf32>,
    tpu.vector_store %arg7[%swap3A_41], %broadcast_in_dim3A_3 {strides = array<i32>} : memref<1280xf32, #tpu.memory_space<vmem>>, vector<16xf32>,
    %swap3A_43 = arith.constant 320 : index
    %swap3A_44 = tpu.vector_load %arg7[%swap3A_43] {strides = array<i32>} : memref<1280xf32, #tpu.memory_space<vmem>>, vector<16xf32>,
    tpu.vector_store %arg7[%swap3A_43], %broadcast_in_dim3A_3 {strides = array<i32>} : memref<1280xf32, #tpu.memory_space<vmem>>, vector<16xf32>,
    %swap3A_45 = arith.constant 336 : index
    %swap3A_46 = tpu.vector_load %arg7[%swap3A_45] {strides = array<i32>} : memref<1280xf32, #tpu.memory_space<vmem>>, vector<16xf32>,
    tpu.vector_store %arg7[%swap3A_45], %broadcast_in_dim3A_3 {strides = array<i32>} : memref<1280xf32, #tpu.memory_space<vmem>>, vector<16xf32>,
    %swap3A_47 = arith.constant 352 : index
    %swap3A_48 = tpu.vector_load %arg7[%swap3A_47] {strides = array<i32>} : memref<1280xf32, #tpu.memory_space<vmem>>, vector<16xf32>,
    tpu.vector_store %arg7[%swap3A_47], %broadcast_in_dim3A_3 {strides = array<i32>} : memref<1280xf32, #tpu.memory_space<vmem>>, vector<16xf32>,
    %swap3A_49 = arith.constant 368 : index
    %swap3A_50 = tpu.vector_load %arg7[%swap3A_49] {strides = array<i32>} : memref<1280xf32, #tpu.memory_space<vmem>>, vector<16xf32>,
    tpu.vector_store %arg7[%swap3A_49], %broadcast_in_dim3A_3 {strides = array<i32>} : memref<1280xf32, #tpu.memory_space<vmem>>, vector<16xf32>,
    %swap3A_51 = arith.constant 384 : index
    %swap3A_52 = tpu.vector_load %arg7[%swap3A_51] {strides = array<i32>} : memref<1280xf32, #tpu.memory_space<vmem>>, vector<16xf32>,
    tpu.vector_store %arg7[%swap3A_51], %broadcast_in_dim3A_3 {strides = array<i32>} : memref<1280xf32, #tpu.memory_space<vmem>>, vector<16xf32>,
    %swap3A_53 = arith.constant 400 : index
    %swap3A_54 = tpu.vector_load %arg7[%swap3A_53] {strides = array<i32>} : memref<1280xf32, #tpu.memory_space<vmem>>, vector<16xf32>,
    tpu.vector_store %arg7[%swap3A_53], %broadcast_in_dim3A_3 {strides = array<i32>} : memref<1280xf32, #tpu.memory_space<vmem>>, vector<16xf32>,
    %swap3A_55 = arith.constant 416 : index
    %swap3A_56 = tpu.vector_load %arg7[%swap3A_55] {strides = array<i32>} : memref<1280xf32, #tpu.memory_space<vmem>>, vector<16xf32>,
    tpu.vector_store %arg7[%swap3A_55], %broadcast_in_dim3A_3 {strides = array<i32>} : memref<1280xf32, #tpu.memory_space<vmem>>, vector<16xf32>,
    %swap3A_57 = arith.constant 432 : index
    %swap3A_58 = tpu.vector_load %arg7[%swap3A_57] {strides = array<i32>} : memref<1280xf32, #tpu.memory_space<vmem>>, vector<16xf32>,
    tpu.vector_store %arg7[%swap3A_57], %broadcast_in_dim3A_3 {strides = array<i32>} : memref<1280xf32, #tpu.memory_space<vmem>>, vector<16xf32>,
    %swap3A_59 = arith.constant 448 : index
    %swap3A_60 = tpu.vector_load %arg7[%swap3A_59] {strides = array<i32>} : memref<1280xf32, #tpu.memory_space<vmem>>, vector<16xf32>,
    tpu.vector_store %arg7[%swap3A_59], %broadcast_in_dim3A_3 {strides = array<i32>} : memref<1280xf32, #tpu.memory_space<vmem>>, vector<16xf32>,
    %swap3A_61 = arith.constant 464 : index
    %swap3A_62 = tpu.vector_load %arg7[%swap3A_61] {strides = array<i32>} : memref<1280xf32, #tpu.memory_space<vmem>>, vector<16xf32>,
    tpu.vector_store %arg7[%swap3A_61], %broadcast_in_dim3A_3 {strides = array<i32>} : memref<1280xf32, #tpu.memory_space<vmem>>, vector<16xf32>,
    %swap3A_63 = arith.constant 480 : index
    %swap3A_64 = tpu.vector_load %arg7[%swap3A_63] {strides = array<i32>} : memref<1280xf32, #tpu.memory_space<vmem>>, vector<16xf32>,
    tpu.vector_store %arg7[%swap3A_63], %broadcast_in_dim3A_3 {strides = array<i32>} : memref<1280xf32, #tpu.memory_space<vmem>>, vector<16xf32>,
    %swap3A_65 = arith.constant 496 : index
    %swap3A_66 = tpu.vector_load %arg7[%swap3A_65] {strides = array<i32>} : memref<1280xf32, #tpu.memory_space<vmem>>, vector<16xf32>,
    tpu.vector_store %arg7[%swap3A_65], %broadcast_in_dim3A_3 {strides = array<i32>} : memref<1280xf32, #tpu.memory_space<vmem>>, vector<16xf32>,
    %swap3A_67 = arith.constant 512 : index
    %swap3A_68 = tpu.vector_load %arg7[%swap3A_67] {strides = array<i32>} : memref<1280xf32, #tpu.memory_space<vmem>>, vector<16xf32>,
    tpu.vector_store %arg7[%swap3A_67], %broadcast_in_dim3A_3 {strides = array<i32>} : memref<1280xf32, #tpu.memory_space<vmem>>, vector<16xf32>,
    %swap3A_69 = arith.constant 528 : index
    %swap3A_70 = tpu.vector_load %arg7[%swap3A_69] {strides = array<i32>} : memref<1280xf32, #tpu.memory_space<vmem>>, vector<16xf32>,
    tpu.vector_store %arg7[%swap3A_69], %broadcast_in_dim3A_3 {strides = array<i32>} : memref<1280xf32, #tpu.memory_space<vmem>>, vector<16xf32>,
    %swap3A_71 = arith.constant 544 : index
    %swap3A_72 = tpu.vector_load %arg7[%swap3A_71] {strides = array<i32>} : memref<1280xf32, #tpu.memory_space<vmem>>, vector<16xf32>,
    tpu.vector_store %arg7[%swap3A_71], %broadcast_in_dim3A_3 {strides = array<i32>} : memref<1280xf32, #tpu.memory_space<vmem>>, vector<16xf32>,
    %swap3A_73 = arith.constant 560 : index
    %swap3A_74 = tpu.vector_load %arg7[%swap3A_73] {strides = array<i32>} : memref<1280xf32, #tpu.memory_space<vmem>>, vector<16xf32>,
    tpu.vector_store %arg7[%swap3A_73], %broadcast_in_dim3A_3 {strides = array<i32>} : memref<1280xf32, #tpu.memory_space<vmem>>, vector<16xf32>,
    %swap3A_75 = arith.constant 576 : index
    %swap3A_76 = tpu.vector_load %arg7[%swap3A_75] {strides = array<i32>} : memref<1280xf32, #tpu.memory_space<vmem>>, vector<16xf32>,
    tpu.vector_store %arg7[%swap3A_75], %broadcast_in_dim3A_3 {strides = array<i32>} : memref<1280xf32, #tpu.memory_space<vmem>>, vector<16xf32>,
    %swap3A_77 = arith.constant 592 : index
    %swap3A_78 = tpu.vector_load %arg7[%swap3A_77] {strides = array<i32>} : memref<1280xf32, #tpu.memory_space<vmem>>, vector<16xf32>,
    tpu.vector_store %arg7[%swap3A_77], %broadcast_in_dim3A_3 {strides = array<i32>} : memref<1280xf32, #tpu.memory_space<vmem>>, vector<16xf32>,
    %swap3A_79 = arith.constant 608 : index
    %swap3A_80 = tpu.vector_load %arg7[%swap3A_79] {strides = array<i32>} : memref<1280xf32, #tpu.memory_space<vmem>>, vector<16xf32>,
    tpu.vector_store %arg7[%swap3A_79], %broadcast_in_dim3A_3 {strides = array<i32>} : memref<1280xf32, #tpu.memory_space<vmem>>, vector<16xf32>,
    %swap3A_81 = arith.constant 624 : index
    %swap3A_82 = tpu.vector_load %arg7[%swap3A_81] {strides = array<i32>} : memref<1280xf32, #tpu.memory_space<vmem>>, vector<16xf32>,
    tpu.vector_store %arg7[%swap3A_81], %broadcast_in_dim3A_3 {strides = array<i32>} : memref<1280xf32, #tpu.memory_space<vmem>>, vector<16xf32>,
    %swap3A_83 = arith.constant 640 : index
    %swap3A_84 = tpu.vector_load %arg7[%swap3A_83] {strides = array<i32>} : memref<1280xf32, #tpu.memory_space<vmem>>, vector<16xf32>,
    tpu.vector_store %arg7[%swap3A_83], %broadcast_in_dim3A_3 {strides = array<i32>} : memref<1280xf32, #tpu.memory_space<vmem>>, vector<16xf32>,
    %swap3A_85 = arith.constant 656 : index
    %swap3A_86 = tpu.vector_load %arg7[%swap3A_85] {strides = array<i32>} : memref<1280xf32, #tpu.memory_space<vmem>>, vector<16xf32>,
    tpu.vector_store %arg7[%swap3A_85], %broadcast_in_dim3A_3 {strides = array<i32>} : memref<1280xf32, #tpu.memory_space<vmem>>, vector<16xf32>,
    %swap3A_87 = arith.constant 672 : index
    %swap3A_88 = tpu.vector_load %arg7[%swap3A_87] {strides = array<i32>} : memref<1280xf32, #tpu.memory_space<vmem>>, vector<16xf32>,
    tpu.vector_store %arg7[%swap3A_87], %broadcast_in_dim3A_3 {strides = array<i32>} : memref<1280xf32, #tpu.memory_space<vmem>>, vector<16xf32>,
    %swap3A_89 = arith.constant 688 : index
    %swap3A_90 = tpu.vector_load %arg7[%swap3A_89] {strides = array<i32>} : memref<1280xf32, #tpu.memory_space<vmem>>, vector<16xf32>,
    tpu.vector_store %arg7[%swap3A_89], %broadcast_in_dim3A_3 {strides = array<i32>} : memref<1280xf32, #tpu.memory_space<vmem>>, vector<16xf32>,
    %swap3A_91 = arith.constant 704 : index
    %swap3A_92 = tpu.vector_load %arg7[%swap3A_91] {strides = array<i32>} : memref<1280xf32, #tpu.memory_space<vmem>>, vector<16xf32>,
    tpu.vector_store %arg7[%swap3A_91], %broadcast_in_dim3A_3 {strides = array<i32>} : memref<1280xf32, #tpu.memory_space<vmem>>, vector<16xf32>,
    %swap3A_93 = arith.constant 720 : index
    %swap3A_94 = tpu.vector_load %arg7[%swap3A_93] {strides = array<i32>} : memref<1280xf32, #tpu.memory_space<vmem>>, vector<16xf32>,
    tpu.vector_store %arg7[%swap3A_93], %broadcast_in_dim3A_3 {strides = array<i32>} : memref<1280xf32, #tpu.memory_space<vmem>>, vector<16xf32>,
    %swap3A_95 = arith.constant 736 : index
    %swap3A_96 = tpu.vector_load %arg7[%swap3A_95] {strides = array<i32>} : memref<1280xf32, #tpu.memory_space<vmem>>, vector<16xf32>,
    tpu.vector_store %arg7[%swap3A_95], %broadcast_in_dim3A_3 {strides = array<i32>} : memref<1280xf32, #tpu.memory_space<vmem>>, vector<16xf32>,
    %swap3A_97 = arith.constant 752 : index
    %swap3A_98 = tpu.vector_load %arg7[%swap3A_97] {strides = array<i32>} : memref<1280xf32, #tpu.memory_space<vmem>>, vector<16xf32>,
    tpu.vector_store %arg7[%swap3A_97], %broadcast_in_dim3A_3 {strides = array<i32>} : memref<1280xf32, #tpu.memory_space<vmem>>, vector<16xf32>,
    %swap3A_99 = arith.constant 768 : index
    %swap3A_100 = tpu.vector_load %arg7[%swap3A_99] {strides = array<i32>} : memref<1280xf32, #tpu.memory_space<vmem>>, vector<16xf32>,
    tpu.vector_store %arg7[%swap3A_99], %broadcast_in_dim3A_3 {strides = array<i32>} : memref<1280xf32, #tpu.memory_space<vmem>>, vector<16xf32>,
    %swap3A_101 = arith.constant 784 : index
    %swap3A_102 = tpu.vector_load %arg7[%swap3A_101] {strides = array<i32>} : memref<1280xf32, #tpu.memory_space<vmem>>, vector<16xf32>,
    tpu.vector_store %arg7[%swap3A_101], %broadcast_in_dim3A_3 {strides = array<i32>} : memref<1280xf32, #tpu.memory_space<vmem>>, vector<16xf32>,
    %swap3A_103 = arith.constant 800 : index
    %swap3A_104 = tpu.vector_load %arg7[%swap3A_103] {strides = array<i32>} : memref<1280xf32, #tpu.memory_space<vmem>>, vector<16xf32>,
    tpu.vector_store %arg7[%swap3A_103], %broadcast_in_dim3A_3 {strides = array<i32>} : memref<1280xf32, #tpu.memory_space<vmem>>, vector<16xf32>,
    %swap3A_105 = arith.constant 816 : index
    %swap3A_106 = tpu.vector_load %arg7[%swap3A_105] {strides = array<i32>} : memref<1280xf32, #tpu.memory_space<vmem>>, vector<16xf32>,
    tpu.vector_store %arg7[%swap3A_105], %broadcast_in_dim3A_3 {strides = array<i32>} : memref<1280xf32, #tpu.memory_space<vmem>>, vector<16xf32>,
    %swap3A_107 = arith.constant 832 : index
    %swap3A_108 = tpu.vector_load %arg7[%swap3A_107] {strides = array<i32>} : memref<1280xf32, #tpu.memory_space<vmem>>, vector<16xf32>,
    tpu.vector_store %arg7[%swap3A_107], %broadcast_in_dim3A_3 {strides = array<i32>} : memref<1280xf32, #tpu.memory_space<vmem>>, vector<16xf32>,
    %swap3A_109 = arith.constant 848 : index
    %swap3A_110 = tpu.vector_load %arg7[%swap3A_109] {strides = array<i32>} : memref<1280xf32, #tpu.memory_space<vmem>>, vector<16xf32>,
    tpu.vector_store %arg7[%swap3A_109], %broadcast_in_dim3A_3 {strides = array<i32>} : memref<1280xf32, #tpu.memory_space<vmem>>, vector<16xf32>,
    %swap3A_111 = arith.constant 864 : index
    %swap3A_112 = tpu.vector_load %arg7[%swap3A_111] {strides = array<i32>} : memref<1280xf32, #tpu.memory_space<vmem>>, vector<16xf32>,
    tpu.vector_store %arg7[%swap3A_111], %broadcast_in_dim3A_3 {strides = array<i32>} : memref<1280xf32, #tpu.memory_space<vmem>>, vector<16xf32>,
    %swap3A_113 = arith.constant 880 : index
    %swap3A_114 = tpu.vector_load %arg7[%swap3A_113] {strides = array<i32>} : memref<1280xf32, #tpu.memory_space<vmem>>, vector<16xf32>,
    tpu.vector_store %arg7[%swap3A_113], %broadcast_in_dim3A_3 {strides = array<i32>} : memref<1280xf32, #tpu.memory_space<vmem>>, vector<16xf32>,
    %swap3A_115 = arith.constant 896 : index
    %swap3A_116 = tpu.vector_load %arg7[%swap3A_115] {strides = array<i32>} : memref<1280xf32, #tpu.memory_space<vmem>>, vector<16xf32>,
    tpu.vector_store %arg7[%swap3A_115], %broadcast_in_dim3A_3 {strides = array<i32>} : memref<1280xf32, #tpu.memory_space<vmem>>, vector<16xf32>,
    %swap3A_117 = arith.constant 912 : index
    %swap3A_118 = tpu.vector_load %arg7[%swap3A_117] {strides = array<i32>} : memref<1280xf32, #tpu.memory_space<vmem>>, vector<16xf32>,
    tpu.vector_store %arg7[%swap3A_117], %broadcast_in_dim3A_3 {strides = array<i32>} : memref<1280xf32, #tpu.memory_space<vmem>>, vector<16xf32>,
    %swap3A_119 = arith.constant 928 : index
    %swap3A_120 = tpu.vector_load %arg7[%swap3A_119] {strides = array<i32>} : memref<1280xf32, #tpu.memory_space<vmem>>, vector<16xf32>,
    tpu.vector_store %arg7[%swap3A_119], %broadcast_in_dim3A_3 {strides = array<i32>} : memref<1280xf32, #tpu.memory_space<vmem>>, vector<16xf32>,
    %swap3A_121 = arith.constant 944 : index
    %swap3A_122 = tpu.vector_load %arg7[%swap3A_121] {strides = array<i32>} : memref<1280xf32, #tpu.memory_space<vmem>>, vector<16xf32>,
    tpu.vector_store %arg7[%swap3A_121], %broadcast_in_dim3A_3 {strides = array<i32>} : memref<1280xf32, #tpu.memory_space<vmem>>, vector<16xf32>,
    %swap3A_123 = arith.constant 960 : index
    %swap3A_124 = tpu.vector_load %arg7[%swap3A_123] {strides = array<i32>} : memref<1280xf32, #tpu.memory_space<vmem>>, vector<16xf32>,
    tpu.vector_store %arg7[%swap3A_123], %broadcast_in_dim3A_3 {strides = array<i32>} : memref<1280xf32, #tpu.memory_space<vmem>>, vector<16xf32>,
    %swap3A_125 = arith.constant 976 : index
    %swap3A_126 = tpu.vector_load %arg7[%swap3A_125] {strides = array<i32>} : memref<1280xf32, #tpu.memory_space<vmem>>, vector<16xf32>,
    tpu.vector_store %arg7[%swap3A_125], %broadcast_in_dim3A_3 {strides = array<i32>} : memref<1280xf32, #tpu.memory_space<vmem>>, vector<16xf32>,
    %swap3A_127 = arith.constant 992 : index
    %swap3A_128 = tpu.vector_load %arg7[%swap3A_127] {strides = array<i32>} : memref<1280xf32, #tpu.memory_space<vmem>>, vector<16xf32>,
    tpu.vector_store %arg7[%swap3A_127], %broadcast_in_dim3A_3 {strides = array<i32>} : memref<1280xf32, #tpu.memory_space<vmem>>, vector<16xf32>,
    %swap3A_129 = arith.constant 1008 : index
    %swap3A_130 = tpu.vector_load %arg7[%swap3A_129] {strides = array<i32>} : memref<1280xf32, #tpu.memory_space<vmem>>, vector<16xf32>,
    tpu.vector_store %arg7[%swap3A_129], %broadcast_in_dim3A_3 {strides = array<i32>} : memref<1280xf32, #tpu.memory_space<vmem>>, vector<16xf32>,
    %swap3A_131 = arith.constant 1024 : index
    %swap3A_132 = tpu.vector_load %arg7[%swap3A_131] {strides = array<i32>} : memref<1280xf32, #tpu.memory_space<vmem>>, vector<16xf32>,
    tpu.vector_store %arg7[%swap3A_131], %broadcast_in_dim3A_3 {strides = array<i32>} : memref<1280xf32, #tpu.memory_space<vmem>>, vector<16xf32>,
    %swap3A_133 = arith.constant 1040 : index
    %swap3A_134 = tpu.vector_load %arg7[%swap3A_133] {strides = array<i32>} : memref<1280xf32, #tpu.memory_space<vmem>>, vector<16xf32>,
    tpu.vector_store %arg7[%swap3A_133], %broadcast_in_dim3A_3 {strides = array<i32>} : memref<1280xf32, #tpu.memory_space<vmem>>, vector<16xf32>,
    %swap3A_135 = arith.constant 1056 : index
    %swap3A_136 = tpu.vector_load %arg7[%swap3A_135] {strides = array<i32>} : memref<1280xf32, #tpu.memory_space<vmem>>, vector<16xf32>,
    tpu.vector_store %arg7[%swap3A_135], %broadcast_in_dim3A_3 {strides = array<i32>} : memref<1280xf32, #tpu.memory_space<vmem>>, vector<16xf32>,
    %swap3A_137 = arith.constant 1072 : index
    %swap3A_138 = tpu.vector_load %arg7[%swap3A_137] {strides = array<i32>} : memref<1280xf32, #tpu.memory_space<vmem>>, vector<16xf32>,
    tpu.vector_store %arg7[%swap3A_137], %broadcast_in_dim3A_3 {strides = array<i32>} : memref<1280xf32, #tpu.memory_space<vmem>>, vector<16xf32>,
    %swap3A_139 = arith.constant 1088 : index
    %swap3A_140 = tpu.vector_load %arg7[%swap3A_139] {strides = array<i32>} : memref<1280xf32, #tpu.memory_space<vmem>>, vector<16xf32>,
    tpu.vector_store %arg7[%swap3A_139], %broadcast_in_dim3A_3 {strides = array<i32>} : memref<1280xf32, #tpu.memory_space<vmem>>, vector<16xf32>,
    %swap3A_141 = arith.constant 1104 : index
    %swap3A_142 = tpu.vector_load %arg7[%swap3A_141] {strides = array<i32>} : memref<1280xf32, #tpu.memory_space<vmem>>, vector<16xf32>,
    tpu.vector_store %arg7[%swap3A_141], %broadcast_in_dim3A_3 {strides = array<i32>} : memref<1280xf32, #tpu.memory_space<vmem>>, vector<16xf32>,
    %swap3A_143 = arith.constant 1120 : index
    %swap3A_144 = tpu.vector_load %arg7[%swap3A_143] {strides = array<i32>} : memref<1280xf32, #tpu.memory_space<vmem>>, vector<16xf32>,
    tpu.vector_store %arg7[%swap3A_143], %broadcast_in_dim3A_3 {strides = array<i32>} : memref<1280xf32, #tpu.memory_space<vmem>>, vector<16xf32>,
    %swap3A_145 = arith.constant 1136 : index
    %swap3A_146 = tpu.vector_load %arg7[%swap3A_145] {strides = array<i32>} : memref<1280xf32, #tpu.memory_space<vmem>>, vector<16xf32>,
    tpu.vector_store %arg7[%swap3A_145], %broadcast_in_dim3A_3 {strides = array<i32>} : memref<1280xf32, #tpu.memory_space<vmem>>, vector<16xf32>,
    %swap3A_147 = arith.constant 1152 : index
    %swap3A_148 = tpu.vector_load %arg7[%swap3A_147] {strides = array<i32>} : memref<1280xf32, #tpu.memory_space<vmem>>, vector<16xf32>,
    tpu.vector_store %arg7[%swap3A_147], %broadcast_in_dim3A_3 {strides = array<i32>} : memref<1280xf32, #tpu.memory_space<vmem>>, vector<16xf32>,
    %swap3A_149 = arith.constant 1168 : index
    %swap3A_150 = tpu.vector_load %arg7[%swap3A_149] {strides = array<i32>} : memref<1280xf32, #tpu.memory_space<vmem>>, vector<16xf32>,
    tpu.vector_store %arg7[%swap3A_149], %broadcast_in_dim3A_3 {strides = array<i32>} : memref<1280xf32, #tpu.memory_space<vmem>>, vector<16xf32>,
    %swap3A_151 = arith.constant 1184 : index
    %swap3A_152 = tpu.vector_load %arg7[%swap3A_151] {strides = array<i32>} : memref<1280xf32, #tpu.memory_space<vmem>>, vector<16xf32>,
    tpu.vector_store %arg7[%swap3A_151], %broadcast_in_dim3A_3 {strides = array<i32>} : memref<1280xf32, #tpu.memory_space<vmem>>, vector<16xf32>,
    %swap3A_153 = arith.constant 1200 : index
    %swap3A_154 = tpu.vector_load %arg7[%swap3A_153] {strides = array<i32>} : memref<1280xf32, #tpu.memory_space<vmem>>, vector<16xf32>,
    tpu.vector_store %arg7[%swap3A_153], %broadcast_in_dim3A_3 {strides = array<i32>} : memref<1280xf32, #tpu.memory_space<vmem>>, vector<16xf32>,
    %swap3A_155 = arith.constant 1216 : index
    %swap3A_156 = tpu.vector_load %arg7[%swap3A_155] {strides = array<i32>} : memref<1280xf32, #tpu.memory_space<vmem>>, vector<16xf32>,
    tpu.vector_store %arg7[%swap3A_155], %broadcast_in_dim3A_3 {strides = array<i32>} : memref<1280xf32, #tpu.memory_space<vmem>>, vector<16xf32>,
    %swap3A_157 = arith.constant 1232 : index
    %swap3A_158 = tpu.vector_load %arg7[%swap3A_157] {strides = array<i32>} : memref<1280xf32, #tpu.memory_space<vmem>>, vector<16xf32>,
    tpu.vector_store %arg7[%swap3A_157], %broadcast_in_dim3A_3 {strides = array<i32>} : memref<1280xf32, #tpu.memory_space<vmem>>, vector<16xf32>,
    %swap3A_159 = arith.constant 1248 : index
    %swap3A_160 = tpu.vector_load %arg7[%swap3A_159] {strides = array<i32>} : memref<1280xf32, #tpu.memory_space<vmem>>, vector<16xf32>,
    tpu.vector_store %arg7[%swap3A_159], %broadcast_in_dim3A_3 {strides = array<i32>} : memref<1280xf32, #tpu.memory_space<vmem>>, vector<16xf32>,
    %swap3A_161 = arith.constant 1264 : index
    %swap3A_162 = tpu.vector_load %arg7[%swap3A_161] {strides = array<i32>} : memref<1280xf32, #tpu.memory_space<vmem>>, vector<16xf32>,
    tpu.vector_store %arg7[%swap3A_161], %broadcast_in_dim3A_3 {strides = array<i32>} : memref<1280xf32, #tpu.memory_space<vmem>>, vector<16xf32>,
    %broadcast_in_dim3A_163 = arith.constant 1.000000e+00 : f32
    %broadcast_in_dim3A_164 = vector.broadcast %broadcast_in_dim3A_163 : f32 to vector<16xf32>
    %add3A_165 = arith.constant 0 : i32
    %add3A_166 = arith.addi %mul3A_2, %add3A_165 : i32
    %dma_start3A = arith.constant 0 : i32
    %dma_start3A_167 = arith.constant 0 : i32
    %dma_start3A_168 = arith.constant 0 : i32
    %dma_start3A_169 = arith.constant 0 : i32
    %dma_start3A_170 = tpu.memref_slice %arg5[%dma_start3A_167, %dma_start3A_168, %dma_start3A_169] : memref<2x32x512xf32, #tpu.memory_space<vmem>> -> memref<1x32x512xf32, #tpu.memory_space<vmem>>
    %dma_start3A_171 = tpu.memref_squeeze %dma_start3A_170 : memref<1x32x512xf32, #tpu.memory_space<vmem>> -> memref<32x512xf32, #tpu.memory_space<vmem>>
    %dma_start3A_172 = arith.constant 0 : i32
    %dma_start3A_173 = tpu.memref_slice %arg2[%arg1, %dma_start3A, %add3A_166, %dma_start3A_172] : memref<16x1x512x512xf32, #tpu.memory_space<hbm>> -> memref<1x1x32x512xf32, #tpu.memory_space<hbm>>
    %dma_start3A_174 = tpu.memref_squeeze %dma_start3A_173 : memref<1x1x32x512xf32, #tpu.memory_space<hbm>> -> memref<32x512xf32, #tpu.memory_space<hbm>>
    %dma_start3A_175 = arith.constant 0 : i32
    %dma_start3A_176 = arith.constant 0 : i32
    %dma_start3A_177 = tpu.memref_slice %arg5[%dma_start3A_167, %dma_start3A_175, %dma_start3A_176] : memref<2x32x512xf32, #tpu.memory_space<vmem>> -> memref<1x32x512xf32, #tpu.memory_space<vmem>>
    %dma_start3A_178 = tpu.memref_squeeze %dma_start3A_177 : memref<1x32x512xf32, #tpu.memory_space<vmem>> -> memref<32x512xf32, #tpu.memory_space<vmem>>
    %dma_start3A_179 = arith.constant 0 : i32
    %dma_start3A_180 = tpu.memref_slice %arg2[%arg1, %dma_start3A, %add3A_166, %dma_start3A_179] : memref<16x1x512x512xf32, #tpu.memory_space<hbm>> -> memref<1x1x32x512xf32, #tpu.memory_space<hbm>>
    %dma_start3A_181 = tpu.memref_squeeze %dma_start3A_180 : memref<1x1x32x512xf32, #tpu.memory_space<hbm>> -> memref<32x512xf32, #tpu.memory_space<hbm>>
    tpu.enqueue_dma source(%dma_start3A_181 : memref<32x512xf32, #tpu.memory_space<hbm>>) target(%dma_start3A_178 : memref<32x512xf32, #tpu.memory_space<vmem>>) target_semaphore(%arg8 : memref<!tpu.dma_semaphore, #tpu.memory_space<semaphore_mem>>)
    %dma_start3A_182 = arith.constant 0 : i32
    %dma_start3A_183 = arith.constant 0 : i32
    %dma_start3A_184 = arith.constant 0 : i32
    %dma_start3A_185 = arith.constant 0 : i32
    %dma_start3A_186 = tpu.memref_slice %arg6[%dma_start3A_183, %dma_start3A_184, %dma_start3A_185] : memref<2x32x512xi32, #tpu.memory_space<vmem>> -> memref<1x32x512xi32, #tpu.memory_space<vmem>>
    %dma_start3A_187 = tpu.memref_squeeze %dma_start3A_186 : memref<1x32x512xi32, #tpu.memory_space<vmem>> -> memref<32x512xi32, #tpu.memory_space<vmem>>
    %dma_start3A_188 = arith.constant 0 : i32
    %dma_start3A_189 = tpu.memref_slice %arg3[%arg1, %dma_start3A_182, %add3A_166, %dma_start3A_188] : memref<16x1x512x512xi32, #tpu.memory_space<hbm>> -> memref<1x1x32x512xi32, #tpu.memory_space<hbm>>
    %dma_start3A_190 = tpu.memref_squeeze %dma_start3A_189 : memref<1x1x32x512xi32, #tpu.memory_space<hbm>> -> memref<32x512xi32, #tpu.memory_space<hbm>>
    %dma_start3A_191 = arith.constant 0 : i32
    %dma_start3A_192 = arith.constant 0 : i32
    %dma_start3A_193 = tpu.memref_slice %arg6[%dma_start3A_183, %dma_start3A_191, %dma_start3A_192] : memref<2x32x512xi32, #tpu.memory_space<vmem>> -> memref<1x32x512xi32, #tpu.memory_space<vmem>>
    %dma_start3A_194 = tpu.memref_squeeze %dma_start3A_193 : memref<1x32x512xi32, #tpu.memory_space<vmem>> -> memref<32x512xi32, #tpu.memory_space<vmem>>
    %dma_start3A_195 = arith.constant 0 : i32
    %dma_start3A_196 = tpu.memref_slice %arg3[%arg1, %dma_start3A_182, %add3A_166, %dma_start3A_195] : memref<16x1x512x512xi32, #tpu.memory_space<hbm>> -> memref<1x1x32x512xi32, #tpu.memory_space<hbm>>
    %dma_start3A_197 = tpu.memref_squeeze %dma_start3A_196 : memref<1x1x32x512xi32, #tpu.memory_space<hbm>> -> memref<32x512xi32, #tpu.memory_space<hbm>>
    tpu.enqueue_dma source(%dma_start3A_197 : memref<32x512xi32, #tpu.memory_space<hbm>>) target(%dma_start3A_194 : memref<32x512xi32, #tpu.memory_space<vmem>>) target_semaphore(%arg10 : memref<!tpu.dma_semaphore, #tpu.memory_space<semaphore_mem>>)
    %add3A_198 = arith.constant 32 : i32
    %add3A_199 = arith.addi %mul3A_2, %add3A_198 : i32
    %dma_start3A_200 = arith.constant 0 : i32
    %dma_start3A_201 = arith.constant 1 : i32
    %dma_start3A_202 = arith.constant 0 : i32
    %dma_start3A_203 = arith.constant 0 : i32
    %dma_start3A_204 = tpu.memref_slice %arg5[%dma_start3A_201, %dma_start3A_202, %dma_start3A_203] : memref<2x32x512xf32, #tpu.memory_space<vmem>> -> memref<1x32x512xf32, #tpu.memory_space<vmem>>
    %dma_start3A_205 = tpu.memref_squeeze %dma_start3A_204 : memref<1x32x512xf32, #tpu.memory_space<vmem>> -> memref<32x512xf32, #tpu.memory_space<vmem>>
    %dma_start3A_206 = arith.constant 0 : i32
    %dma_start3A_207 = tpu.memref_slice %arg2[%arg1, %dma_start3A_200, %add3A_199, %dma_start3A_206] : memref<16x1x512x512xf32, #tpu.memory_space<hbm>> -> memref<1x1x32x512xf32, #tpu.memory_space<hbm>>
    %dma_start3A_208 = tpu.memref_squeeze %dma_start3A_207 : memref<1x1x32x512xf32, #tpu.memory_space<hbm>> -> memref<32x512xf32, #tpu.memory_space<hbm>>
    %dma_start3A_209 = arith.constant 0 : i32
    %dma_start3A_210 = arith.constant 0 : i32
    %dma_start3A_211 = tpu.memref_slice %arg5[%dma_start3A_201, %dma_start3A_209, %dma_start3A_210] : memref<2x32x512xf32, #tpu.memory_space<vmem>> -> memref<1x32x512xf32, #tpu.memory_space<vmem>>
    %dma_start3A_212 = tpu.memref_squeeze %dma_start3A_211 : memref<1x32x512xf32, #tpu.memory_space<vmem>> -> memref<32x512xf32, #tpu.memory_space<vmem>>
    %dma_start3A_213 = arith.constant 0 : i32
    %dma_start3A_214 = tpu.memref_slice %arg2[%arg1, %dma_start3A_200, %add3A_199, %dma_start3A_213] : memref<16x1x512x512xf32, #tpu.memory_space<hbm>> -> memref<1x1x32x512xf32, #tpu.memory_space<hbm>>
    %dma_start3A_215 = tpu.memref_squeeze %dma_start3A_214 : memref<1x1x32x512xf32, #tpu.memory_space<hbm>> -> memref<32x512xf32, #tpu.memory_space<hbm>>
    tpu.enqueue_dma source(%dma_start3A_215 : memref<32x512xf32, #tpu.memory_space<hbm>>) target(%dma_start3A_212 : memref<32x512xf32, #tpu.memory_space<vmem>>) target_semaphore(%arg9 : memref<!tpu.dma_semaphore, #tpu.memory_space<semaphore_mem>>)
    %dma_start3A_216 = arith.constant 0 : i32
    %dma_start3A_217 = arith.constant 1 : i32
    %dma_start3A_218 = arith.constant 0 : i32
    %dma_start3A_219 = arith.constant 0 : i32
    %dma_start3A_220 = tpu.memref_slice %arg6[%dma_start3A_217, %dma_start3A_218, %dma_start3A_219] : memref<2x32x512xi32, #tpu.memory_space<vmem>> -> memref<1x32x512xi32, #tpu.memory_space<vmem>>
    %dma_start3A_221 = tpu.memref_squeeze %dma_start3A_220 : memref<1x32x512xi32, #tpu.memory_space<vmem>> -> memref<32x512xi32, #tpu.memory_space<vmem>>
    %dma_start3A_222 = arith.constant 0 : i32
    %dma_start3A_223 = tpu.memref_slice %arg3[%arg1, %dma_start3A_216, %add3A_199, %dma_start3A_222] : memref<16x1x512x512xi32, #tpu.memory_space<hbm>> -> memref<1x1x32x512xi32, #tpu.memory_space<hbm>>
    %dma_start3A_224 = tpu.memref_squeeze %dma_start3A_223 : memref<1x1x32x512xi32, #tpu.memory_space<hbm>> -> memref<32x512xi32, #tpu.memory_space<hbm>>
    %dma_start3A_225 = arith.constant 0 : i32
    %dma_start3A_226 = arith.constant 0 : i32
    %dma_start3A_227 = tpu.memref_slice %arg6[%dma_start3A_217, %dma_start3A_225, %dma_start3A_226] : memref<2x32x512xi32, #tpu.memory_space<vmem>> -> memref<1x32x512xi32, #tpu.memory_space<vmem>>
    %dma_start3A_228 = tpu.memref_squeeze %dma_start3A_227 : memref<1x32x512xi32, #tpu.memory_space<vmem>> -> memref<32x512xi32, #tpu.memory_space<vmem>>
    %dma_start3A_229 = arith.constant 0 : i32
    %dma_start3A_230 = tpu.memref_slice %arg3[%arg1, %dma_start3A_216, %add3A_199, %dma_start3A_229] : memref<16x1x512x512xi32, #tpu.memory_space<hbm>> -> memref<1x1x32x512xi32, #tpu.memory_space<hbm>>
    %dma_start3A_231 = tpu.memref_squeeze %dma_start3A_230 : memref<1x1x32x512xi32, #tpu.memory_space<hbm>> -> memref<32x512xi32, #tpu.memory_space<hbm>>
    tpu.enqueue_dma source(%dma_start3A_231 : memref<32x512xi32, #tpu.memory_space<hbm>>) target(%dma_start3A_228 : memref<32x512xi32, #tpu.memory_space<vmem>>) target_semaphore(%arg11 : memref<!tpu.dma_semaphore, #tpu.memory_space<semaphore_mem>>)
    %dma_wait3A = arith.constant 0 : i32
    %dma_wait3A_232 = arith.constant 0 : i32
    %dma_wait3A_233 = arith.constant 0 : i32
    %dma_wait3A_234 = arith.constant 0 : i32
    %dma_wait3A_235 = tpu.memref_slice %arg5[%dma_wait3A_232, %dma_wait3A_233, %dma_wait3A_234] : memref<2x32x512xf32, #tpu.memory_space<vmem>> -> memref<1x32x512xf32, #tpu.memory_space<vmem>>
    %dma_wait3A_236 = tpu.memref_squeeze %dma_wait3A_235 : memref<1x32x512xf32, #tpu.memory_space<vmem>> -> memref<32x512xf32, #tpu.memory_space<vmem>>
    %dma_wait3A_237 = arith.constant 0 : i32
    %dma_wait3A_238 = tpu.memref_slice %arg2[%arg1, %dma_wait3A, %add3A_166, %dma_wait3A_237] : memref<16x1x512x512xf32, #tpu.memory_space<hbm>> -> memref<1x1x32x512xf32, #tpu.memory_space<hbm>>
    %dma_wait3A_239 = tpu.memref_squeeze %dma_wait3A_238 : memref<1x1x32x512xf32, #tpu.memory_space<hbm>> -> memref<32x512xf32, #tpu.memory_space<hbm>>
    %dma_wait3A_240 = arith.constant 0 : i32
    %dma_wait3A_241 = arith.constant 0 : i32
    %dma_wait3A_242 = tpu.memref_slice %arg5[%dma_wait3A_232, %dma_wait3A_240, %dma_wait3A_241] : memref<2x32x512xf32, #tpu.memory_space<vmem>> -> memref<1x32x512xf32, #tpu.memory_space<vmem>>
    %dma_wait3A_243 = tpu.memref_squeeze %dma_wait3A_242 : memref<1x32x512xf32, #tpu.memory_space<vmem>> -> memref<32x512xf32, #tpu.memory_space<vmem>>
    %dma_wait3A_244 = arith.constant 0 : i32
    %dma_wait3A_245 = tpu.memref_slice %arg2[%arg1, %dma_wait3A, %add3A_166, %dma_wait3A_244] : memref<16x1x512x512xf32, #tpu.memory_space<hbm>> -> memref<1x1x32x512xf32, #tpu.memory_space<hbm>>
    %dma_wait3A_246 = tpu.memref_squeeze %dma_wait3A_245 : memref<1x1x32x512xf32, #tpu.memory_space<hbm>> -> memref<32x512xf32, #tpu.memory_space<hbm>>
    tpu.wait_dma2 semaphore(%arg8 : memref<!tpu.dma_semaphore, #tpu.memory_space<semaphore_mem>>) src(%dma_wait3A_246 : memref<32x512xf32, #tpu.memory_space<hbm>>) dst(%dma_wait3A_243 : memref<32x512xf32, #tpu.memory_space<vmem>>)
    %dma_wait3A_247 = arith.constant 0 : i32
    %dma_wait3A_248 = arith.constant 0 : i32
    %dma_wait3A_249 = arith.constant 0 : i32
    %dma_wait3A_250 = arith.constant 0 : i32
    %dma_wait3A_251 = tpu.memref_slice %arg6[%dma_wait3A_248, %dma_wait3A_249, %dma_wait3A_250] : memref<2x32x512xi32, #tpu.memory_space<vmem>> -> memref<1x32x512xi32, #tpu.memory_space<vmem>>
    %dma_wait3A_252 = tpu.memref_squeeze %dma_wait3A_251 : memref<1x32x512xi32, #tpu.memory_space<vmem>> -> memref<32x512xi32, #tpu.memory_space<vmem>>
    %dma_wait3A_253 = arith.constant 0 : i32
    %dma_wait3A_254 = tpu.memref_slice %arg3[%arg1, %dma_wait3A_247, %add3A_166, %dma_wait3A_253] : memref<16x1x512x512xi32, #tpu.memory_space<hbm>> -> memref<1x1x32x512xi32, #tpu.memory_space<hbm>>
    %dma_wait3A_255 = tpu.memref_squeeze %dma_wait3A_254 : memref<1x1x32x512xi32, #tpu.memory_space<hbm>> -> memref<32x512xi32, #tpu.memory_space<hbm>>
    %dma_wait3A_256 = arith.constant 0 : i32
    %dma_wait3A_257 = arith.constant 0 : i32
    %dma_wait3A_258 = tpu.memref_slice %arg6[%dma_wait3A_248, %dma_wait3A_256, %dma_wait3A_257] : memref<2x32x512xi32, #tpu.memory_space<vmem>> -> memref<1x32x512xi32, #tpu.memory_space<vmem>>
    %dma_wait3A_259 = tpu.memref_squeeze %dma_wait3A_258 : memref<1x32x512xi32, #tpu.memory_space<vmem>> -> memref<32x512xi32, #tpu.memory_space<vmem>>
    %dma_wait3A_260 = arith.constant 0 : i32
    %dma_wait3A_261 = tpu.memref_slice %arg3[%arg1, %dma_wait3A_247, %add3A_166, %dma_wait3A_260] : memref<16x1x512x512xi32, #tpu.memory_space<hbm>> -> memref<1x1x32x512xi32, #tpu.memory_space<hbm>>
    %dma_wait3A_262 = tpu.memref_squeeze %dma_wait3A_261 : memref<1x1x32x512xi32, #tpu.memory_space<hbm>> -> memref<32x512xi32, #tpu.memory_space<hbm>>
    tpu.wait_dma2 semaphore(%arg10 : memref<!tpu.dma_semaphore, #tpu.memory_space<semaphore_mem>>) src(%dma_wait3A_262 : memref<32x512xi32, #tpu.memory_space<hbm>>) dst(%dma_wait3A_259 : memref<32x512xi32, #tpu.memory_space<vmem>>)
    %parallel_loop3A = arith.constant 0 : i32
    %parallel_loop3A_263 = arith.constant 1024 : i32
    %parallel_loop3A_264 = arith.constant 1 : i32
    scf.for %parallel_loop3A_714 = %parallel_loop3A to %parallel_loop3A_263 step %parallel_loop3A_264  : i32 {
      %parallel_loop3A_715 = arith.constant 5 : i32
      %parallel_loop3A_716 = arith.shrsi %parallel_loop3A_714, %parallel_loop3A_715 : i32
      %parallel_loop3A_717 = arith.constant 31 : i32
      %parallel_loop3A_718 = arith.andi %parallel_loop3A_714, %parallel_loop3A_717 : i32
      %parallel_loop3A_719 = arith.constant 16 : i32
      %parallel_loop3A_720 = arith.muli %parallel_loop3A_718, %parallel_loop3A_719 : i32
      %parallel_loop3A_721 = arith.constant 0 : i32
      %parallel_loop3A_722 = arith.index_cast %parallel_loop3A_721 : i32 to index
      %parallel_loop3A_723 = arith.index_cast %parallel_loop3A_716 : i32 to index
      %parallel_loop3A_724 = arith.index_cast %parallel_loop3A_720 : i32 to index
      %parallel_loop3A_725 = tpu.vector_load %arg5[%parallel_loop3A_722, %parallel_loop3A_723, %parallel_loop3A_724] {strides = array<i32>} : memref<2x32x512xf32, #tpu.memory_space<vmem>>, vector<16xf32>,
      %parallel_loop3A_726 = arith.constant 0 : i32
      %parallel_loop3A_727 = arith.index_cast %parallel_loop3A_726 : i32 to index
      %parallel_loop3A_728 = arith.index_cast %parallel_loop3A_716 : i32 to index
      %parallel_loop3A_729 = arith.index_cast %parallel_loop3A_720 : i32 to index
      %parallel_loop3A_730 = tpu.vector_load %arg6[%parallel_loop3A_727, %parallel_loop3A_728, %parallel_loop3A_729] {strides = array<i32>} : memref<2x32x512xi32, #tpu.memory_space<vmem>>, vector<16xi32>,
      %parallel_loop3A_731 = arith.constant 0 : i32
      %parallel_loop3A_732 = vector.broadcast %parallel_loop3A_731 : i32 to vector<16xi32>
      %parallel_loop3A_733 = arith.cmpi sgt, %parallel_loop3A_730, %parallel_loop3A_732 : vector<16xi32>
      %parallel_loop3A_734 = arith.constant 1.000000e+00 : f32
      %parallel_loop3A_735 = arith.constant -1.000000e+00 : f32
      %parallel_loop3A_736 = vector.broadcast %parallel_loop3A_734 : f32 to vector<16xf32>
      %parallel_loop3A_737 = vector.broadcast %parallel_loop3A_735 : f32 to vector<16xf32>
      %parallel_loop3A_738 = arith.select %parallel_loop3A_733, %parallel_loop3A_736, %parallel_loop3A_737 : vector<16xi1>, vector<16xf32>
      %parallel_loop3A_739 = arith.mulf %parallel_loop3A_725, %parallel_loop3A_738 : vector<16xf32>
      %parallel_loop3A_740 = arith.constant 1.000000e+00 : f32
      %parallel_loop3A_741 = vector.broadcast %parallel_loop3A_740 : f32 to vector<16xf32>
      %parallel_loop3A_742 = arith.subf %parallel_loop3A_741, %parallel_loop3A_739 : vector<16xf32>
      %parallel_loop3A_743 = arith.constant 6.400000e+01 : f32
      %parallel_loop3A_744 = vector.broadcast %parallel_loop3A_743 : f32 to vector<16xf32>
      %parallel_loop3A_745 = arith.mulf %parallel_loop3A_742, %parallel_loop3A_744 : vector<16xf32>
      %parallel_loop3A_746 = arith.constant 1.000000e+00 : f32
      %parallel_loop3A_747 = vector.broadcast %parallel_loop3A_746 : f32 to vector<16xf32>
      %parallel_loop3A_748 = arith.addf %parallel_loop3A_745, %parallel_loop3A_747 : vector<16xf32>
      %parallel_loop3A_749 = arith.constant 0.000000e+00 : f32
      %parallel_loop3A_750 = vector.broadcast %parallel_loop3A_749 : f32 to vector<16xf32>
      %parallel_loop3A_751 = arith.maximumf %parallel_loop3A_748, %parallel_loop3A_750 : vector<16xf32>
      %parallel_loop3A_752 = arith.constant 5.120000e+02 : f32
      %parallel_loop3A_753 = vector.broadcast %parallel_loop3A_752 : f32 to vector<16xf32>
      %parallel_loop3A_754 = arith.minimumf %parallel_loop3A_751, %parallel_loop3A_753 : vector<16xf32>
      %parallel_loop3A_755 = arith.fptosi %parallel_loop3A_754 : vector<16xf32> to vector<16xi32>
      %parallel_loop3A_756 = arith.constant 640 : i32
      %parallel_loop3A_757 = vector.broadcast %parallel_loop3A_756 : i32 to vector<16xi32>
      %parallel_loop3A_758 = arith.muli %parallel_loop3A_730, %parallel_loop3A_757 : vector<16xi32>
      %parallel_loop3A_759 = arith.addi %parallel_loop3A_755, %parallel_loop3A_758 : vector<16xi32>
      tpu.vector_store_idx %arg7[%parallel_loop3A_759], %broadcast_in_dim3A_164 {add = true} : memref<1280xf32, #tpu.memory_space<vmem>>[vector<16xi32>], vector<16xf32>,
    } {sc.loop_unroll_factor = 8 : i64, sc.parallel_access}
    %add3A_265 = arith.constant 64 : i32
    %add3A_266 = arith.addi %mul3A_2, %add3A_265 : i32
    %dma_start3A_267 = arith.constant 0 : i32
    %dma_start3A_268 = arith.constant 0 : i32
    %dma_start3A_269 = arith.constant 0 : i32
    %dma_start3A_270 = arith.constant 0 : i32
    %dma_start3A_271 = tpu.memref_slice %arg5[%dma_start3A_268, %dma_start3A_269, %dma_start3A_270] : memref<2x32x512xf32, #tpu.memory_space<vmem>> -> memref<1x32x512xf32, #tpu.memory_space<vmem>>
    %dma_start3A_272 = tpu.memref_squeeze %dma_start3A_271 : memref<1x32x512xf32, #tpu.memory_space<vmem>> -> memref<32x512xf32, #tpu.memory_space<vmem>>
    %dma_start3A_273 = arith.constant 0 : i32
    %dma_start3A_274 = tpu.memref_slice %arg2[%arg1, %dma_start3A_267, %add3A_266, %dma_start3A_273] : memref<16x1x512x512xf32, #tpu.memory_space<hbm>> -> memref<1x1x32x512xf32, #tpu.memory_space<hbm>>
    %dma_start3A_275 = tpu.memref_squeeze %dma_start3A_274 : memref<1x1x32x512xf32, #tpu.memory_space<hbm>> -> memref<32x512xf32, #tpu.memory_space<hbm>>
    %dma_start3A_276 = arith.constant 0 : i32
    %dma_start3A_277 = arith.constant 0 : i32
    %dma_start3A_278 = tpu.memref_slice %arg5[%dma_start3A_268, %dma_start3A_276, %dma_start3A_277] : memref<2x32x512xf32, #tpu.memory_space<vmem>> -> memref<1x32x512xf32, #tpu.memory_space<vmem>>
    %dma_start3A_279 = tpu.memref_squeeze %dma_start3A_278 : memref<1x32x512xf32, #tpu.memory_space<vmem>> -> memref<32x512xf32, #tpu.memory_space<vmem>>
    %dma_start3A_280 = arith.constant 0 : i32
    %dma_start3A_281 = tpu.memref_slice %arg2[%arg1, %dma_start3A_267, %add3A_266, %dma_start3A_280] : memref<16x1x512x512xf32, #tpu.memory_space<hbm>> -> memref<1x1x32x512xf32, #tpu.memory_space<hbm>>
    %dma_start3A_282 = tpu.memref_squeeze %dma_start3A_281 : memref<1x1x32x512xf32, #tpu.memory_space<hbm>> -> memref<32x512xf32, #tpu.memory_space<hbm>>
    tpu.enqueue_dma source(%dma_start3A_282 : memref<32x512xf32, #tpu.memory_space<hbm>>) target(%dma_start3A_279 : memref<32x512xf32, #tpu.memory_space<vmem>>) target_semaphore(%arg8 : memref<!tpu.dma_semaphore, #tpu.memory_space<semaphore_mem>>)
    %dma_start3A_283 = arith.constant 0 : i32
    %dma_start3A_284 = arith.constant 0 : i32
    %dma_start3A_285 = arith.constant 0 : i32
    %dma_start3A_286 = arith.constant 0 : i32
    %dma_start3A_287 = tpu.memref_slice %arg6[%dma_start3A_284, %dma_start3A_285, %dma_start3A_286] : memref<2x32x512xi32, #tpu.memory_space<vmem>> -> memref<1x32x512xi32, #tpu.memory_space<vmem>>
    %dma_start3A_288 = tpu.memref_squeeze %dma_start3A_287 : memref<1x32x512xi32, #tpu.memory_space<vmem>> -> memref<32x512xi32, #tpu.memory_space<vmem>>
    %dma_start3A_289 = arith.constant 0 : i32
    %dma_start3A_290 = tpu.memref_slice %arg3[%arg1, %dma_start3A_283, %add3A_266, %dma_start3A_289] : memref<16x1x512x512xi32, #tpu.memory_space<hbm>> -> memref<1x1x32x512xi32, #tpu.memory_space<hbm>>
    %dma_start3A_291 = tpu.memref_squeeze %dma_start3A_290 : memref<1x1x32x512xi32, #tpu.memory_space<hbm>> -> memref<32x512xi32, #tpu.memory_space<hbm>>
    %dma_start3A_292 = arith.constant 0 : i32
    %dma_start3A_293 = arith.constant 0 : i32
    %dma_start3A_294 = tpu.memref_slice %arg6[%dma_start3A_284, %dma_start3A_292, %dma_start3A_293] : memref<2x32x512xi32, #tpu.memory_space<vmem>> -> memref<1x32x512xi32, #tpu.memory_space<vmem>>
    %dma_start3A_295 = tpu.memref_squeeze %dma_start3A_294 : memref<1x32x512xi32, #tpu.memory_space<vmem>> -> memref<32x512xi32, #tpu.memory_space<vmem>>
    %dma_start3A_296 = arith.constant 0 : i32
    %dma_start3A_297 = tpu.memref_slice %arg3[%arg1, %dma_start3A_283, %add3A_266, %dma_start3A_296] : memref<16x1x512x512xi32, #tpu.memory_space<hbm>> -> memref<1x1x32x512xi32, #tpu.memory_space<hbm>>
    %dma_start3A_298 = tpu.memref_squeeze %dma_start3A_297 : memref<1x1x32x512xi32, #tpu.memory_space<hbm>> -> memref<32x512xi32, #tpu.memory_space<hbm>>
    tpu.enqueue_dma source(%dma_start3A_298 : memref<32x512xi32, #tpu.memory_space<hbm>>) target(%dma_start3A_295 : memref<32x512xi32, #tpu.memory_space<vmem>>) target_semaphore(%arg10 : memref<!tpu.dma_semaphore, #tpu.memory_space<semaphore_mem>>)
    %dma_wait3A_299 = arith.constant 0 : i32
    %dma_wait3A_300 = arith.constant 1 : i32
    %dma_wait3A_301 = arith.constant 0 : i32
    %dma_wait3A_302 = arith.constant 0 : i32
    %dma_wait3A_303 = tpu.memref_slice %arg5[%dma_wait3A_300, %dma_wait3A_301, %dma_wait3A_302] : memref<2x32x512xf32, #tpu.memory_space<vmem>> -> memref<1x32x512xf32, #tpu.memory_space<vmem>>
    %dma_wait3A_304 = tpu.memref_squeeze %dma_wait3A_303 : memref<1x32x512xf32, #tpu.memory_space<vmem>> -> memref<32x512xf32, #tpu.memory_space<vmem>>
    %dma_wait3A_305 = arith.constant 0 : i32
    %dma_wait3A_306 = tpu.memref_slice %arg2[%arg1, %dma_wait3A_299, %add3A_199, %dma_wait3A_305] : memref<16x1x512x512xf32, #tpu.memory_space<hbm>> -> memref<1x1x32x512xf32, #tpu.memory_space<hbm>>
    %dma_wait3A_307 = tpu.memref_squeeze %dma_wait3A_306 : memref<1x1x32x512xf32, #tpu.memory_space<hbm>> -> memref<32x512xf32, #tpu.memory_space<hbm>>
    %dma_wait3A_308 = arith.constant 0 : i32
    %dma_wait3A_309 = arith.constant 0 : i32
    %dma_wait3A_310 = tpu.memref_slice %arg5[%dma_wait3A_300, %dma_wait3A_308, %dma_wait3A_309] : memref<2x32x512xf32, #tpu.memory_space<vmem>> -> memref<1x32x512xf32, #tpu.memory_space<vmem>>
    %dma_wait3A_311 = tpu.memref_squeeze %dma_wait3A_310 : memref<1x32x512xf32, #tpu.memory_space<vmem>> -> memref<32x512xf32, #tpu.memory_space<vmem>>
    %dma_wait3A_312 = arith.constant 0 : i32
    %dma_wait3A_313 = tpu.memref_slice %arg2[%arg1, %dma_wait3A_299, %add3A_199, %dma_wait3A_312] : memref<16x1x512x512xf32, #tpu.memory_space<hbm>> -> memref<1x1x32x512xf32, #tpu.memory_space<hbm>>
    %dma_wait3A_314 = tpu.memref_squeeze %dma_wait3A_313 : memref<1x1x32x512xf32, #tpu.memory_space<hbm>> -> memref<32x512xf32, #tpu.memory_space<hbm>>
    tpu.wait_dma2 semaphore(%arg9 : memref<!tpu.dma_semaphore, #tpu.memory_space<semaphore_mem>>) src(%dma_wait3A_314 : memref<32x512xf32, #tpu.memory_space<hbm>>) dst(%dma_wait3A_311 : memref<32x512xf32, #tpu.memory_space<vmem>>)
    %dma_wait3A_315 = arith.constant 0 : i32
    %dma_wait3A_316 = arith.constant 1 : i32
    %dma_wait3A_317 = arith.constant 0 : i32
    %dma_wait3A_318 = arith.constant 0 : i32
    %dma_wait3A_319 = tpu.memref_slice %arg6[%dma_wait3A_316, %dma_wait3A_317, %dma_wait3A_318] : memref<2x32x512xi32, #tpu.memory_space<vmem>> -> memref<1x32x512xi32, #tpu.memory_space<vmem>>
    %dma_wait3A_320 = tpu.memref_squeeze %dma_wait3A_319 : memref<1x32x512xi32, #tpu.memory_space<vmem>> -> memref<32x512xi32, #tpu.memory_space<vmem>>
    %dma_wait3A_321 = arith.constant 0 : i32
    %dma_wait3A_322 = tpu.memref_slice %arg3[%arg1, %dma_wait3A_315, %add3A_199, %dma_wait3A_321] : memref<16x1x512x512xi32, #tpu.memory_space<hbm>> -> memref<1x1x32x512xi32, #tpu.memory_space<hbm>>
    %dma_wait3A_323 = tpu.memref_squeeze %dma_wait3A_322 : memref<1x1x32x512xi32, #tpu.memory_space<hbm>> -> memref<32x512xi32, #tpu.memory_space<hbm>>
    %dma_wait3A_324 = arith.constant 0 : i32
    %dma_wait3A_325 = arith.constant 0 : i32
    %dma_wait3A_326 = tpu.memref_slice %arg6[%dma_wait3A_316, %dma_wait3A_324, %dma_wait3A_325] : memref<2x32x512xi32, #tpu.memory_space<vmem>> -> memref<1x32x512xi32, #tpu.memory_space<vmem>>
    %dma_wait3A_327 = tpu.memref_squeeze %dma_wait3A_326 : memref<1x32x512xi32, #tpu.memory_space<vmem>> -> memref<32x512xi32, #tpu.memory_space<vmem>>
    %dma_wait3A_328 = arith.constant 0 : i32
    %dma_wait3A_329 = tpu.memref_slice %arg3[%arg1, %dma_wait3A_315, %add3A_199, %dma_wait3A_328] : memref<16x1x512x512xi32, #tpu.memory_space<hbm>> -> memref<1x1x32x512xi32, #tpu.memory_space<hbm>>
    %dma_wait3A_330 = tpu.memref_squeeze %dma_wait3A_329 : memref<1x1x32x512xi32, #tpu.memory_space<hbm>> -> memref<32x512xi32, #tpu.memory_space<hbm>>
    tpu.wait_dma2 semaphore(%arg11 : memref<!tpu.dma_semaphore, #tpu.memory_space<semaphore_mem>>) src(%dma_wait3A_330 : memref<32x512xi32, #tpu.memory_space<hbm>>) dst(%dma_wait3A_327 : memref<32x512xi32, #tpu.memory_space<vmem>>)
    %parallel_loop3A_331 = arith.constant 0 : i32
    %parallel_loop3A_332 = arith.constant 1024 : i32
    %parallel_loop3A_333 = arith.constant 1 : i32
    scf.for %parallel_loop3A_714 = %parallel_loop3A_331 to %parallel_loop3A_332 step %parallel_loop3A_333  : i32 {
      %parallel_loop3A_715 = arith.constant 5 : i32
      %parallel_loop3A_716 = arith.shrsi %parallel_loop3A_714, %parallel_loop3A_715 : i32
      %parallel_loop3A_717 = arith.constant 31 : i32
      %parallel_loop3A_718 = arith.andi %parallel_loop3A_714, %parallel_loop3A_717 : i32
      %parallel_loop3A_719 = arith.constant 16 : i32
      %parallel_loop3A_720 = arith.muli %parallel_loop3A_718, %parallel_loop3A_719 : i32
      %parallel_loop3A_721 = arith.constant 1 : i32
      %parallel_loop3A_722 = arith.index_cast %parallel_loop3A_721 : i32 to index
      %parallel_loop3A_723 = arith.index_cast %parallel_loop3A_716 : i32 to index
      %parallel_loop3A_724 = arith.index_cast %parallel_loop3A_720 : i32 to index
      %parallel_loop3A_725 = tpu.vector_load %arg5[%parallel_loop3A_722, %parallel_loop3A_723, %parallel_loop3A_724] {strides = array<i32>} : memref<2x32x512xf32, #tpu.memory_space<vmem>>, vector<16xf32>,
      %parallel_loop3A_726 = arith.constant 1 : i32
      %parallel_loop3A_727 = arith.index_cast %parallel_loop3A_726 : i32 to index
      %parallel_loop3A_728 = arith.index_cast %parallel_loop3A_716 : i32 to index
      %parallel_loop3A_729 = arith.index_cast %parallel_loop3A_720 : i32 to index
      %parallel_loop3A_730 = tpu.vector_load %arg6[%parallel_loop3A_727, %parallel_loop3A_728, %parallel_loop3A_729] {strides = array<i32>} : memref<2x32x512xi32, #tpu.memory_space<vmem>>, vector<16xi32>,
      %parallel_loop3A_731 = arith.constant 0 : i32
      %parallel_loop3A_732 = vector.broadcast %parallel_loop3A_731 : i32 to vector<16xi32>
      %parallel_loop3A_733 = arith.cmpi sgt, %parallel_loop3A_730, %parallel_loop3A_732 : vector<16xi32>
      %parallel_loop3A_734 = arith.constant 1.000000e+00 : f32
      %parallel_loop3A_735 = arith.constant -1.000000e+00 : f32
      %parallel_loop3A_736 = vector.broadcast %parallel_loop3A_734 : f32 to vector<16xf32>
      %parallel_loop3A_737 = vector.broadcast %parallel_loop3A_735 : f32 to vector<16xf32>
      %parallel_loop3A_738 = arith.select %parallel_loop3A_733, %parallel_loop3A_736, %parallel_loop3A_737 : vector<16xi1>, vector<16xf32>
      %parallel_loop3A_739 = arith.mulf %parallel_loop3A_725, %parallel_loop3A_738 : vector<16xf32>
      %parallel_loop3A_740 = arith.constant 1.000000e+00 : f32
      %parallel_loop3A_741 = vector.broadcast %parallel_loop3A_740 : f32 to vector<16xf32>
      %parallel_loop3A_742 = arith.subf %parallel_loop3A_741, %parallel_loop3A_739 : vector<16xf32>
      %parallel_loop3A_743 = arith.constant 6.400000e+01 : f32
      %parallel_loop3A_744 = vector.broadcast %parallel_loop3A_743 : f32 to vector<16xf32>
      %parallel_loop3A_745 = arith.mulf %parallel_loop3A_742, %parallel_loop3A_744 : vector<16xf32>
      %parallel_loop3A_746 = arith.constant 1.000000e+00 : f32
      %parallel_loop3A_747 = vector.broadcast %parallel_loop3A_746 : f32 to vector<16xf32>
      %parallel_loop3A_748 = arith.addf %parallel_loop3A_745, %parallel_loop3A_747 : vector<16xf32>
      %parallel_loop3A_749 = arith.constant 0.000000e+00 : f32
      %parallel_loop3A_750 = vector.broadcast %parallel_loop3A_749 : f32 to vector<16xf32>
      %parallel_loop3A_751 = arith.maximumf %parallel_loop3A_748, %parallel_loop3A_750 : vector<16xf32>
      %parallel_loop3A_752 = arith.constant 5.120000e+02 : f32
      %parallel_loop3A_753 = vector.broadcast %parallel_loop3A_752 : f32 to vector<16xf32>
      %parallel_loop3A_754 = arith.minimumf %parallel_loop3A_751, %parallel_loop3A_753 : vector<16xf32>
      %parallel_loop3A_755 = arith.fptosi %parallel_loop3A_754 : vector<16xf32> to vector<16xi32>
      %parallel_loop3A_756 = arith.constant 640 : i32
      %parallel_loop3A_757 = vector.broadcast %parallel_loop3A_756 : i32 to vector<16xi32>
      %parallel_loop3A_758 = arith.muli %parallel_loop3A_730, %parallel_loop3A_757 : vector<16xi32>
      %parallel_loop3A_759 = arith.addi %parallel_loop3A_755, %parallel_loop3A_758 : vector<16xi32>
      tpu.vector_store_idx %arg7[%parallel_loop3A_759], %broadcast_in_dim3A_164 {add = true} : memref<1280xf32, #tpu.memory_space<vmem>>[vector<16xi32>], vector<16xf32>,
    } {sc.loop_unroll_factor = 8 : i64, sc.parallel_access}
    %add3A_334 = arith.constant 96 : i32
    %add3A_335 = arith.addi %mul3A_2, %add3A_334 : i32
    %dma_start3A_336 = arith.constant 0 : i32
    %dma_start3A_337 = arith.constant 1 : i32
    %dma_start3A_338 = arith.constant 0 : i32
    %dma_start3A_339 = arith.constant 0 : i32
    %dma_start3A_340 = tpu.memref_slice %arg5[%dma_start3A_337, %dma_start3A_338, %dma_start3A_339] : memref<2x32x512xf32, #tpu.memory_space<vmem>> -> memref<1x32x512xf32, #tpu.memory_space<vmem>>
    %dma_start3A_341 = tpu.memref_squeeze %dma_start3A_340 : memref<1x32x512xf32, #tpu.memory_space<vmem>> -> memref<32x512xf32, #tpu.memory_space<vmem>>
    %dma_start3A_342 = arith.constant 0 : i32
    %dma_start3A_343 = tpu.memref_slice %arg2[%arg1, %dma_start3A_336, %add3A_335, %dma_start3A_342] : memref<16x1x512x512xf32, #tpu.memory_space<hbm>> -> memref<1x1x32x512xf32, #tpu.memory_space<hbm>>
    %dma_start3A_344 = tpu.memref_squeeze %dma_start3A_343 : memref<1x1x32x512xf32, #tpu.memory_space<hbm>> -> memref<32x512xf32, #tpu.memory_space<hbm>>
    %dma_start3A_345 = arith.constant 0 : i32
    %dma_start3A_346 = arith.constant 0 : i32
    %dma_start3A_347 = tpu.memref_slice %arg5[%dma_start3A_337, %dma_start3A_345, %dma_start3A_346] : memref<2x32x512xf32, #tpu.memory_space<vmem>> -> memref<1x32x512xf32, #tpu.memory_space<vmem>>
    %dma_start3A_348 = tpu.memref_squeeze %dma_start3A_347 : memref<1x32x512xf32, #tpu.memory_space<vmem>> -> memref<32x512xf32, #tpu.memory_space<vmem>>
    %dma_start3A_349 = arith.constant 0 : i32
    %dma_start3A_350 = tpu.memref_slice %arg2[%arg1, %dma_start3A_336, %add3A_335, %dma_start3A_349] : memref<16x1x512x512xf32, #tpu.memory_space<hbm>> -> memref<1x1x32x512xf32, #tpu.memory_space<hbm>>
    %dma_start3A_351 = tpu.memref_squeeze %dma_start3A_350 : memref<1x1x32x512xf32, #tpu.memory_space<hbm>> -> memref<32x512xf32, #tpu.memory_space<hbm>>
    tpu.enqueue_dma source(%dma_start3A_351 : memref<32x512xf32, #tpu.memory_space<hbm>>) target(%dma_start3A_348 : memref<32x512xf32, #tpu.memory_space<vmem>>) target_semaphore(%arg9 : memref<!tpu.dma_semaphore, #tpu.memory_space<semaphore_mem>>)
    %dma_start3A_352 = arith.constant 0 : i32
    %dma_start3A_353 = arith.constant 1 : i32
    %dma_start3A_354 = arith.constant 0 : i32
    %dma_start3A_355 = arith.constant 0 : i32
    %dma_start3A_356 = tpu.memref_slice %arg6[%dma_start3A_353, %dma_start3A_354, %dma_start3A_355] : memref<2x32x512xi32, #tpu.memory_space<vmem>> -> memref<1x32x512xi32, #tpu.memory_space<vmem>>
    %dma_start3A_357 = tpu.memref_squeeze %dma_start3A_356 : memref<1x32x512xi32, #tpu.memory_space<vmem>> -> memref<32x512xi32, #tpu.memory_space<vmem>>
    %dma_start3A_358 = arith.constant 0 : i32
    %dma_start3A_359 = tpu.memref_slice %arg3[%arg1, %dma_start3A_352, %add3A_335, %dma_start3A_358] : memref<16x1x512x512xi32, #tpu.memory_space<hbm>> -> memref<1x1x32x512xi32, #tpu.memory_space<hbm>>
    %dma_start3A_360 = tpu.memref_squeeze %dma_start3A_359 : memref<1x1x32x512xi32, #tpu.memory_space<hbm>> -> memref<32x512xi32, #tpu.memory_space<hbm>>
    %dma_start3A_361 = arith.constant 0 : i32
    %dma_start3A_362 = arith.constant 0 : i32
    %dma_start3A_363 = tpu.memref_slice %arg6[%dma_start3A_353, %dma_start3A_361, %dma_start3A_362] : memref<2x32x512xi32, #tpu.memory_space<vmem>> -> memref<1x32x512xi32, #tpu.memory_space<vmem>>
    %dma_start3A_364 = tpu.memref_squeeze %dma_start3A_363 : memref<1x32x512xi32, #tpu.memory_space<vmem>> -> memref<32x512xi32, #tpu.memory_space<vmem>>
    %dma_start3A_365 = arith.constant 0 : i32
    %dma_start3A_366 = tpu.memref_slice %arg3[%arg1, %dma_start3A_352, %add3A_335, %dma_start3A_365] : memref<16x1x512x512xi32, #tpu.memory_space<hbm>> -> memref<1x1x32x512xi32, #tpu.memory_space<hbm>>
    %dma_start3A_367 = tpu.memref_squeeze %dma_start3A_366 : memref<1x1x32x512xi32, #tpu.memory_space<hbm>> -> memref<32x512xi32, #tpu.memory_space<hbm>>
    tpu.enqueue_dma source(%dma_start3A_367 : memref<32x512xi32, #tpu.memory_space<hbm>>) target(%dma_start3A_364 : memref<32x512xi32, #tpu.memory_space<vmem>>) target_semaphore(%arg11 : memref<!tpu.dma_semaphore, #tpu.memory_space<semaphore_mem>>)
    %dma_wait3A_368 = arith.constant 0 : i32
    %dma_wait3A_369 = arith.constant 0 : i32
    %dma_wait3A_370 = arith.constant 0 : i32
    %dma_wait3A_371 = arith.constant 0 : i32
    %dma_wait3A_372 = tpu.memref_slice %arg5[%dma_wait3A_369, %dma_wait3A_370, %dma_wait3A_371] : memref<2x32x512xf32, #tpu.memory_space<vmem>> -> memref<1x32x512xf32, #tpu.memory_space<vmem>>
    %dma_wait3A_373 = tpu.memref_squeeze %dma_wait3A_372 : memref<1x32x512xf32, #tpu.memory_space<vmem>> -> memref<32x512xf32, #tpu.memory_space<vmem>>
    %dma_wait3A_374 = arith.constant 0 : i32
    %dma_wait3A_375 = tpu.memref_slice %arg2[%arg1, %dma_wait3A_368, %add3A_266, %dma_wait3A_374] : memref<16x1x512x512xf32, #tpu.memory_space<hbm>> -> memref<1x1x32x512xf32, #tpu.memory_space<hbm>>
    %dma_wait3A_376 = tpu.memref_squeeze %dma_wait3A_375 : memref<1x1x32x512xf32, #tpu.memory_space<hbm>> -> memref<32x512xf32, #tpu.memory_space<hbm>>
    %dma_wait3A_377 = arith.constant 0 : i32
    %dma_wait3A_378 = arith.constant 0 : i32
    %dma_wait3A_379 = tpu.memref_slice %arg5[%dma_wait3A_369, %dma_wait3A_377, %dma_wait3A_378] : memref<2x32x512xf32, #tpu.memory_space<vmem>> -> memref<1x32x512xf32, #tpu.memory_space<vmem>>
    %dma_wait3A_380 = tpu.memref_squeeze %dma_wait3A_379 : memref<1x32x512xf32, #tpu.memory_space<vmem>> -> memref<32x512xf32, #tpu.memory_space<vmem>>
    %dma_wait3A_381 = arith.constant 0 : i32
    %dma_wait3A_382 = tpu.memref_slice %arg2[%arg1, %dma_wait3A_368, %add3A_266, %dma_wait3A_381] : memref<16x1x512x512xf32, #tpu.memory_space<hbm>> -> memref<1x1x32x512xf32, #tpu.memory_space<hbm>>
    %dma_wait3A_383 = tpu.memref_squeeze %dma_wait3A_382 : memref<1x1x32x512xf32, #tpu.memory_space<hbm>> -> memref<32x512xf32, #tpu.memory_space<hbm>>
    tpu.wait_dma2 semaphore(%arg8 : memref<!tpu.dma_semaphore, #tpu.memory_space<semaphore_mem>>) src(%dma_wait3A_383 : memref<32x512xf32, #tpu.memory_space<hbm>>) dst(%dma_wait3A_380 : memref<32x512xf32, #tpu.memory_space<vmem>>)
    %dma_wait3A_384 = arith.constant 0 : i32
    %dma_wait3A_385 = arith.constant 0 : i32
    %dma_wait3A_386 = arith.constant 0 : i32
    %dma_wait3A_387 = arith.constant 0 : i32
    %dma_wait3A_388 = tpu.memref_slice %arg6[%dma_wait3A_385, %dma_wait3A_386, %dma_wait3A_387] : memref<2x32x512xi32, #tpu.memory_space<vmem>> -> memref<1x32x512xi32, #tpu.memory_space<vmem>>
    %dma_wait3A_389 = tpu.memref_squeeze %dma_wait3A_388 : memref<1x32x512xi32, #tpu.memory_space<vmem>> -> memref<32x512xi32, #tpu.memory_space<vmem>>
    %dma_wait3A_390 = arith.constant 0 : i32
    %dma_wait3A_391 = tpu.memref_slice %arg3[%arg1, %dma_wait3A_384, %add3A_266, %dma_wait3A_390] : memref<16x1x512x512xi32, #tpu.memory_space<hbm>> -> memref<1x1x32x512xi32, #tpu.memory_space<hbm>>
    %dma_wait3A_392 = tpu.memref_squeeze %dma_wait3A_391 : memref<1x1x32x512xi32, #tpu.memory_space<hbm>> -> memref<32x512xi32, #tpu.memory_space<hbm>>
    %dma_wait3A_393 = arith.constant 0 : i32
    %dma_wait3A_394 = arith.constant 0 : i32
    %dma_wait3A_395 = tpu.memref_slice %arg6[%dma_wait3A_385, %dma_wait3A_393, %dma_wait3A_394] : memref<2x32x512xi32, #tpu.memory_space<vmem>> -> memref<1x32x512xi32, #tpu.memory_space<vmem>>
    %dma_wait3A_396 = tpu.memref_squeeze %dma_wait3A_395 : memref<1x32x512xi32, #tpu.memory_space<vmem>> -> memref<32x512xi32, #tpu.memory_space<vmem>>
    %dma_wait3A_397 = arith.constant 0 : i32
    %dma_wait3A_398 = tpu.memref_slice %arg3[%arg1, %dma_wait3A_384, %add3A_266, %dma_wait3A_397] : memref<16x1x512x512xi32, #tpu.memory_space<hbm>> -> memref<1x1x32x512xi32, #tpu.memory_space<hbm>>
    %dma_wait3A_399 = tpu.memref_squeeze %dma_wait3A_398 : memref<1x1x32x512xi32, #tpu.memory_space<hbm>> -> memref<32x512xi32, #tpu.memory_space<hbm>>
    tpu.wait_dma2 semaphore(%arg10 : memref<!tpu.dma_semaphore, #tpu.memory_space<semaphore_mem>>) src(%dma_wait3A_399 : memref<32x512xi32, #tpu.memory_space<hbm>>) dst(%dma_wait3A_396 : memref<32x512xi32, #tpu.memory_space<vmem>>)
    %parallel_loop3A_400 = arith.constant 0 : i32
    %parallel_loop3A_401 = arith.constant 1024 : i32
    %parallel_loop3A_402 = arith.constant 1 : i32
    scf.for %parallel_loop3A_714 = %parallel_loop3A_400 to %parallel_loop3A_401 step %parallel_loop3A_402  : i32 {
      %parallel_loop3A_715 = arith.constant 5 : i32
      %parallel_loop3A_716 = arith.shrsi %parallel_loop3A_714, %parallel_loop3A_715 : i32
      %parallel_loop3A_717 = arith.constant 31 : i32
      %parallel_loop3A_718 = arith.andi %parallel_loop3A_714, %parallel_loop3A_717 : i32
      %parallel_loop3A_719 = arith.constant 16 : i32
      %parallel_loop3A_720 = arith.muli %parallel_loop3A_718, %parallel_loop3A_719 : i32
      %parallel_loop3A_721 = arith.constant 0 : i32
      %parallel_loop3A_722 = arith.index_cast %parallel_loop3A_721 : i32 to index
      %parallel_loop3A_723 = arith.index_cast %parallel_loop3A_716 : i32 to index
      %parallel_loop3A_724 = arith.index_cast %parallel_loop3A_720 : i32 to index
      %parallel_loop3A_725 = tpu.vector_load %arg5[%parallel_loop3A_722, %parallel_loop3A_723, %parallel_loop3A_724] {strides = array<i32>} : memref<2x32x512xf32, #tpu.memory_space<vmem>>, vector<16xf32>,
      %parallel_loop3A_726 = arith.constant 0 : i32
      %parallel_loop3A_727 = arith.index_cast %parallel_loop3A_726 : i32 to index
      %parallel_loop3A_728 = arith.index_cast %parallel_loop3A_716 : i32 to index
      %parallel_loop3A_729 = arith.index_cast %parallel_loop3A_720 : i32 to index
      %parallel_loop3A_730 = tpu.vector_load %arg6[%parallel_loop3A_727, %parallel_loop3A_728, %parallel_loop3A_729] {strides = array<i32>} : memref<2x32x512xi32, #tpu.memory_space<vmem>>, vector<16xi32>,
      %parallel_loop3A_731 = arith.constant 0 : i32
      %parallel_loop3A_732 = vector.broadcast %parallel_loop3A_731 : i32 to vector<16xi32>
      %parallel_loop3A_733 = arith.cmpi sgt, %parallel_loop3A_730, %parallel_loop3A_732 : vector<16xi32>
      %parallel_loop3A_734 = arith.constant 1.000000e+00 : f32
      %parallel_loop3A_735 = arith.constant -1.000000e+00 : f32
      %parallel_loop3A_736 = vector.broadcast %parallel_loop3A_734 : f32 to vector<16xf32>
      %parallel_loop3A_737 = vector.broadcast %parallel_loop3A_735 : f32 to vector<16xf32>
      %parallel_loop3A_738 = arith.select %parallel_loop3A_733, %parallel_loop3A_736, %parallel_loop3A_737 : vector<16xi1>, vector<16xf32>
      %parallel_loop3A_739 = arith.mulf %parallel_loop3A_725, %parallel_loop3A_738 : vector<16xf32>
      %parallel_loop3A_740 = arith.constant 1.000000e+00 : f32
      %parallel_loop3A_741 = vector.broadcast %parallel_loop3A_740 : f32 to vector<16xf32>
      %parallel_loop3A_742 = arith.subf %parallel_loop3A_741, %parallel_loop3A_739 : vector<16xf32>
      %parallel_loop3A_743 = arith.constant 6.400000e+01 : f32
      %parallel_loop3A_744 = vector.broadcast %parallel_loop3A_743 : f32 to vector<16xf32>
      %parallel_loop3A_745 = arith.mulf %parallel_loop3A_742, %parallel_loop3A_744 : vector<16xf32>
      %parallel_loop3A_746 = arith.constant 1.000000e+00 : f32
      %parallel_loop3A_747 = vector.broadcast %parallel_loop3A_746 : f32 to vector<16xf32>
      %parallel_loop3A_748 = arith.addf %parallel_loop3A_745, %parallel_loop3A_747 : vector<16xf32>
      %parallel_loop3A_749 = arith.constant 0.000000e+00 : f32
      %parallel_loop3A_750 = vector.broadcast %parallel_loop3A_749 : f32 to vector<16xf32>
      %parallel_loop3A_751 = arith.maximumf %parallel_loop3A_748, %parallel_loop3A_750 : vector<16xf32>
      %parallel_loop3A_752 = arith.constant 5.120000e+02 : f32
      %parallel_loop3A_753 = vector.broadcast %parallel_loop3A_752 : f32 to vector<16xf32>
      %parallel_loop3A_754 = arith.minimumf %parallel_loop3A_751, %parallel_loop3A_753 : vector<16xf32>
      %parallel_loop3A_755 = arith.fptosi %parallel_loop3A_754 : vector<16xf32> to vector<16xi32>
      %parallel_loop3A_756 = arith.constant 640 : i32
      %parallel_loop3A_757 = vector.broadcast %parallel_loop3A_756 : i32 to vector<16xi32>
      %parallel_loop3A_758 = arith.muli %parallel_loop3A_730, %parallel_loop3A_757 : vector<16xi32>
      %parallel_loop3A_759 = arith.addi %parallel_loop3A_755, %parallel_loop3A_758 : vector<16xi32>
      tpu.vector_store_idx %arg7[%parallel_loop3A_759], %broadcast_in_dim3A_164 {add = true} : memref<1280xf32, #tpu.memory_space<vmem>>[vector<16xi32>], vector<16xf32>,
    } {sc.loop_unroll_factor = 8 : i64, sc.parallel_access}
    %add3A_403 = arith.constant 128 : i32
    %add3A_404 = arith.addi %mul3A_2, %add3A_403 : i32
    %dma_start3A_405 = arith.constant 0 : i32
    %dma_start3A_406 = arith.constant 0 : i32
    %dma_start3A_407 = arith.constant 0 : i32
    %dma_start3A_408 = arith.constant 0 : i32
    %dma_start3A_409 = tpu.memref_slice %arg5[%dma_start3A_406, %dma_start3A_407, %dma_start3A_408] : memref<2x32x512xf32, #tpu.memory_space<vmem>> -> memref<1x32x512xf32, #tpu.memory_space<vmem>>
    %dma_start3A_410 = tpu.memref_squeeze %dma_start3A_409 : memref<1x32x512xf32, #tpu.memory_space<vmem>> -> memref<32x512xf32, #tpu.memory_space<vmem>>
    %dma_start3A_411 = arith.constant 0 : i32
    %dma_start3A_412 = tpu.memref_slice %arg2[%arg1, %dma_start3A_405, %add3A_404, %dma_start3A_411] : memref<16x1x512x512xf32, #tpu.memory_space<hbm>> -> memref<1x1x32x512xf32, #tpu.memory_space<hbm>>
    %dma_start3A_413 = tpu.memref_squeeze %dma_start3A_412 : memref<1x1x32x512xf32, #tpu.memory_space<hbm>> -> memref<32x512xf32, #tpu.memory_space<hbm>>
    %dma_start3A_414 = arith.constant 0 : i32
    %dma_start3A_415 = arith.constant 0 : i32
    %dma_start3A_416 = tpu.memref_slice %arg5[%dma_start3A_406, %dma_start3A_414, %dma_start3A_415] : memref<2x32x512xf32, #tpu.memory_space<vmem>> -> memref<1x32x512xf32, #tpu.memory_space<vmem>>
    %dma_start3A_417 = tpu.memref_squeeze %dma_start3A_416 : memref<1x32x512xf32, #tpu.memory_space<vmem>> -> memref<32x512xf32, #tpu.memory_space<vmem>>
    %dma_start3A_418 = arith.constant 0 : i32
    %dma_start3A_419 = tpu.memref_slice %arg2[%arg1, %dma_start3A_405, %add3A_404, %dma_start3A_418] : memref<16x1x512x512xf32, #tpu.memory_space<hbm>> -> memref<1x1x32x512xf32, #tpu.memory_space<hbm>>
    %dma_start3A_420 = tpu.memref_squeeze %dma_start3A_419 : memref<1x1x32x512xf32, #tpu.memory_space<hbm>> -> memref<32x512xf32, #tpu.memory_space<hbm>>
    tpu.enqueue_dma source(%dma_start3A_420 : memref<32x512xf32, #tpu.memory_space<hbm>>) target(%dma_start3A_417 : memref<32x512xf32, #tpu.memory_space<vmem>>) target_semaphore(%arg8 : memref<!tpu.dma_semaphore, #tpu.memory_space<semaphore_mem>>)
    %dma_start3A_421 = arith.constant 0 : i32
    %dma_start3A_422 = arith.constant 0 : i32
    %dma_start3A_423 = arith.constant 0 : i32
    %dma_start3A_424 = arith.constant 0 : i32
    %dma_start3A_425 = tpu.memref_slice %arg6[%dma_start3A_422, %dma_start3A_423, %dma_start3A_424] : memref<2x32x512xi32, #tpu.memory_space<vmem>> -> memref<1x32x512xi32, #tpu.memory_space<vmem>>
    %dma_start3A_426 = tpu.memref_squeeze %dma_start3A_425 : memref<1x32x512xi32, #tpu.memory_space<vmem>> -> memref<32x512xi32, #tpu.memory_space<vmem>>
    %dma_start3A_427 = arith.constant 0 : i32
    %dma_start3A_428 = tpu.memref_slice %arg3[%arg1, %dma_start3A_421, %add3A_404, %dma_start3A_427] : memref<16x1x512x512xi32, #tpu.memory_space<hbm>> -> memref<1x1x32x512xi32, #tpu.memory_space<hbm>>
    %dma_start3A_429 = tpu.memref_squeeze %dma_start3A_428 : memref<1x1x32x512xi32, #tpu.memory_space<hbm>> -> memref<32x512xi32, #tpu.memory_space<hbm>>
    %dma_start3A_430 = arith.constant 0 : i32
    %dma_start3A_431 = arith.constant 0 : i32
    %dma_start3A_432 = tpu.memref_slice %arg6[%dma_start3A_422, %dma_start3A_430, %dma_start3A_431] : memref<2x32x512xi32, #tpu.memory_space<vmem>> -> memref<1x32x512xi32, #tpu.memory_space<vmem>>
    %dma_start3A_433 = tpu.memref_squeeze %dma_start3A_432 : memref<1x32x512xi32, #tpu.memory_space<vmem>> -> memref<32x512xi32, #tpu.memory_space<vmem>>
    %dma_start3A_434 = arith.constant 0 : i32
    %dma_start3A_435 = tpu.memref_slice %arg3[%arg1, %dma_start3A_421, %add3A_404, %dma_start3A_434] : memref<16x1x512x512xi32, #tpu.memory_space<hbm>> -> memref<1x1x32x512xi32, #tpu.memory_space<hbm>>
    %dma_start3A_436 = tpu.memref_squeeze %dma_start3A_435 : memref<1x1x32x512xi32, #tpu.memory_space<hbm>> -> memref<32x512xi32, #tpu.memory_space<hbm>>
    tpu.enqueue_dma source(%dma_start3A_436 : memref<32x512xi32, #tpu.memory_space<hbm>>) target(%dma_start3A_433 : memref<32x512xi32, #tpu.memory_space<vmem>>) target_semaphore(%arg10 : memref<!tpu.dma_semaphore, #tpu.memory_space<semaphore_mem>>)
    %dma_wait3A_437 = arith.constant 0 : i32
    %dma_wait3A_438 = arith.constant 1 : i32
    %dma_wait3A_439 = arith.constant 0 : i32
    %dma_wait3A_440 = arith.constant 0 : i32
    %dma_wait3A_441 = tpu.memref_slice %arg5[%dma_wait3A_438, %dma_wait3A_439, %dma_wait3A_440] : memref<2x32x512xf32, #tpu.memory_space<vmem>> -> memref<1x32x512xf32, #tpu.memory_space<vmem>>
    %dma_wait3A_442 = tpu.memref_squeeze %dma_wait3A_441 : memref<1x32x512xf32, #tpu.memory_space<vmem>> -> memref<32x512xf32, #tpu.memory_space<vmem>>
    %dma_wait3A_443 = arith.constant 0 : i32
    %dma_wait3A_444 = tpu.memref_slice %arg2[%arg1, %dma_wait3A_437, %add3A_335, %dma_wait3A_443] : memref<16x1x512x512xf32, #tpu.memory_space<hbm>> -> memref<1x1x32x512xf32, #tpu.memory_space<hbm>>
    %dma_wait3A_445 = tpu.memref_squeeze %dma_wait3A_444 : memref<1x1x32x512xf32, #tpu.memory_space<hbm>> -> memref<32x512xf32, #tpu.memory_space<hbm>>
    %dma_wait3A_446 = arith.constant 0 : i32
    %dma_wait3A_447 = arith.constant 0 : i32
    %dma_wait3A_448 = tpu.memref_slice %arg5[%dma_wait3A_438, %dma_wait3A_446, %dma_wait3A_447] : memref<2x32x512xf32, #tpu.memory_space<vmem>> -> memref<1x32x512xf32, #tpu.memory_space<vmem>>
    %dma_wait3A_449 = tpu.memref_squeeze %dma_wait3A_448 : memref<1x32x512xf32, #tpu.memory_space<vmem>> -> memref<32x512xf32, #tpu.memory_space<vmem>>
    %dma_wait3A_450 = arith.constant 0 : i32
    %dma_wait3A_451 = tpu.memref_slice %arg2[%arg1, %dma_wait3A_437, %add3A_335, %dma_wait3A_450] : memref<16x1x512x512xf32, #tpu.memory_space<hbm>> -> memref<1x1x32x512xf32, #tpu.memory_space<hbm>>
    %dma_wait3A_452 = tpu.memref_squeeze %dma_wait3A_451 : memref<1x1x32x512xf32, #tpu.memory_space<hbm>> -> memref<32x512xf32, #tpu.memory_space<hbm>>
    tpu.wait_dma2 semaphore(%arg9 : memref<!tpu.dma_semaphore, #tpu.memory_space<semaphore_mem>>) src(%dma_wait3A_452 : memref<32x512xf32, #tpu.memory_space<hbm>>) dst(%dma_wait3A_449 : memref<32x512xf32, #tpu.memory_space<vmem>>)
    %dma_wait3A_453 = arith.constant 0 : i32
    %dma_wait3A_454 = arith.constant 1 : i32
    %dma_wait3A_455 = arith.constant 0 : i32
    %dma_wait3A_456 = arith.constant 0 : i32
    %dma_wait3A_457 = tpu.memref_slice %arg6[%dma_wait3A_454, %dma_wait3A_455, %dma_wait3A_456] : memref<2x32x512xi32, #tpu.memory_space<vmem>> -> memref<1x32x512xi32, #tpu.memory_space<vmem>>
    %dma_wait3A_458 = tpu.memref_squeeze %dma_wait3A_457 : memref<1x32x512xi32, #tpu.memory_space<vmem>> -> memref<32x512xi32, #tpu.memory_space<vmem>>
    %dma_wait3A_459 = arith.constant 0 : i32
    %dma_wait3A_460 = tpu.memref_slice %arg3[%arg1, %dma_wait3A_453, %add3A_335, %dma_wait3A_459] : memref<16x1x512x512xi32, #tpu.memory_space<hbm>> -> memref<1x1x32x512xi32, #tpu.memory_space<hbm>>
    %dma_wait3A_461 = tpu.memref_squeeze %dma_wait3A_460 : memref<1x1x32x512xi32, #tpu.memory_space<hbm>> -> memref<32x512xi32, #tpu.memory_space<hbm>>
    %dma_wait3A_462 = arith.constant 0 : i32
    %dma_wait3A_463 = arith.constant 0 : i32
    %dma_wait3A_464 = tpu.memref_slice %arg6[%dma_wait3A_454, %dma_wait3A_462, %dma_wait3A_463] : memref<2x32x512xi32, #tpu.memory_space<vmem>> -> memref<1x32x512xi32, #tpu.memory_space<vmem>>
    %dma_wait3A_465 = tpu.memref_squeeze %dma_wait3A_464 : memref<1x32x512xi32, #tpu.memory_space<vmem>> -> memref<32x512xi32, #tpu.memory_space<vmem>>
    %dma_wait3A_466 = arith.constant 0 : i32
    %dma_wait3A_467 = tpu.memref_slice %arg3[%arg1, %dma_wait3A_453, %add3A_335, %dma_wait3A_466] : memref<16x1x512x512xi32, #tpu.memory_space<hbm>> -> memref<1x1x32x512xi32, #tpu.memory_space<hbm>>
    %dma_wait3A_468 = tpu.memref_squeeze %dma_wait3A_467 : memref<1x1x32x512xi32, #tpu.memory_space<hbm>> -> memref<32x512xi32, #tpu.memory_space<hbm>>
    tpu.wait_dma2 semaphore(%arg11 : memref<!tpu.dma_semaphore, #tpu.memory_space<semaphore_mem>>) src(%dma_wait3A_468 : memref<32x512xi32, #tpu.memory_space<hbm>>) dst(%dma_wait3A_465 : memref<32x512xi32, #tpu.memory_space<vmem>>)
    %parallel_loop3A_469 = arith.constant 0 : i32
    %parallel_loop3A_470 = arith.constant 1024 : i32
    %parallel_loop3A_471 = arith.constant 1 : i32
    scf.for %parallel_loop3A_714 = %parallel_loop3A_469 to %parallel_loop3A_470 step %parallel_loop3A_471  : i32 {
      %parallel_loop3A_715 = arith.constant 5 : i32
      %parallel_loop3A_716 = arith.shrsi %parallel_loop3A_714, %parallel_loop3A_715 : i32
      %parallel_loop3A_717 = arith.constant 31 : i32
      %parallel_loop3A_718 = arith.andi %parallel_loop3A_714, %parallel_loop3A_717 : i32
      %parallel_loop3A_719 = arith.constant 16 : i32
      %parallel_loop3A_720 = arith.muli %parallel_loop3A_718, %parallel_loop3A_719 : i32
      %parallel_loop3A_721 = arith.constant 1 : i32
      %parallel_loop3A_722 = arith.index_cast %parallel_loop3A_721 : i32 to index
      %parallel_loop3A_723 = arith.index_cast %parallel_loop3A_716 : i32 to index
      %parallel_loop3A_724 = arith.index_cast %parallel_loop3A_720 : i32 to index
      %parallel_loop3A_725 = tpu.vector_load %arg5[%parallel_loop3A_722, %parallel_loop3A_723, %parallel_loop3A_724] {strides = array<i32>} : memref<2x32x512xf32, #tpu.memory_space<vmem>>, vector<16xf32>,
      %parallel_loop3A_726 = arith.constant 1 : i32
      %parallel_loop3A_727 = arith.index_cast %parallel_loop3A_726 : i32 to index
      %parallel_loop3A_728 = arith.index_cast %parallel_loop3A_716 : i32 to index
      %parallel_loop3A_729 = arith.index_cast %parallel_loop3A_720 : i32 to index
      %parallel_loop3A_730 = tpu.vector_load %arg6[%parallel_loop3A_727, %parallel_loop3A_728, %parallel_loop3A_729] {strides = array<i32>} : memref<2x32x512xi32, #tpu.memory_space<vmem>>, vector<16xi32>,
      %parallel_loop3A_731 = arith.constant 0 : i32
      %parallel_loop3A_732 = vector.broadcast %parallel_loop3A_731 : i32 to vector<16xi32>
      %parallel_loop3A_733 = arith.cmpi sgt, %parallel_loop3A_730, %parallel_loop3A_732 : vector<16xi32>
      %parallel_loop3A_734 = arith.constant 1.000000e+00 : f32
      %parallel_loop3A_735 = arith.constant -1.000000e+00 : f32
      %parallel_loop3A_736 = vector.broadcast %parallel_loop3A_734 : f32 to vector<16xf32>
      %parallel_loop3A_737 = vector.broadcast %parallel_loop3A_735 : f32 to vector<16xf32>
      %parallel_loop3A_738 = arith.select %parallel_loop3A_733, %parallel_loop3A_736, %parallel_loop3A_737 : vector<16xi1>, vector<16xf32>
      %parallel_loop3A_739 = arith.mulf %parallel_loop3A_725, %parallel_loop3A_738 : vector<16xf32>
      %parallel_loop3A_740 = arith.constant 1.000000e+00 : f32
      %parallel_loop3A_741 = vector.broadcast %parallel_loop3A_740 : f32 to vector<16xf32>
      %parallel_loop3A_742 = arith.subf %parallel_loop3A_741, %parallel_loop3A_739 : vector<16xf32>
      %parallel_loop3A_743 = arith.constant 6.400000e+01 : f32
      %parallel_loop3A_744 = vector.broadcast %parallel_loop3A_743 : f32 to vector<16xf32>
      %parallel_loop3A_745 = arith.mulf %parallel_loop3A_742, %parallel_loop3A_744 : vector<16xf32>
      %parallel_loop3A_746 = arith.constant 1.000000e+00 : f32
      %parallel_loop3A_747 = vector.broadcast %parallel_loop3A_746 : f32 to vector<16xf32>
      %parallel_loop3A_748 = arith.addf %parallel_loop3A_745, %parallel_loop3A_747 : vector<16xf32>
      %parallel_loop3A_749 = arith.constant 0.000000e+00 : f32
      %parallel_loop3A_750 = vector.broadcast %parallel_loop3A_749 : f32 to vector<16xf32>
      %parallel_loop3A_751 = arith.maximumf %parallel_loop3A_748, %parallel_loop3A_750 : vector<16xf32>
      %parallel_loop3A_752 = arith.constant 5.120000e+02 : f32
      %parallel_loop3A_753 = vector.broadcast %parallel_loop3A_752 : f32 to vector<16xf32>
      %parallel_loop3A_754 = arith.minimumf %parallel_loop3A_751, %parallel_loop3A_753 : vector<16xf32>
      %parallel_loop3A_755 = arith.fptosi %parallel_loop3A_754 : vector<16xf32> to vector<16xi32>
      %parallel_loop3A_756 = arith.constant 640 : i32
      %parallel_loop3A_757 = vector.broadcast %parallel_loop3A_756 : i32 to vector<16xi32>
      %parallel_loop3A_758 = arith.muli %parallel_loop3A_730, %parallel_loop3A_757 : vector<16xi32>
      %parallel_loop3A_759 = arith.addi %parallel_loop3A_755, %parallel_loop3A_758 : vector<16xi32>
      tpu.vector_store_idx %arg7[%parallel_loop3A_759], %broadcast_in_dim3A_164 {add = true} : memref<1280xf32, #tpu.memory_space<vmem>>[vector<16xi32>], vector<16xf32>,
    } {sc.loop_unroll_factor = 8 : i64, sc.parallel_access}
    %add3A_472 = arith.constant 160 : i32
    %add3A_473 = arith.addi %mul3A_2, %add3A_472 : i32
    %dma_start3A_474 = arith.constant 0 : i32
    %dma_start3A_475 = arith.constant 1 : i32
    %dma_start3A_476 = arith.constant 0 : i32
    %dma_start3A_477 = arith.constant 0 : i32
    %dma_start3A_478 = tpu.memref_slice %arg5[%dma_start3A_475, %dma_start3A_476, %dma_start3A_477] : memref<2x32x512xf32, #tpu.memory_space<vmem>> -> memref<1x32x512xf32, #tpu.memory_space<vmem>>
    %dma_start3A_479 = tpu.memref_squeeze %dma_start3A_478 : memref<1x32x512xf32, #tpu.memory_space<vmem>> -> memref<32x512xf32, #tpu.memory_space<vmem>>
    %dma_start3A_480 = arith.constant 0 : i32
    %dma_start3A_481 = tpu.memref_slice %arg2[%arg1, %dma_start3A_474, %add3A_473, %dma_start3A_480] : memref<16x1x512x512xf32, #tpu.memory_space<hbm>> -> memref<1x1x32x512xf32, #tpu.memory_space<hbm>>
    %dma_start3A_482 = tpu.memref_squeeze %dma_start3A_481 : memref<1x1x32x512xf32, #tpu.memory_space<hbm>> -> memref<32x512xf32, #tpu.memory_space<hbm>>
    %dma_start3A_483 = arith.constant 0 : i32
    %dma_start3A_484 = arith.constant 0 : i32
    %dma_start3A_485 = tpu.memref_slice %arg5[%dma_start3A_475, %dma_start3A_483, %dma_start3A_484] : memref<2x32x512xf32, #tpu.memory_space<vmem>> -> memref<1x32x512xf32, #tpu.memory_space<vmem>>
    %dma_start3A_486 = tpu.memref_squeeze %dma_start3A_485 : memref<1x32x512xf32, #tpu.memory_space<vmem>> -> memref<32x512xf32, #tpu.memory_space<vmem>>
    %dma_start3A_487 = arith.constant 0 : i32
    %dma_start3A_488 = tpu.memref_slice %arg2[%arg1, %dma_start3A_474, %add3A_473, %dma_start3A_487] : memref<16x1x512x512xf32, #tpu.memory_space<hbm>> -> memref<1x1x32x512xf32, #tpu.memory_space<hbm>>
    %dma_start3A_489 = tpu.memref_squeeze %dma_start3A_488 : memref<1x1x32x512xf32, #tpu.memory_space<hbm>> -> memref<32x512xf32, #tpu.memory_space<hbm>>
    tpu.enqueue_dma source(%dma_start3A_489 : memref<32x512xf32, #tpu.memory_space<hbm>>) target(%dma_start3A_486 : memref<32x512xf32, #tpu.memory_space<vmem>>) target_semaphore(%arg9 : memref<!tpu.dma_semaphore, #tpu.memory_space<semaphore_mem>>)
    %dma_start3A_490 = arith.constant 0 : i32
    %dma_start3A_491 = arith.constant 1 : i32
    %dma_start3A_492 = arith.constant 0 : i32
    %dma_start3A_493 = arith.constant 0 : i32
    %dma_start3A_494 = tpu.memref_slice %arg6[%dma_start3A_491, %dma_start3A_492, %dma_start3A_493] : memref<2x32x512xi32, #tpu.memory_space<vmem>> -> memref<1x32x512xi32, #tpu.memory_space<vmem>>
    %dma_start3A_495 = tpu.memref_squeeze %dma_start3A_494 : memref<1x32x512xi32, #tpu.memory_space<vmem>> -> memref<32x512xi32, #tpu.memory_space<vmem>>
    %dma_start3A_496 = arith.constant 0 : i32
    %dma_start3A_497 = tpu.memref_slice %arg3[%arg1, %dma_start3A_490, %add3A_473, %dma_start3A_496] : memref<16x1x512x512xi32, #tpu.memory_space<hbm>> -> memref<1x1x32x512xi32, #tpu.memory_space<hbm>>
    %dma_start3A_498 = tpu.memref_squeeze %dma_start3A_497 : memref<1x1x32x512xi32, #tpu.memory_space<hbm>> -> memref<32x512xi32, #tpu.memory_space<hbm>>
    %dma_start3A_499 = arith.constant 0 : i32
    %dma_start3A_500 = arith.constant 0 : i32
    %dma_start3A_501 = tpu.memref_slice %arg6[%dma_start3A_491, %dma_start3A_499, %dma_start3A_500] : memref<2x32x512xi32, #tpu.memory_space<vmem>> -> memref<1x32x512xi32, #tpu.memory_space<vmem>>
    %dma_start3A_502 = tpu.memref_squeeze %dma_start3A_501 : memref<1x32x512xi32, #tpu.memory_space<vmem>> -> memref<32x512xi32, #tpu.memory_space<vmem>>
    %dma_start3A_503 = arith.constant 0 : i32
    %dma_start3A_504 = tpu.memref_slice %arg3[%arg1, %dma_start3A_490, %add3A_473, %dma_start3A_503] : memref<16x1x512x512xi32, #tpu.memory_space<hbm>> -> memref<1x1x32x512xi32, #tpu.memory_space<hbm>>
    %dma_start3A_505 = tpu.memref_squeeze %dma_start3A_504 : memref<1x1x32x512xi32, #tpu.memory_space<hbm>> -> memref<32x512xi32, #tpu.memory_space<hbm>>
    tpu.enqueue_dma source(%dma_start3A_505 : memref<32x512xi32, #tpu.memory_space<hbm>>) target(%dma_start3A_502 : memref<32x512xi32, #tpu.memory_space<vmem>>) target_semaphore(%arg11 : memref<!tpu.dma_semaphore, #tpu.memory_space<semaphore_mem>>)
    %dma_wait3A_506 = arith.constant 0 : i32
    %dma_wait3A_507 = arith.constant 0 : i32
    %dma_wait3A_508 = arith.constant 0 : i32
    %dma_wait3A_509 = arith.constant 0 : i32
    %dma_wait3A_510 = tpu.memref_slice %arg5[%dma_wait3A_507, %dma_wait3A_508, %dma_wait3A_509] : memref<2x32x512xf32, #tpu.memory_space<vmem>> -> memref<1x32x512xf32, #tpu.memory_space<vmem>>
    %dma_wait3A_511 = tpu.memref_squeeze %dma_wait3A_510 : memref<1x32x512xf32, #tpu.memory_space<vmem>> -> memref<32x512xf32, #tpu.memory_space<vmem>>
    %dma_wait3A_512 = arith.constant 0 : i32
    %dma_wait3A_513 = tpu.memref_slice %arg2[%arg1, %dma_wait3A_506, %add3A_404, %dma_wait3A_512] : memref<16x1x512x512xf32, #tpu.memory_space<hbm>> -> memref<1x1x32x512xf32, #tpu.memory_space<hbm>>
    %dma_wait3A_514 = tpu.memref_squeeze %dma_wait3A_513 : memref<1x1x32x512xf32, #tpu.memory_space<hbm>> -> memref<32x512xf32, #tpu.memory_space<hbm>>
    %dma_wait3A_515 = arith.constant 0 : i32
    %dma_wait3A_516 = arith.constant 0 : i32
    %dma_wait3A_517 = tpu.memref_slice %arg5[%dma_wait3A_507, %dma_wait3A_515, %dma_wait3A_516] : memref<2x32x512xf32, #tpu.memory_space<vmem>> -> memref<1x32x512xf32, #tpu.memory_space<vmem>>
    %dma_wait3A_518 = tpu.memref_squeeze %dma_wait3A_517 : memref<1x32x512xf32, #tpu.memory_space<vmem>> -> memref<32x512xf32, #tpu.memory_space<vmem>>
    %dma_wait3A_519 = arith.constant 0 : i32
    %dma_wait3A_520 = tpu.memref_slice %arg2[%arg1, %dma_wait3A_506, %add3A_404, %dma_wait3A_519] : memref<16x1x512x512xf32, #tpu.memory_space<hbm>> -> memref<1x1x32x512xf32, #tpu.memory_space<hbm>>
    %dma_wait3A_521 = tpu.memref_squeeze %dma_wait3A_520 : memref<1x1x32x512xf32, #tpu.memory_space<hbm>> -> memref<32x512xf32, #tpu.memory_space<hbm>>
    tpu.wait_dma2 semaphore(%arg8 : memref<!tpu.dma_semaphore, #tpu.memory_space<semaphore_mem>>) src(%dma_wait3A_521 : memref<32x512xf32, #tpu.memory_space<hbm>>) dst(%dma_wait3A_518 : memref<32x512xf32, #tpu.memory_space<vmem>>)
    %dma_wait3A_522 = arith.constant 0 : i32
    %dma_wait3A_523 = arith.constant 0 : i32
    %dma_wait3A_524 = arith.constant 0 : i32
    %dma_wait3A_525 = arith.constant 0 : i32
    %dma_wait3A_526 = tpu.memref_slice %arg6[%dma_wait3A_523, %dma_wait3A_524, %dma_wait3A_525] : memref<2x32x512xi32, #tpu.memory_space<vmem>> -> memref<1x32x512xi32, #tpu.memory_space<vmem>>
    %dma_wait3A_527 = tpu.memref_squeeze %dma_wait3A_526 : memref<1x32x512xi32, #tpu.memory_space<vmem>> -> memref<32x512xi32, #tpu.memory_space<vmem>>
    %dma_wait3A_528 = arith.constant 0 : i32
    %dma_wait3A_529 = tpu.memref_slice %arg3[%arg1, %dma_wait3A_522, %add3A_404, %dma_wait3A_528] : memref<16x1x512x512xi32, #tpu.memory_space<hbm>> -> memref<1x1x32x512xi32, #tpu.memory_space<hbm>>
    %dma_wait3A_530 = tpu.memref_squeeze %dma_wait3A_529 : memref<1x1x32x512xi32, #tpu.memory_space<hbm>> -> memref<32x512xi32, #tpu.memory_space<hbm>>
    %dma_wait3A_531 = arith.constant 0 : i32
    %dma_wait3A_532 = arith.constant 0 : i32
    %dma_wait3A_533 = tpu.memref_slice %arg6[%dma_wait3A_523, %dma_wait3A_531, %dma_wait3A_532] : memref<2x32x512xi32, #tpu.memory_space<vmem>> -> memref<1x32x512xi32, #tpu.memory_space<vmem>>
    %dma_wait3A_534 = tpu.memref_squeeze %dma_wait3A_533 : memref<1x32x512xi32, #tpu.memory_space<vmem>> -> memref<32x512xi32, #tpu.memory_space<vmem>>
    %dma_wait3A_535 = arith.constant 0 : i32
    %dma_wait3A_536 = tpu.memref_slice %arg3[%arg1, %dma_wait3A_522, %add3A_404, %dma_wait3A_535] : memref<16x1x512x512xi32, #tpu.memory_space<hbm>> -> memref<1x1x32x512xi32, #tpu.memory_space<hbm>>
    %dma_wait3A_537 = tpu.memref_squeeze %dma_wait3A_536 : memref<1x1x32x512xi32, #tpu.memory_space<hbm>> -> memref<32x512xi32, #tpu.memory_space<hbm>>
    tpu.wait_dma2 semaphore(%arg10 : memref<!tpu.dma_semaphore, #tpu.memory_space<semaphore_mem>>) src(%dma_wait3A_537 : memref<32x512xi32, #tpu.memory_space<hbm>>) dst(%dma_wait3A_534 : memref<32x512xi32, #tpu.memory_space<vmem>>)
    %parallel_loop3A_538 = arith.constant 0 : i32
    %parallel_loop3A_539 = arith.constant 1024 : i32
    %parallel_loop3A_540 = arith.constant 1 : i32
    scf.for %parallel_loop3A_714 = %parallel_loop3A_538 to %parallel_loop3A_539 step %parallel_loop3A_540  : i32 {
      %parallel_loop3A_715 = arith.constant 5 : i32
      %parallel_loop3A_716 = arith.shrsi %parallel_loop3A_714, %parallel_loop3A_715 : i32
      %parallel_loop3A_717 = arith.constant 31 : i32
      %parallel_loop3A_718 = arith.andi %parallel_loop3A_714, %parallel_loop3A_717 : i32
      %parallel_loop3A_719 = arith.constant 16 : i32
      %parallel_loop3A_720 = arith.muli %parallel_loop3A_718, %parallel_loop3A_719 : i32
      %parallel_loop3A_721 = arith.constant 0 : i32
      %parallel_loop3A_722 = arith.index_cast %parallel_loop3A_721 : i32 to index
      %parallel_loop3A_723 = arith.index_cast %parallel_loop3A_716 : i32 to index
      %parallel_loop3A_724 = arith.index_cast %parallel_loop3A_720 : i32 to index
      %parallel_loop3A_725 = tpu.vector_load %arg5[%parallel_loop3A_722, %parallel_loop3A_723, %parallel_loop3A_724] {strides = array<i32>} : memref<2x32x512xf32, #tpu.memory_space<vmem>>, vector<16xf32>,
      %parallel_loop3A_726 = arith.constant 0 : i32
      %parallel_loop3A_727 = arith.index_cast %parallel_loop3A_726 : i32 to index
      %parallel_loop3A_728 = arith.index_cast %parallel_loop3A_716 : i32 to index
      %parallel_loop3A_729 = arith.index_cast %parallel_loop3A_720 : i32 to index
      %parallel_loop3A_730 = tpu.vector_load %arg6[%parallel_loop3A_727, %parallel_loop3A_728, %parallel_loop3A_729] {strides = array<i32>} : memref<2x32x512xi32, #tpu.memory_space<vmem>>, vector<16xi32>,
      %parallel_loop3A_731 = arith.constant 0 : i32
      %parallel_loop3A_732 = vector.broadcast %parallel_loop3A_731 : i32 to vector<16xi32>
      %parallel_loop3A_733 = arith.cmpi sgt, %parallel_loop3A_730, %parallel_loop3A_732 : vector<16xi32>
      %parallel_loop3A_734 = arith.constant 1.000000e+00 : f32
      %parallel_loop3A_735 = arith.constant -1.000000e+00 : f32
      %parallel_loop3A_736 = vector.broadcast %parallel_loop3A_734 : f32 to vector<16xf32>
      %parallel_loop3A_737 = vector.broadcast %parallel_loop3A_735 : f32 to vector<16xf32>
      %parallel_loop3A_738 = arith.select %parallel_loop3A_733, %parallel_loop3A_736, %parallel_loop3A_737 : vector<16xi1>, vector<16xf32>
      %parallel_loop3A_739 = arith.mulf %parallel_loop3A_725, %parallel_loop3A_738 : vector<16xf32>
      %parallel_loop3A_740 = arith.constant 1.000000e+00 : f32
      %parallel_loop3A_741 = vector.broadcast %parallel_loop3A_740 : f32 to vector<16xf32>
      %parallel_loop3A_742 = arith.subf %parallel_loop3A_741, %parallel_loop3A_739 : vector<16xf32>
      %parallel_loop3A_743 = arith.constant 6.400000e+01 : f32
      %parallel_loop3A_744 = vector.broadcast %parallel_loop3A_743 : f32 to vector<16xf32>
      %parallel_loop3A_745 = arith.mulf %parallel_loop3A_742, %parallel_loop3A_744 : vector<16xf32>
      %parallel_loop3A_746 = arith.constant 1.000000e+00 : f32
      %parallel_loop3A_747 = vector.broadcast %parallel_loop3A_746 : f32 to vector<16xf32>
      %parallel_loop3A_748 = arith.addf %parallel_loop3A_745, %parallel_loop3A_747 : vector<16xf32>
      %parallel_loop3A_749 = arith.constant 0.000000e+00 : f32
      %parallel_loop3A_750 = vector.broadcast %parallel_loop3A_749 : f32 to vector<16xf32>
      %parallel_loop3A_751 = arith.maximumf %parallel_loop3A_748, %parallel_loop3A_750 : vector<16xf32>
      %parallel_loop3A_752 = arith.constant 5.120000e+02 : f32
      %parallel_loop3A_753 = vector.broadcast %parallel_loop3A_752 : f32 to vector<16xf32>
      %parallel_loop3A_754 = arith.minimumf %parallel_loop3A_751, %parallel_loop3A_753 : vector<16xf32>
      %parallel_loop3A_755 = arith.fptosi %parallel_loop3A_754 : vector<16xf32> to vector<16xi32>
      %parallel_loop3A_756 = arith.constant 640 : i32
      %parallel_loop3A_757 = vector.broadcast %parallel_loop3A_756 : i32 to vector<16xi32>
      %parallel_loop3A_758 = arith.muli %parallel_loop3A_730, %parallel_loop3A_757 : vector<16xi32>
      %parallel_loop3A_759 = arith.addi %parallel_loop3A_755, %parallel_loop3A_758 : vector<16xi32>
      tpu.vector_store_idx %arg7[%parallel_loop3A_759], %broadcast_in_dim3A_164 {add = true} : memref<1280xf32, #tpu.memory_space<vmem>>[vector<16xi32>], vector<16xf32>,
    } {sc.loop_unroll_factor = 8 : i64, sc.parallel_access}
    %add3A_541 = arith.constant 192 : i32
    %add3A_542 = arith.addi %mul3A_2, %add3A_541 : i32
    %dma_start3A_543 = arith.constant 0 : i32
    %dma_start3A_544 = arith.constant 0 : i32
    %dma_start3A_545 = arith.constant 0 : i32
    %dma_start3A_546 = arith.constant 0 : i32
    %dma_start3A_547 = tpu.memref_slice %arg5[%dma_start3A_544, %dma_start3A_545, %dma_start3A_546] : memref<2x32x512xf32, #tpu.memory_space<vmem>> -> memref<1x32x512xf32, #tpu.memory_space<vmem>>
    %dma_start3A_548 = tpu.memref_squeeze %dma_start3A_547 : memref<1x32x512xf32, #tpu.memory_space<vmem>> -> memref<32x512xf32, #tpu.memory_space<vmem>>
    %dma_start3A_549 = arith.constant 0 : i32
    %dma_start3A_550 = tpu.memref_slice %arg2[%arg1, %dma_start3A_543, %add3A_542, %dma_start3A_549] : memref<16x1x512x512xf32, #tpu.memory_space<hbm>> -> memref<1x1x32x512xf32, #tpu.memory_space<hbm>>
    %dma_start3A_551 = tpu.memref_squeeze %dma_start3A_550 : memref<1x1x32x512xf32, #tpu.memory_space<hbm>> -> memref<32x512xf32, #tpu.memory_space<hbm>>
    %dma_start3A_552 = arith.constant 0 : i32
    %dma_start3A_553 = arith.constant 0 : i32
    %dma_start3A_554 = tpu.memref_slice %arg5[%dma_start3A_544, %dma_start3A_552, %dma_start3A_553] : memref<2x32x512xf32, #tpu.memory_space<vmem>> -> memref<1x32x512xf32, #tpu.memory_space<vmem>>
    %dma_start3A_555 = tpu.memref_squeeze %dma_start3A_554 : memref<1x32x512xf32, #tpu.memory_space<vmem>> -> memref<32x512xf32, #tpu.memory_space<vmem>>
    %dma_start3A_556 = arith.constant 0 : i32
    %dma_start3A_557 = tpu.memref_slice %arg2[%arg1, %dma_start3A_543, %add3A_542, %dma_start3A_556] : memref<16x1x512x512xf32, #tpu.memory_space<hbm>> -> memref<1x1x32x512xf32, #tpu.memory_space<hbm>>
    %dma_start3A_558 = tpu.memref_squeeze %dma_start3A_557 : memref<1x1x32x512xf32, #tpu.memory_space<hbm>> -> memref<32x512xf32, #tpu.memory_space<hbm>>
    tpu.enqueue_dma source(%dma_start3A_558 : memref<32x512xf32, #tpu.memory_space<hbm>>) target(%dma_start3A_555 : memref<32x512xf32, #tpu.memory_space<vmem>>) target_semaphore(%arg8 : memref<!tpu.dma_semaphore, #tpu.memory_space<semaphore_mem>>)
    %dma_start3A_559 = arith.constant 0 : i32
    %dma_start3A_560 = arith.constant 0 : i32
    %dma_start3A_561 = arith.constant 0 : i32
    %dma_start3A_562 = arith.constant 0 : i32
    %dma_start3A_563 = tpu.memref_slice %arg6[%dma_start3A_560, %dma_start3A_561, %dma_start3A_562] : memref<2x32x512xi32, #tpu.memory_space<vmem>> -> memref<1x32x512xi32, #tpu.memory_space<vmem>>
    %dma_start3A_564 = tpu.memref_squeeze %dma_start3A_563 : memref<1x32x512xi32, #tpu.memory_space<vmem>> -> memref<32x512xi32, #tpu.memory_space<vmem>>
    %dma_start3A_565 = arith.constant 0 : i32
    %dma_start3A_566 = tpu.memref_slice %arg3[%arg1, %dma_start3A_559, %add3A_542, %dma_start3A_565] : memref<16x1x512x512xi32, #tpu.memory_space<hbm>> -> memref<1x1x32x512xi32, #tpu.memory_space<hbm>>
    %dma_start3A_567 = tpu.memref_squeeze %dma_start3A_566 : memref<1x1x32x512xi32, #tpu.memory_space<hbm>> -> memref<32x512xi32, #tpu.memory_space<hbm>>
    %dma_start3A_568 = arith.constant 0 : i32
    %dma_start3A_569 = arith.constant 0 : i32
    %dma_start3A_570 = tpu.memref_slice %arg6[%dma_start3A_560, %dma_start3A_568, %dma_start3A_569] : memref<2x32x512xi32, #tpu.memory_space<vmem>> -> memref<1x32x512xi32, #tpu.memory_space<vmem>>
    %dma_start3A_571 = tpu.memref_squeeze %dma_start3A_570 : memref<1x32x512xi32, #tpu.memory_space<vmem>> -> memref<32x512xi32, #tpu.memory_space<vmem>>
    %dma_start3A_572 = arith.constant 0 : i32
    %dma_start3A_573 = tpu.memref_slice %arg3[%arg1, %dma_start3A_559, %add3A_542, %dma_start3A_572] : memref<16x1x512x512xi32, #tpu.memory_space<hbm>> -> memref<1x1x32x512xi32, #tpu.memory_space<hbm>>
    %dma_start3A_574 = tpu.memref_squeeze %dma_start3A_573 : memref<1x1x32x512xi32, #tpu.memory_space<hbm>> -> memref<32x512xi32, #tpu.memory_space<hbm>>
    tpu.enqueue_dma source(%dma_start3A_574 : memref<32x512xi32, #tpu.memory_space<hbm>>) target(%dma_start3A_571 : memref<32x512xi32, #tpu.memory_space<vmem>>) target_semaphore(%arg10 : memref<!tpu.dma_semaphore, #tpu.memory_space<semaphore_mem>>)
    %dma_wait3A_575 = arith.constant 0 : i32
    %dma_wait3A_576 = arith.constant 1 : i32
    %dma_wait3A_577 = arith.constant 0 : i32
    %dma_wait3A_578 = arith.constant 0 : i32
    %dma_wait3A_579 = tpu.memref_slice %arg5[%dma_wait3A_576, %dma_wait3A_577, %dma_wait3A_578] : memref<2x32x512xf32, #tpu.memory_space<vmem>> -> memref<1x32x512xf32, #tpu.memory_space<vmem>>
    %dma_wait3A_580 = tpu.memref_squeeze %dma_wait3A_579 : memref<1x32x512xf32, #tpu.memory_space<vmem>> -> memref<32x512xf32, #tpu.memory_space<vmem>>
    %dma_wait3A_581 = arith.constant 0 : i32
    %dma_wait3A_582 = tpu.memref_slice %arg2[%arg1, %dma_wait3A_575, %add3A_473, %dma_wait3A_581] : memref<16x1x512x512xf32, #tpu.memory_space<hbm>> -> memref<1x1x32x512xf32, #tpu.memory_space<hbm>>
    %dma_wait3A_583 = tpu.memref_squeeze %dma_wait3A_582 : memref<1x1x32x512xf32, #tpu.memory_space<hbm>> -> memref<32x512xf32, #tpu.memory_space<hbm>>
    %dma_wait3A_584 = arith.constant 0 : i32
    %dma_wait3A_585 = arith.constant 0 : i32
    %dma_wait3A_586 = tpu.memref_slice %arg5[%dma_wait3A_576, %dma_wait3A_584, %dma_wait3A_585] : memref<2x32x512xf32, #tpu.memory_space<vmem>> -> memref<1x32x512xf32, #tpu.memory_space<vmem>>
    %dma_wait3A_587 = tpu.memref_squeeze %dma_wait3A_586 : memref<1x32x512xf32, #tpu.memory_space<vmem>> -> memref<32x512xf32, #tpu.memory_space<vmem>>
    %dma_wait3A_588 = arith.constant 0 : i32
    %dma_wait3A_589 = tpu.memref_slice %arg2[%arg1, %dma_wait3A_575, %add3A_473, %dma_wait3A_588] : memref<16x1x512x512xf32, #tpu.memory_space<hbm>> -> memref<1x1x32x512xf32, #tpu.memory_space<hbm>>
    %dma_wait3A_590 = tpu.memref_squeeze %dma_wait3A_589 : memref<1x1x32x512xf32, #tpu.memory_space<hbm>> -> memref<32x512xf32, #tpu.memory_space<hbm>>
    tpu.wait_dma2 semaphore(%arg9 : memref<!tpu.dma_semaphore, #tpu.memory_space<semaphore_mem>>) src(%dma_wait3A_590 : memref<32x512xf32, #tpu.memory_space<hbm>>) dst(%dma_wait3A_587 : memref<32x512xf32, #tpu.memory_space<vmem>>)
    %dma_wait3A_591 = arith.constant 0 : i32
    %dma_wait3A_592 = arith.constant 1 : i32
    %dma_wait3A_593 = arith.constant 0 : i32
    %dma_wait3A_594 = arith.constant 0 : i32
    %dma_wait3A_595 = tpu.memref_slice %arg6[%dma_wait3A_592, %dma_wait3A_593, %dma_wait3A_594] : memref<2x32x512xi32, #tpu.memory_space<vmem>> -> memref<1x32x512xi32, #tpu.memory_space<vmem>>
    %dma_wait3A_596 = tpu.memref_squeeze %dma_wait3A_595 : memref<1x32x512xi32, #tpu.memory_space<vmem>> -> memref<32x512xi32, #tpu.memory_space<vmem>>
    %dma_wait3A_597 = arith.constant 0 : i32
    %dma_wait3A_598 = tpu.memref_slice %arg3[%arg1, %dma_wait3A_591, %add3A_473, %dma_wait3A_597] : memref<16x1x512x512xi32, #tpu.memory_space<hbm>> -> memref<1x1x32x512xi32, #tpu.memory_space<hbm>>
    %dma_wait3A_599 = tpu.memref_squeeze %dma_wait3A_598 : memref<1x1x32x512xi32, #tpu.memory_space<hbm>> -> memref<32x512xi32, #tpu.memory_space<hbm>>
    %dma_wait3A_600 = arith.constant 0 : i32
    %dma_wait3A_601 = arith.constant 0 : i32
    %dma_wait3A_602 = tpu.memref_slice %arg6[%dma_wait3A_592, %dma_wait3A_600, %dma_wait3A_601] : memref<2x32x512xi32, #tpu.memory_space<vmem>> -> memref<1x32x512xi32, #tpu.memory_space<vmem>>
    %dma_wait3A_603 = tpu.memref_squeeze %dma_wait3A_602 : memref<1x32x512xi32, #tpu.memory_space<vmem>> -> memref<32x512xi32, #tpu.memory_space<vmem>>
    %dma_wait3A_604 = arith.constant 0 : i32
    %dma_wait3A_605 = tpu.memref_slice %arg3[%arg1, %dma_wait3A_591, %add3A_473, %dma_wait3A_604] : memref<16x1x512x512xi32, #tpu.memory_space<hbm>> -> memref<1x1x32x512xi32, #tpu.memory_space<hbm>>
    %dma_wait3A_606 = tpu.memref_squeeze %dma_wait3A_605 : memref<1x1x32x512xi32, #tpu.memory_space<hbm>> -> memref<32x512xi32, #tpu.memory_space<hbm>>
    tpu.wait_dma2 semaphore(%arg11 : memref<!tpu.dma_semaphore, #tpu.memory_space<semaphore_mem>>) src(%dma_wait3A_606 : memref<32x512xi32, #tpu.memory_space<hbm>>) dst(%dma_wait3A_603 : memref<32x512xi32, #tpu.memory_space<vmem>>)
    %parallel_loop3A_607 = arith.constant 0 : i32
    %parallel_loop3A_608 = arith.constant 1024 : i32
    %parallel_loop3A_609 = arith.constant 1 : i32
    scf.for %parallel_loop3A_714 = %parallel_loop3A_607 to %parallel_loop3A_608 step %parallel_loop3A_609  : i32 {
      %parallel_loop3A_715 = arith.constant 5 : i32
      %parallel_loop3A_716 = arith.shrsi %parallel_loop3A_714, %parallel_loop3A_715 : i32
      %parallel_loop3A_717 = arith.constant 31 : i32
      %parallel_loop3A_718 = arith.andi %parallel_loop3A_714, %parallel_loop3A_717 : i32
      %parallel_loop3A_719 = arith.constant 16 : i32
      %parallel_loop3A_720 = arith.muli %parallel_loop3A_718, %parallel_loop3A_719 : i32
      %parallel_loop3A_721 = arith.constant 1 : i32
      %parallel_loop3A_722 = arith.index_cast %parallel_loop3A_721 : i32 to index
      %parallel_loop3A_723 = arith.index_cast %parallel_loop3A_716 : i32 to index
      %parallel_loop3A_724 = arith.index_cast %parallel_loop3A_720 : i32 to index
      %parallel_loop3A_725 = tpu.vector_load %arg5[%parallel_loop3A_722, %parallel_loop3A_723, %parallel_loop3A_724] {strides = array<i32>} : memref<2x32x512xf32, #tpu.memory_space<vmem>>, vector<16xf32>,
      %parallel_loop3A_726 = arith.constant 1 : i32
      %parallel_loop3A_727 = arith.index_cast %parallel_loop3A_726 : i32 to index
      %parallel_loop3A_728 = arith.index_cast %parallel_loop3A_716 : i32 to index
      %parallel_loop3A_729 = arith.index_cast %parallel_loop3A_720 : i32 to index
      %parallel_loop3A_730 = tpu.vector_load %arg6[%parallel_loop3A_727, %parallel_loop3A_728, %parallel_loop3A_729] {strides = array<i32>} : memref<2x32x512xi32, #tpu.memory_space<vmem>>, vector<16xi32>,
      %parallel_loop3A_731 = arith.constant 0 : i32
      %parallel_loop3A_732 = vector.broadcast %parallel_loop3A_731 : i32 to vector<16xi32>
      %parallel_loop3A_733 = arith.cmpi sgt, %parallel_loop3A_730, %parallel_loop3A_732 : vector<16xi32>
      %parallel_loop3A_734 = arith.constant 1.000000e+00 : f32
      %parallel_loop3A_735 = arith.constant -1.000000e+00 : f32
      %parallel_loop3A_736 = vector.broadcast %parallel_loop3A_734 : f32 to vector<16xf32>
      %parallel_loop3A_737 = vector.broadcast %parallel_loop3A_735 : f32 to vector<16xf32>
      %parallel_loop3A_738 = arith.select %parallel_loop3A_733, %parallel_loop3A_736, %parallel_loop3A_737 : vector<16xi1>, vector<16xf32>
      %parallel_loop3A_739 = arith.mulf %parallel_loop3A_725, %parallel_loop3A_738 : vector<16xf32>
      %parallel_loop3A_740 = arith.constant 1.000000e+00 : f32
      %parallel_loop3A_741 = vector.broadcast %parallel_loop3A_740 : f32 to vector<16xf32>
      %parallel_loop3A_742 = arith.subf %parallel_loop3A_741, %parallel_loop3A_739 : vector<16xf32>
      %parallel_loop3A_743 = arith.constant 6.400000e+01 : f32
      %parallel_loop3A_744 = vector.broadcast %parallel_loop3A_743 : f32 to vector<16xf32>
      %parallel_loop3A_745 = arith.mulf %parallel_loop3A_742, %parallel_loop3A_744 : vector<16xf32>
      %parallel_loop3A_746 = arith.constant 1.000000e+00 : f32
      %parallel_loop3A_747 = vector.broadcast %parallel_loop3A_746 : f32 to vector<16xf32>
      %parallel_loop3A_748 = arith.addf %parallel_loop3A_745, %parallel_loop3A_747 : vector<16xf32>
      %parallel_loop3A_749 = arith.constant 0.000000e+00 : f32
      %parallel_loop3A_750 = vector.broadcast %parallel_loop3A_749 : f32 to vector<16xf32>
      %parallel_loop3A_751 = arith.maximumf %parallel_loop3A_748, %parallel_loop3A_750 : vector<16xf32>
      %parallel_loop3A_752 = arith.constant 5.120000e+02 : f32
      %parallel_loop3A_753 = vector.broadcast %parallel_loop3A_752 : f32 to vector<16xf32>
      %parallel_loop3A_754 = arith.minimumf %parallel_loop3A_751, %parallel_loop3A_753 : vector<16xf32>
      %parallel_loop3A_755 = arith.fptosi %parallel_loop3A_754 : vector<16xf32> to vector<16xi32>
      %parallel_loop3A_756 = arith.constant 640 : i32
      %parallel_loop3A_757 = vector.broadcast %parallel_loop3A_756 : i32 to vector<16xi32>
      %parallel_loop3A_758 = arith.muli %parallel_loop3A_730, %parallel_loop3A_757 : vector<16xi32>
      %parallel_loop3A_759 = arith.addi %parallel_loop3A_755, %parallel_loop3A_758 : vector<16xi32>
      tpu.vector_store_idx %arg7[%parallel_loop3A_759], %broadcast_in_dim3A_164 {add = true} : memref<1280xf32, #tpu.memory_space<vmem>>[vector<16xi32>], vector<16xf32>,
    } {sc.loop_unroll_factor = 8 : i64, sc.parallel_access}
    %add3A_610 = arith.constant 224 : i32
    %add3A_611 = arith.addi %mul3A_2, %add3A_610 : i32
    %dma_start3A_612 = arith.constant 0 : i32
    %dma_start3A_613 = arith.constant 1 : i32
    %dma_start3A_614 = arith.constant 0 : i32
    %dma_start3A_615 = arith.constant 0 : i32
    %dma_start3A_616 = tpu.memref_slice %arg5[%dma_start3A_613, %dma_start3A_614, %dma_start3A_615] : memref<2x32x512xf32, #tpu.memory_space<vmem>> -> memref<1x32x512xf32, #tpu.memory_space<vmem>>
    %dma_start3A_617 = tpu.memref_squeeze %dma_start3A_616 : memref<1x32x512xf32, #tpu.memory_space<vmem>> -> memref<32x512xf32, #tpu.memory_space<vmem>>
    %dma_start3A_618 = arith.constant 0 : i32
    %dma_start3A_619 = tpu.memref_slice %arg2[%arg1, %dma_start3A_612, %add3A_611, %dma_start3A_618] : memref<16x1x512x512xf32, #tpu.memory_space<hbm>> -> memref<1x1x32x512xf32, #tpu.memory_space<hbm>>
    %dma_start3A_620 = tpu.memref_squeeze %dma_start3A_619 : memref<1x1x32x512xf32, #tpu.memory_space<hbm>> -> memref<32x512xf32, #tpu.memory_space<hbm>>
    %dma_start3A_621 = arith.constant 0 : i32
    %dma_start3A_622 = arith.constant 0 : i32
    %dma_start3A_623 = tpu.memref_slice %arg5[%dma_start3A_613, %dma_start3A_621, %dma_start3A_622] : memref<2x32x512xf32, #tpu.memory_space<vmem>> -> memref<1x32x512xf32, #tpu.memory_space<vmem>>
    %dma_start3A_624 = tpu.memref_squeeze %dma_start3A_623 : memref<1x32x512xf32, #tpu.memory_space<vmem>> -> memref<32x512xf32, #tpu.memory_space<vmem>>
    %dma_start3A_625 = arith.constant 0 : i32
    %dma_start3A_626 = tpu.memref_slice %arg2[%arg1, %dma_start3A_612, %add3A_611, %dma_start3A_625] : memref<16x1x512x512xf32, #tpu.memory_space<hbm>> -> memref<1x1x32x512xf32, #tpu.memory_space<hbm>>
    %dma_start3A_627 = tpu.memref_squeeze %dma_start3A_626 : memref<1x1x32x512xf32, #tpu.memory_space<hbm>> -> memref<32x512xf32, #tpu.memory_space<hbm>>
    tpu.enqueue_dma source(%dma_start3A_627 : memref<32x512xf32, #tpu.memory_space<hbm>>) target(%dma_start3A_624 : memref<32x512xf32, #tpu.memory_space<vmem>>) target_semaphore(%arg9 : memref<!tpu.dma_semaphore, #tpu.memory_space<semaphore_mem>>)
    %dma_start3A_628 = arith.constant 0 : i32
    %dma_start3A_629 = arith.constant 1 : i32
    %dma_start3A_630 = arith.constant 0 : i32
    %dma_start3A_631 = arith.constant 0 : i32
    %dma_start3A_632 = tpu.memref_slice %arg6[%dma_start3A_629, %dma_start3A_630, %dma_start3A_631] : memref<2x32x512xi32, #tpu.memory_space<vmem>> -> memref<1x32x512xi32, #tpu.memory_space<vmem>>
    %dma_start3A_633 = tpu.memref_squeeze %dma_start3A_632 : memref<1x32x512xi32, #tpu.memory_space<vmem>> -> memref<32x512xi32, #tpu.memory_space<vmem>>
    %dma_start3A_634 = arith.constant 0 : i32
    %dma_start3A_635 = tpu.memref_slice %arg3[%arg1, %dma_start3A_628, %add3A_611, %dma_start3A_634] : memref<16x1x512x512xi32, #tpu.memory_space<hbm>> -> memref<1x1x32x512xi32, #tpu.memory_space<hbm>>
    %dma_start3A_636 = tpu.memref_squeeze %dma_start3A_635 : memref<1x1x32x512xi32, #tpu.memory_space<hbm>> -> memref<32x512xi32, #tpu.memory_space<hbm>>
    %dma_start3A_637 = arith.constant 0 : i32
    %dma_start3A_638 = arith.constant 0 : i32
    %dma_start3A_639 = tpu.memref_slice %arg6[%dma_start3A_629, %dma_start3A_637, %dma_start3A_638] : memref<2x32x512xi32, #tpu.memory_space<vmem>> -> memref<1x32x512xi32, #tpu.memory_space<vmem>>
    %dma_start3A_640 = tpu.memref_squeeze %dma_start3A_639 : memref<1x32x512xi32, #tpu.memory_space<vmem>> -> memref<32x512xi32, #tpu.memory_space<vmem>>
    %dma_start3A_641 = arith.constant 0 : i32
    %dma_start3A_642 = tpu.memref_slice %arg3[%arg1, %dma_start3A_628, %add3A_611, %dma_start3A_641] : memref<16x1x512x512xi32, #tpu.memory_space<hbm>> -> memref<1x1x32x512xi32, #tpu.memory_space<hbm>>
    %dma_start3A_643 = tpu.memref_squeeze %dma_start3A_642 : memref<1x1x32x512xi32, #tpu.memory_space<hbm>> -> memref<32x512xi32, #tpu.memory_space<hbm>>
    tpu.enqueue_dma source(%dma_start3A_643 : memref<32x512xi32, #tpu.memory_space<hbm>>) target(%dma_start3A_640 : memref<32x512xi32, #tpu.memory_space<vmem>>) target_semaphore(%arg11 : memref<!tpu.dma_semaphore, #tpu.memory_space<semaphore_mem>>)
    %dma_wait3A_644 = arith.constant 0 : i32
    %dma_wait3A_645 = arith.constant 0 : i32
    %dma_wait3A_646 = arith.constant 0 : i32
    %dma_wait3A_647 = arith.constant 0 : i32
    %dma_wait3A_648 = tpu.memref_slice %arg5[%dma_wait3A_645, %dma_wait3A_646, %dma_wait3A_647] : memref<2x32x512xf32, #tpu.memory_space<vmem>> -> memref<1x32x512xf32, #tpu.memory_space<vmem>>
    %dma_wait3A_649 = tpu.memref_squeeze %dma_wait3A_648 : memref<1x32x512xf32, #tpu.memory_space<vmem>> -> memref<32x512xf32, #tpu.memory_space<vmem>>
    %dma_wait3A_650 = arith.constant 0 : i32
    %dma_wait3A_651 = tpu.memref_slice %arg2[%arg1, %dma_wait3A_644, %add3A_542, %dma_wait3A_650] : memref<16x1x512x512xf32, #tpu.memory_space<hbm>> -> memref<1x1x32x512xf32, #tpu.memory_space<hbm>>
    %dma_wait3A_652 = tpu.memref_squeeze %dma_wait3A_651 : memref<1x1x32x512xf32, #tpu.memory_space<hbm>> -> memref<32x512xf32, #tpu.memory_space<hbm>>
    %dma_wait3A_653 = arith.constant 0 : i32
    %dma_wait3A_654 = arith.constant 0 : i32
    %dma_wait3A_655 = tpu.memref_slice %arg5[%dma_wait3A_645, %dma_wait3A_653, %dma_wait3A_654] : memref<2x32x512xf32, #tpu.memory_space<vmem>> -> memref<1x32x512xf32, #tpu.memory_space<vmem>>
    %dma_wait3A_656 = tpu.memref_squeeze %dma_wait3A_655 : memref<1x32x512xf32, #tpu.memory_space<vmem>> -> memref<32x512xf32, #tpu.memory_space<vmem>>
    %dma_wait3A_657 = arith.constant 0 : i32
    %dma_wait3A_658 = tpu.memref_slice %arg2[%arg1, %dma_wait3A_644, %add3A_542, %dma_wait3A_657] : memref<16x1x512x512xf32, #tpu.memory_space<hbm>> -> memref<1x1x32x512xf32, #tpu.memory_space<hbm>>
    %dma_wait3A_659 = tpu.memref_squeeze %dma_wait3A_658 : memref<1x1x32x512xf32, #tpu.memory_space<hbm>> -> memref<32x512xf32, #tpu.memory_space<hbm>>
    tpu.wait_dma2 semaphore(%arg8 : memref<!tpu.dma_semaphore, #tpu.memory_space<semaphore_mem>>) src(%dma_wait3A_659 : memref<32x512xf32, #tpu.memory_space<hbm>>) dst(%dma_wait3A_656 : memref<32x512xf32, #tpu.memory_space<vmem>>)
    %dma_wait3A_660 = arith.constant 0 : i32
    %dma_wait3A_661 = arith.constant 0 : i32
    %dma_wait3A_662 = arith.constant 0 : i32
    %dma_wait3A_663 = arith.constant 0 : i32
    %dma_wait3A_664 = tpu.memref_slice %arg6[%dma_wait3A_661, %dma_wait3A_662, %dma_wait3A_663] : memref<2x32x512xi32, #tpu.memory_space<vmem>> -> memref<1x32x512xi32, #tpu.memory_space<vmem>>
    %dma_wait3A_665 = tpu.memref_squeeze %dma_wait3A_664 : memref<1x32x512xi32, #tpu.memory_space<vmem>> -> memref<32x512xi32, #tpu.memory_space<vmem>>
    %dma_wait3A_666 = arith.constant 0 : i32
    %dma_wait3A_667 = tpu.memref_slice %arg3[%arg1, %dma_wait3A_660, %add3A_542, %dma_wait3A_666] : memref<16x1x512x512xi32, #tpu.memory_space<hbm>> -> memref<1x1x32x512xi32, #tpu.memory_space<hbm>>
    %dma_wait3A_668 = tpu.memref_squeeze %dma_wait3A_667 : memref<1x1x32x512xi32, #tpu.memory_space<hbm>> -> memref<32x512xi32, #tpu.memory_space<hbm>>
    %dma_wait3A_669 = arith.constant 0 : i32
    %dma_wait3A_670 = arith.constant 0 : i32
    %dma_wait3A_671 = tpu.memref_slice %arg6[%dma_wait3A_661, %dma_wait3A_669, %dma_wait3A_670] : memref<2x32x512xi32, #tpu.memory_space<vmem>> -> memref<1x32x512xi32, #tpu.memory_space<vmem>>
    %dma_wait3A_672 = tpu.memref_squeeze %dma_wait3A_671 : memref<1x32x512xi32, #tpu.memory_space<vmem>> -> memref<32x512xi32, #tpu.memory_space<vmem>>
    %dma_wait3A_673 = arith.constant 0 : i32
    %dma_wait3A_674 = tpu.memref_slice %arg3[%arg1, %dma_wait3A_660, %add3A_542, %dma_wait3A_673] : memref<16x1x512x512xi32, #tpu.memory_space<hbm>> -> memref<1x1x32x512xi32, #tpu.memory_space<hbm>>
    %dma_wait3A_675 = tpu.memref_squeeze %dma_wait3A_674 : memref<1x1x32x512xi32, #tpu.memory_space<hbm>> -> memref<32x512xi32, #tpu.memory_space<hbm>>
    tpu.wait_dma2 semaphore(%arg10 : memref<!tpu.dma_semaphore, #tpu.memory_space<semaphore_mem>>) src(%dma_wait3A_675 : memref<32x512xi32, #tpu.memory_space<hbm>>) dst(%dma_wait3A_672 : memref<32x512xi32, #tpu.memory_space<vmem>>)
    %parallel_loop3A_676 = arith.constant 0 : i32
    %parallel_loop3A_677 = arith.constant 1024 : i32
    %parallel_loop3A_678 = arith.constant 1 : i32
    scf.for %parallel_loop3A_714 = %parallel_loop3A_676 to %parallel_loop3A_677 step %parallel_loop3A_678  : i32 {
      %parallel_loop3A_715 = arith.constant 5 : i32
      %parallel_loop3A_716 = arith.shrsi %parallel_loop3A_714, %parallel_loop3A_715 : i32
      %parallel_loop3A_717 = arith.constant 31 : i32
      %parallel_loop3A_718 = arith.andi %parallel_loop3A_714, %parallel_loop3A_717 : i32
      %parallel_loop3A_719 = arith.constant 16 : i32
      %parallel_loop3A_720 = arith.muli %parallel_loop3A_718, %parallel_loop3A_719 : i32
      %parallel_loop3A_721 = arith.constant 0 : i32
      %parallel_loop3A_722 = arith.index_cast %parallel_loop3A_721 : i32 to index
      %parallel_loop3A_723 = arith.index_cast %parallel_loop3A_716 : i32 to index
      %parallel_loop3A_724 = arith.index_cast %parallel_loop3A_720 : i32 to index
      %parallel_loop3A_725 = tpu.vector_load %arg5[%parallel_loop3A_722, %parallel_loop3A_723, %parallel_loop3A_724] {strides = array<i32>} : memref<2x32x512xf32, #tpu.memory_space<vmem>>, vector<16xf32>,
      %parallel_loop3A_726 = arith.constant 0 : i32
      %parallel_loop3A_727 = arith.index_cast %parallel_loop3A_726 : i32 to index
      %parallel_loop3A_728 = arith.index_cast %parallel_loop3A_716 : i32 to index
      %parallel_loop3A_729 = arith.index_cast %parallel_loop3A_720 : i32 to index
      %parallel_loop3A_730 = tpu.vector_load %arg6[%parallel_loop3A_727, %parallel_loop3A_728, %parallel_loop3A_729] {strides = array<i32>} : memref<2x32x512xi32, #tpu.memory_space<vmem>>, vector<16xi32>,
      %parallel_loop3A_731 = arith.constant 0 : i32
      %parallel_loop3A_732 = vector.broadcast %parallel_loop3A_731 : i32 to vector<16xi32>
      %parallel_loop3A_733 = arith.cmpi sgt, %parallel_loop3A_730, %parallel_loop3A_732 : vector<16xi32>
      %parallel_loop3A_734 = arith.constant 1.000000e+00 : f32
      %parallel_loop3A_735 = arith.constant -1.000000e+00 : f32
      %parallel_loop3A_736 = vector.broadcast %parallel_loop3A_734 : f32 to vector<16xf32>
      %parallel_loop3A_737 = vector.broadcast %parallel_loop3A_735 : f32 to vector<16xf32>
      %parallel_loop3A_738 = arith.select %parallel_loop3A_733, %parallel_loop3A_736, %parallel_loop3A_737 : vector<16xi1>, vector<16xf32>
      %parallel_loop3A_739 = arith.mulf %parallel_loop3A_725, %parallel_loop3A_738 : vector<16xf32>
      %parallel_loop3A_740 = arith.constant 1.000000e+00 : f32
      %parallel_loop3A_741 = vector.broadcast %parallel_loop3A_740 : f32 to vector<16xf32>
      %parallel_loop3A_742 = arith.subf %parallel_loop3A_741, %parallel_loop3A_739 : vector<16xf32>
      %parallel_loop3A_743 = arith.constant 6.400000e+01 : f32
      %parallel_loop3A_744 = vector.broadcast %parallel_loop3A_743 : f32 to vector<16xf32>
      %parallel_loop3A_745 = arith.mulf %parallel_loop3A_742, %parallel_loop3A_744 : vector<16xf32>
      %parallel_loop3A_746 = arith.constant 1.000000e+00 : f32
      %parallel_loop3A_747 = vector.broadcast %parallel_loop3A_746 : f32 to vector<16xf32>
      %parallel_loop3A_748 = arith.addf %parallel_loop3A_745, %parallel_loop3A_747 : vector<16xf32>
      %parallel_loop3A_749 = arith.constant 0.000000e+00 : f32
      %parallel_loop3A_750 = vector.broadcast %parallel_loop3A_749 : f32 to vector<16xf32>
      %parallel_loop3A_751 = arith.maximumf %parallel_loop3A_748, %parallel_loop3A_750 : vector<16xf32>
      %parallel_loop3A_752 = arith.constant 5.120000e+02 : f32
      %parallel_loop3A_753 = vector.broadcast %parallel_loop3A_752 : f32 to vector<16xf32>
      %parallel_loop3A_754 = arith.minimumf %parallel_loop3A_751, %parallel_loop3A_753 : vector<16xf32>
      %parallel_loop3A_755 = arith.fptosi %parallel_loop3A_754 : vector<16xf32> to vector<16xi32>
      %parallel_loop3A_756 = arith.constant 640 : i32
      %parallel_loop3A_757 = vector.broadcast %parallel_loop3A_756 : i32 to vector<16xi32>
      %parallel_loop3A_758 = arith.muli %parallel_loop3A_730, %parallel_loop3A_757 : vector<16xi32>
      %parallel_loop3A_759 = arith.addi %parallel_loop3A_755, %parallel_loop3A_758 : vector<16xi32>
      tpu.vector_store_idx %arg7[%parallel_loop3A_759], %broadcast_in_dim3A_164 {add = true} : memref<1280xf32, #tpu.memory_space<vmem>>[vector<16xi32>], vector<16xf32>,
    } {sc.loop_unroll_factor = 8 : i64, sc.parallel_access}
    %dma_wait3A_679 = arith.constant 0 : i32
    %dma_wait3A_680 = arith.constant 1 : i32
    %dma_wait3A_681 = arith.constant 0 : i32
    %dma_wait3A_682 = arith.constant 0 : i32
    %dma_wait3A_683 = tpu.memref_slice %arg5[%dma_wait3A_680, %dma_wait3A_681, %dma_wait3A_682] : memref<2x32x512xf32, #tpu.memory_space<vmem>> -> memref<1x32x512xf32, #tpu.memory_space<vmem>>
    %dma_wait3A_684 = tpu.memref_squeeze %dma_wait3A_683 : memref<1x32x512xf32, #tpu.memory_space<vmem>> -> memref<32x512xf32, #tpu.memory_space<vmem>>
    %dma_wait3A_685 = arith.constant 0 : i32
    %dma_wait3A_686 = tpu.memref_slice %arg2[%arg1, %dma_wait3A_679, %add3A_611, %dma_wait3A_685] : memref<16x1x512x512xf32, #tpu.memory_space<hbm>> -> memref<1x1x32x512xf32, #tpu.memory_space<hbm>>
    %dma_wait3A_687 = tpu.memref_squeeze %dma_wait3A_686 : memref<1x1x32x512xf32, #tpu.memory_space<hbm>> -> memref<32x512xf32, #tpu.memory_space<hbm>>
    %dma_wait3A_688 = arith.constant 0 : i32
    %dma_wait3A_689 = arith.constant 0 : i32
    %dma_wait3A_690 = tpu.memref_slice %arg5[%dma_wait3A_680, %dma_wait3A_688, %dma_wait3A_689] : memref<2x32x512xf32, #tpu.memory_space<vmem>> -> memref<1x32x512xf32, #tpu.memory_space<vmem>>
    %dma_wait3A_691 = tpu.memref_squeeze %dma_wait3A_690 : memref<1x32x512xf32, #tpu.memory_space<vmem>> -> memref<32x512xf32, #tpu.memory_space<vmem>>
    %dma_wait3A_692 = arith.constant 0 : i32
    %dma_wait3A_693 = tpu.memref_slice %arg2[%arg1, %dma_wait3A_679, %add3A_611, %dma_wait3A_692] : memref<16x1x512x512xf32, #tpu.memory_space<hbm>> -> memref<1x1x32x512xf32, #tpu.memory_space<hbm>>
    %dma_wait3A_694 = tpu.memref_squeeze %dma_wait3A_693 : memref<1x1x32x512xf32, #tpu.memory_space<hbm>> -> memref<32x512xf32, #tpu.memory_space<hbm>>
    tpu.wait_dma2 semaphore(%arg9 : memref<!tpu.dma_semaphore, #tpu.memory_space<semaphore_mem>>) src(%dma_wait3A_694 : memref<32x512xf32, #tpu.memory_space<hbm>>) dst(%dma_wait3A_691 : memref<32x512xf32, #tpu.memory_space<vmem>>)
    %dma_wait3A_695 = arith.constant 0 : i32
    %dma_wait3A_696 = arith.constant 1 : i32
    %dma_wait3A_697 = arith.constant 0 : i32
    %dma_wait3A_698 = arith.constant 0 : i32
    %dma_wait3A_699 = tpu.memref_slice %arg6[%dma_wait3A_696, %dma_wait3A_697, %dma_wait3A_698] : memref<2x32x512xi32, #tpu.memory_space<vmem>> -> memref<1x32x512xi32, #tpu.memory_space<vmem>>
    %dma_wait3A_700 = tpu.memref_squeeze %dma_wait3A_699 : memref<1x32x512xi32, #tpu.memory_space<vmem>> -> memref<32x512xi32, #tpu.memory_space<vmem>>
    %dma_wait3A_701 = arith.constant 0 : i32
    %dma_wait3A_702 = tpu.memref_slice %arg3[%arg1, %dma_wait3A_695, %add3A_611, %dma_wait3A_701] : memref<16x1x512x512xi32, #tpu.memory_space<hbm>> -> memref<1x1x32x512xi32, #tpu.memory_space<hbm>>
    %dma_wait3A_703 = tpu.memref_squeeze %dma_wait3A_702 : memref<1x1x32x512xi32, #tpu.memory_space<hbm>> -> memref<32x512xi32, #tpu.memory_space<hbm>>
    %dma_wait3A_704 = arith.constant 0 : i32
    %dma_wait3A_705 = arith.constant 0 : i32
    %dma_wait3A_706 = tpu.memref_slice %arg6[%dma_wait3A_696, %dma_wait3A_704, %dma_wait3A_705] : memref<2x32x512xi32, #tpu.memory_space<vmem>> -> memref<1x32x512xi32, #tpu.memory_space<vmem>>
    %dma_wait3A_707 = tpu.memref_squeeze %dma_wait3A_706 : memref<1x32x512xi32, #tpu.memory_space<vmem>> -> memref<32x512xi32, #tpu.memory_space<vmem>>
    %dma_wait3A_708 = arith.constant 0 : i32
    %dma_wait3A_709 = tpu.memref_slice %arg3[%arg1, %dma_wait3A_695, %add3A_611, %dma_wait3A_708] : memref<16x1x512x512xi32, #tpu.memory_space<hbm>> -> memref<1x1x32x512xi32, #tpu.memory_space<hbm>>
    %dma_wait3A_710 = tpu.memref_squeeze %dma_wait3A_709 : memref<1x1x32x512xi32, #tpu.memory_space<hbm>> -> memref<32x512xi32, #tpu.memory_space<hbm>>
    tpu.wait_dma2 semaphore(%arg11 : memref<!tpu.dma_semaphore, #tpu.memory_space<semaphore_mem>>) src(%dma_wait3A_710 : memref<32x512xi32, #tpu.memory_space<hbm>>) dst(%dma_wait3A_707 : memref<32x512xi32, #tpu.memory_space<vmem>>)
    %parallel_loop3A_711 = arith.constant 0 : i32
    %parallel_loop3A_712 = arith.constant 1024 : i32
    %parallel_loop3A_713 = arith.constant 1 : i32
    scf.for %parallel_loop3A_714 = %parallel_loop3A_711 to %parallel_loop3A_712 step %parallel_loop3A_713  : i32 {
      %parallel_loop3A_715 = arith.constant 5 : i32
      %parallel_loop3A_716 = arith.shrsi %parallel_loop3A_714, %parallel_loop3A_715 : i32
      %parallel_loop3A_717 = arith.constant 31 : i32
      %parallel_loop3A_718 = arith.andi %parallel_loop3A_714, %parallel_loop3A_717 : i32
      %parallel_loop3A_719 = arith.constant 16 : i32
      %parallel_loop3A_720 = arith.muli %parallel_loop3A_718, %parallel_loop3A_719 : i32
      %parallel_loop3A_721 = arith.constant 1 : i32
      %parallel_loop3A_722 = arith.index_cast %parallel_loop3A_721 : i32 to index
      %parallel_loop3A_723 = arith.index_cast %parallel_loop3A_716 : i32 to index
      %parallel_loop3A_724 = arith.index_cast %parallel_loop3A_720 : i32 to index
      %parallel_loop3A_725 = tpu.vector_load %arg5[%parallel_loop3A_722, %parallel_loop3A_723, %parallel_loop3A_724] {strides = array<i32>} : memref<2x32x512xf32, #tpu.memory_space<vmem>>, vector<16xf32>,
      %parallel_loop3A_726 = arith.constant 1 : i32
      %parallel_loop3A_727 = arith.index_cast %parallel_loop3A_726 : i32 to index
      %parallel_loop3A_728 = arith.index_cast %parallel_loop3A_716 : i32 to index
      %parallel_loop3A_729 = arith.index_cast %parallel_loop3A_720 : i32 to index
      %parallel_loop3A_730 = tpu.vector_load %arg6[%parallel_loop3A_727, %parallel_loop3A_728, %parallel_loop3A_729] {strides = array<i32>} : memref<2x32x512xi32, #tpu.memory_space<vmem>>, vector<16xi32>,
      %parallel_loop3A_731 = arith.constant 0 : i32
      %parallel_loop3A_732 = vector.broadcast %parallel_loop3A_731 : i32 to vector<16xi32>
      %parallel_loop3A_733 = arith.cmpi sgt, %parallel_loop3A_730, %parallel_loop3A_732 : vector<16xi32>
      %parallel_loop3A_734 = arith.constant 1.000000e+00 : f32
      %parallel_loop3A_735 = arith.constant -1.000000e+00 : f32
      %parallel_loop3A_736 = vector.broadcast %parallel_loop3A_734 : f32 to vector<16xf32>
      %parallel_loop3A_737 = vector.broadcast %parallel_loop3A_735 : f32 to vector<16xf32>
      %parallel_loop3A_738 = arith.select %parallel_loop3A_733, %parallel_loop3A_736, %parallel_loop3A_737 : vector<16xi1>, vector<16xf32>
      %parallel_loop3A_739 = arith.mulf %parallel_loop3A_725, %parallel_loop3A_738 : vector<16xf32>
      %parallel_loop3A_740 = arith.constant 1.000000e+00 : f32
      %parallel_loop3A_741 = vector.broadcast %parallel_loop3A_740 : f32 to vector<16xf32>
      %parallel_loop3A_742 = arith.subf %parallel_loop3A_741, %parallel_loop3A_739 : vector<16xf32>
      %parallel_loop3A_743 = arith.constant 6.400000e+01 : f32
      %parallel_loop3A_744 = vector.broadcast %parallel_loop3A_743 : f32 to vector<16xf32>
      %parallel_loop3A_745 = arith.mulf %parallel_loop3A_742, %parallel_loop3A_744 : vector<16xf32>
      %parallel_loop3A_746 = arith.constant 1.000000e+00 : f32
      %parallel_loop3A_747 = vector.broadcast %parallel_loop3A_746 : f32 to vector<16xf32>
      %parallel_loop3A_748 = arith.addf %parallel_loop3A_745, %parallel_loop3A_747 : vector<16xf32>
      %parallel_loop3A_749 = arith.constant 0.000000e+00 : f32
      %parallel_loop3A_750 = vector.broadcast %parallel_loop3A_749 : f32 to vector<16xf32>
      %parallel_loop3A_751 = arith.maximumf %parallel_loop3A_748, %parallel_loop3A_750 : vector<16xf32>
      %parallel_loop3A_752 = arith.constant 5.120000e+02 : f32
      %parallel_loop3A_753 = vector.broadcast %parallel_loop3A_752 : f32 to vector<16xf32>
      %parallel_loop3A_754 = arith.minimumf %parallel_loop3A_751, %parallel_loop3A_753 : vector<16xf32>
      %parallel_loop3A_755 = arith.fptosi %parallel_loop3A_754 : vector<16xf32> to vector<16xi32>
      %parallel_loop3A_756 = arith.constant 640 : i32
      %parallel_loop3A_757 = vector.broadcast %parallel_loop3A_756 : i32 to vector<16xi32>
      %parallel_loop3A_758 = arith.muli %parallel_loop3A_730, %parallel_loop3A_757 : vector<16xi32>
      %parallel_loop3A_759 = arith.addi %parallel_loop3A_755, %parallel_loop3A_758 : vector<16xi32>
      tpu.vector_store_idx %arg7[%parallel_loop3A_759], %broadcast_in_dim3A_164 {add = true} : memref<1280xf32, #tpu.memory_space<vmem>>[vector<16xi32>], vector<16xf32>,
    } {sc.loop_unroll_factor = 8 : i64, sc.parallel_access}
    "tpu.region"() ({
      %run_scoped3A = tpu.sem_alloc : memref<!tpu.dma_semaphore, #tpu.memory_space<semaphore_mem>>
      %dma_start3A_714 = arith.constant 0 : i32
      %dma_start3A_715 = tpu.memref_slice %arg4[%add3A, %dma_start3A_714] : memref<32x1280xf32, #tpu.memory_space<hbm>> -> memref<1x1280xf32, #tpu.memory_space<hbm>>
      %dma_start3A_716 = tpu.memref_squeeze %dma_start3A_715 : memref<1x1280xf32, #tpu.memory_space<hbm>> -> memref<1280xf32, #tpu.memory_space<hbm>>
      %dma_start3A_717 = arith.constant 0 : i32
      %dma_start3A_718 = tpu.memref_slice %arg4[%add3A, %dma_start3A_717] : memref<32x1280xf32, #tpu.memory_space<hbm>> -> memref<1x1280xf32, #tpu.memory_space<hbm>>
      %dma_start3A_719 = tpu.memref_squeeze %dma_start3A_718 : memref<1x1280xf32, #tpu.memory_space<hbm>> -> memref<1280xf32, #tpu.memory_space<hbm>>
      tpu.enqueue_dma source(%arg7 : memref<1280xf32, #tpu.memory_space<vmem>>) target(%dma_start3A_719 : memref<1280xf32, #tpu.memory_space<hbm>>) target_semaphore(%run_scoped3A : memref<!tpu.dma_semaphore, #tpu.memory_space<semaphore_mem>>)
      %dma_wait3A_720 = arith.constant 0 : i32
      %dma_wait3A_721 = tpu.memref_slice %arg4[%add3A, %dma_wait3A_720] : memref<32x1280xf32, #tpu.memory_space<hbm>> -> memref<1x1280xf32, #tpu.memory_space<hbm>>
      %dma_wait3A_722 = tpu.memref_squeeze %dma_wait3A_721 : memref<1x1280xf32, #tpu.memory_space<hbm>> -> memref<1280xf32, #tpu.memory_space<hbm>>
      %dma_wait3A_723 = arith.constant 0 : i32
      %dma_wait3A_724 = tpu.memref_slice %arg4[%add3A, %dma_wait3A_723] : memref<32x1280xf32, #tpu.memory_space<hbm>> -> memref<1x1280xf32, #tpu.memory_space<hbm>>
      %dma_wait3A_725 = tpu.memref_squeeze %dma_wait3A_724 : memref<1x1280xf32, #tpu.memory_space<hbm>> -> memref<1280xf32, #tpu.memory_space<hbm>>
      tpu.wait_dma2 semaphore(%run_scoped3A : memref<!tpu.dma_semaphore, #tpu.memory_space<semaphore_mem>>) src(%arg7 : memref<1280xf32, #tpu.memory_space<vmem>>) dst(%dma_wait3A_725 : memref<1280xf32, #tpu.memory_space<hbm>>)
      tpu.yield
    }) : () -> ()
    return
  }
}

module attributes {stable_mosaic.version = 14 : i64} {
  func.func @_formula_kernel(%arg0: memref<32x1280xf32, #tpu.memory_space<vmem>>, %arg1: memref<1x1xf32, #tpu.memory_space<smem>>) attributes {dimension_semantics = [], scalar_prefetch = 0 : i64, scratch_operands = 0 : i64, tpu.core_type = #tpu.core_type<tc>} {
    %get3A = arith.constant 0 : index
    %get3A_0 = arith.constant 0 : index
    %get3A_1 = vector.load %arg0[%get3A, %get3A_0] : memref<32x1280xf32, #tpu.memory_space<vmem>>, vector<32x1280xf32>
    %slice3A = vector.extract_strided_slice %get3A_1 {offsets = [0, 0], sizes = [16, 1280], strides = [1, 1]} : vector<32x1280xf32> to vector<16x1280xf32>
    %slice3A_2 = vector.extract_strided_slice %get3A_1 {offsets = [16, 0], sizes = [16, 1280], strides = [1, 1]} : vector<32x1280xf32> to vector<16x1280xf32>
    %add3A = arith.addf %slice3A, %slice3A_2 : vector<16x1280xf32>
    %slice3A_3 = vector.extract_strided_slice %add3A {offsets = [0, 0], sizes = [16, 640], strides = [1, 1]} : vector<16x1280xf32> to vector<16x640xf32>
    %slice3A_4 = vector.extract_strided_slice %add3A {offsets = [0, 640], sizes = [16, 640], strides = [1, 1]} : vector<16x1280xf32> to vector<16x640xf32>
    %iota3A = tpu.iota {dimensions = array<i32: 1>} : vector<16x640xi32>
    %reduce_sum3A = arith.constant dense<0.000000e+00> : vector<16xf32>
    %reduce_sum3A_5 = vector.multi_reduction <add>, %slice3A_4, %reduce_sum3A [1] : vector<16x640xf32> to vector<16xf32>
    %broadcast_in_dim3A = vector.shape_cast %reduce_sum3A_5 : vector<16xf32> to vector<16x1xf32>
    %ge3A = arith.constant 1 : i32
    %ge3A_6 = vector.broadcast %ge3A : i32 to vector<16x640xi32>
    %ge3A_7 = arith.cmpi sge, %iota3A, %ge3A_6 : vector<16x640xi32>
    %convert_element_type3A = arith.sitofp %iota3A : vector<16x640xi32> to vector<16x640xf32>
    %sub3A = arith.constant 5.000000e-01 : f32
    %sub3A_8 = vector.broadcast %sub3A : f32 to vector<16x640xf32>
    %sub3A_9 = arith.subf %convert_element_type3A, %sub3A_8 : vector<16x640xf32>
    %mul3A = arith.constant 1.562500e-02 : f32
    %mul3A_10 = vector.broadcast %mul3A : f32 to vector<16x640xf32>
    %mul3A_11 = arith.mulf %sub3A_9, %mul3A_10 : vector<16x640xf32>
    %jit3A = arith.constant 0.000000e+00 : f32
    %broadcast_in_dim3A_12 = vector.broadcast %jit3A : f32 to vector<16x640xf32>
    %select_n3A = arith.select %ge3A_7, %mul3A_11, %broadcast_in_dim3A_12 : vector<16x640xi1>, vector<16x640xf32>
    %ge3A_13 = arith.constant 1 : i32
    %ge3A_14 = vector.broadcast %ge3A_13 : i32 to vector<16x640xi32>
    %ge3A_15 = arith.cmpi sge, %iota3A, %ge3A_14 : vector<16x640xi32>
    %jit3A_16 = arith.constant 0.000000e+00 : f32
    %broadcast_in_dim3A_17 = vector.broadcast %jit3A_16 : f32 to vector<16x640xf32>
    %select_n3A_18 = arith.select %ge3A_15, %slice3A_3, %broadcast_in_dim3A_17 : vector<16x640xi1>, vector<16x640xf32>
    %ge3A_19 = arith.constant 1 : i32
    %ge3A_20 = vector.broadcast %ge3A_19 : i32 to vector<16x640xi32>
    %ge3A_21 = arith.cmpi sge, %iota3A, %ge3A_20 : vector<16x640xi32>
    %jit3A_22 = arith.constant 0.000000e+00 : f32
    %broadcast_in_dim3A_23 = vector.broadcast %jit3A_22 : f32 to vector<16x640xf32>
    %select_n3A_24 = arith.select %ge3A_21, %slice3A_4, %broadcast_in_dim3A_23 : vector<16x640xi1>, vector<16x640xf32>
    %mul3A_25 = arith.mulf %select_n3A_18, %select_n3A : vector<16x640xf32>
    %mul3A_26 = arith.mulf %select_n3A_24, %select_n3A : vector<16x640xf32>
    %iota3A_27 = tpu.iota {dimensions = array<i32: 0>} : vector<640x640xi32>
    %iota3A_28 = tpu.iota {dimensions = array<i32: 1>} : vector<640x640xi32>
    %gt3A = arith.cmpi sgt, %iota3A_27, %iota3A_28 : vector<640x640xi32>
    %convert_element_type3A_29 = arith.extui %gt3A : vector<640x640xi1> to vector<640x640xi32>
    %convert_element_type3A_30 = arith.sitofp %convert_element_type3A_29 : vector<640x640xi32> to vector<640x640xf32>
    %dot_general3A = arith.constant dense<0.000000e+00> : vector<16x640xf32>
    %dot_general3A_31 = tpu.matmul %select_n3A_18, %convert_element_type3A_30, %dot_general3A {dimension_numbers = #tpu.dot_dimension_numbers<[1], [0], [0], [1], [0, 0, 1, 1], [], []>, transpose_lhs_hint = false} : vector<16x640xf32>, vector<640x640xf32>, vector<16x640xf32> -> vector<16x640xf32>
    %dot_general3A_32 = arith.constant dense<0.000000e+00> : vector<16x640xf32>
    %dot_general3A_33 = tpu.matmul %select_n3A_24, %convert_element_type3A_30, %dot_general3A_32 {dimension_numbers = #tpu.dot_dimension_numbers<[1], [0], [0], [1], [0, 0, 1, 1], [], []>, transpose_lhs_hint = false} : vector<16x640xf32>, vector<640x640xf32>, vector<16x640xf32> -> vector<16x640xf32>
    %add3A_34 = vector.broadcast %broadcast_in_dim3A : vector<16x1xf32> to vector<16x640xf32>
    %add3A_35 = arith.addf %add3A_34, %dot_general3A_31 : vector<16x640xf32>
    %sub3A_36 = vector.broadcast %broadcast_in_dim3A : vector<16x1xf32> to vector<16x640xf32>
    %sub3A_37 = arith.subf %sub3A_36, %dot_general3A_33 : vector<16x640xf32>
    %max3A = arith.constant 1.000000e+00 : f32
    %max3A_38 = vector.broadcast %max3A : f32 to vector<16x640xf32>
    %max3A_39 = arith.maximumf %add3A_35, %max3A_38 : vector<16x640xf32>
    %max3A_40 = arith.constant 1.000000e+00 : f32
    %max3A_41 = vector.broadcast %max3A_40 : f32 to vector<16x640xf32>
    %max3A_42 = arith.maximumf %select_n3A_18, %max3A_41 : vector<16x640xf32>
    %div3A = arith.divf %select_n3A_18, %max3A_39 : vector<16x640xf32>
    %log1p3A = math.log1p %div3A : vector<16x640xf32>
    %gt3A_43 = arith.constant 0.000000e+00 : f32
    %gt3A_44 = vector.broadcast %gt3A_43 : f32 to vector<16x640xf32>
    %gt3A_45 = arith.cmpf ogt, %select_n3A_18, %gt3A_44 : vector<16x640xf32>
    %div3A_46 = arith.divf %log1p3A, %max3A_42 : vector<16x640xf32>
    %div3A_47 = arith.constant 1.000000e+00 : f32
    %div3A_48 = vector.broadcast %div3A_47 : f32 to vector<16x640xf32>
    %div3A_49 = arith.divf %div3A_48, %max3A_39 : vector<16x640xf32>
    %select_n3A_50 = arith.select %gt3A_45, %div3A_46, %div3A_49 : vector<16x640xi1>, vector<16x640xf32>
    %add3A_51 = arith.addf %add3A_35, %select_n3A_18 : vector<16x640xf32>
    %mul3A_52 = arith.mulf %max3A_39, %add3A_51 : vector<16x640xf32>
    %div3A_53 = arith.divf %sub3A_37, %mul3A_52 : vector<16x640xf32>
    %add3A_54 = arith.addf %add3A_35, %select_n3A_18 : vector<16x640xf32>
    %div3A_55 = arith.divf %select_n3A_18, %add3A_54 : vector<16x640xf32>
    %sub3A_56 = arith.subf %log1p3A, %div3A_55 : vector<16x640xf32>
    %mul3A_57 = arith.mulf %select_n3A_24, %sub3A_56 : vector<16x640xf32>
    %mul3A_58 = arith.mulf %max3A_42, %max3A_42 : vector<16x640xf32>
    %div3A_59 = arith.divf %mul3A_57, %mul3A_58 : vector<16x640xf32>
    %sub3A_60 = arith.subf %div3A_53, %div3A_59 : vector<16x640xf32>
    %gt3A_61 = arith.constant 0.000000e+00 : f32
    %gt3A_62 = vector.broadcast %gt3A_61 : f32 to vector<16x640xf32>
    %gt3A_63 = arith.cmpf ogt, %select_n3A_18, %gt3A_62 : vector<16x640xf32>
    %jit3A_64 = arith.constant 0.000000e+00 : f32
    %broadcast_in_dim3A_65 = vector.broadcast %jit3A_64 : f32 to vector<16x640xf32>
    %select_n3A_66 = arith.select %gt3A_63, %sub3A_60, %broadcast_in_dim3A_65 : vector<16x640xi1>, vector<16x640xf32>
    %mul3A_67 = arith.mulf %mul3A_26, %select_n3A_50 : vector<16x640xf32>
    %mul3A_68 = arith.mulf %mul3A_25, %select_n3A_66 : vector<16x640xf32>
    %add3A_69 = arith.addf %mul3A_67, %mul3A_68 : vector<16x640xf32>
    %reduce_sum3A_70 = vector.shape_cast %add3A_69 : vector<16x640xf32> to vector<1x16x640xf32>
    %reduce_sum3A_71 = arith.constant dense<0.000000e+00> : vector<1xf32>
    %reduce_sum3A_72 = vector.multi_reduction <add>, %reduce_sum3A_70, %reduce_sum3A_71 [1, 2] : vector<1x16x640xf32> to vector<1xf32>
    %reduce_sum3A_73 = vector.shape_cast %reduce_sum3A_72 : vector<1xf32> to vector<1x1x1xf32>
    %reduce_sum3A_74 = vector.extract %reduce_sum3A_73[0, 0, 0] : f32 from vector<1x1x1xf32>
    %div3A_75 = arith.constant 1.600000e+01 : f32
    %div3A_76 = arith.divf %reduce_sum3A_74, %div3A_75 : f32
    %swap3A = arith.constant 0 : index
    %swap3A_77 = arith.constant 0 : index
    %swap3A_78 = memref.load %arg1[%swap3A, %swap3A_77] : memref<1x1xf32, #tpu.memory_space<smem>>
    memref.store %div3A_76, %arg1[%swap3A, %swap3A_77] : memref<1x1xf32, #tpu.memory_space<smem>>
    return
  }
}

</mosaic_0001>

<sc_bundles>
// kernel: kernel.4.cloned.1.call-start
scs
__scs_entry_jumppad:
0x0: {  	(pc) =	sbr.rel $0x88, $3  }
0x1: {  	(tag) =	ssettag $0x0;
	lr =	simm.s32 $0x1  }
0x2: {  	[smem:$0x3F9F] =	sst lr;
	_ =	strace $0xD0000000  }
0x3: {  	_ = 	snop  }
0x4: {  	_ = 	snop  }
0x5: {  	_ = 	snop  }
0x6: {  	_ = 	snop  }
0x7: {  	_ = 	snop  }
__scs_overlays_trampoline_lowered:
0x8: {  	[smem:$0x3FAE] =	sst s0  }
0x9: {  	[smem:$0x3FAF] =	sst s1  }
0xa: {  	[smem:$0x3FB0] =	sst s2  }
0xb: {  	[smem:$0x3FB1] =	sst s3  }
0xc: {  	[smem:$0x3FB2] =	sst s4  }
0xd: {  	[smem:$0x3FB3] =	sst s5  }
0xe: {  	[smem:$0x3FB4] =	sst s6  }
0xf: {  	[smem:$0x3FB5] =	sst s7  }
0x10: {  	[smem:$0x3FB6] =	sst s8  }
0x11: {  	[smem:$0x3FB7] =	sst s9;
	s0 =	simm.s32 @!p0 $0x0  }
0x12: {  	s1 =	sld [smem:$0x3F9D];
	s0 =	simm.s32 @p0 $0x1  }
0x13: {  	[smem:$0x3FB8] =	sst s0;
	s0 =	simm.s32 @!p1 $0x0  }
0x14: {  	s2 =	sld [smem:$0x3F9C];
	s0 =	simm.s32 @p1 $0x1  }
0x15: {  	[smem:$0x3FB9] =	sst s0;
	s0 =	simm.s32 @!p2 $0x0  }
0x16: {  	s3 =	sld [smem:$0x3FDB];
	s0 =	simm.s32 @p2 $0x1  }
0x17: {  	s4 =	simm.s32 $0x1BF5;
	[smem:$0x3FBB] =	sst s0  }
0x18: {  	s0 =	sld [smem:$0x3F9E];
	_ =	swait.ge [sflag:s4], $0x0  }
0x19: {  	s7 =	sld [smem:$0x3F9F]  }
0x1a: {  	s8 =	sadd.s32 $0xFFFFE003, lr  }
0x1b: {  	s9 =	sadd.s32 $0xFFFFFEF7, lr;
	s5 =	simm.s32 $0xFFFFFFFF;
	p2 =	slt.u32 s8, $0xFFFFF086  }
0x1c: {  	p1 =	slt.u32 s9, $0xF7A;
	s5 =	simm.s32 @!p2 $0x0  }
0x1d: {  	s5 =	simm.s32 @p1 $0x1;
	p0 =	seq.s32 s7, s2  }
0x1e: {  	s7 =	smul.u32 @!p0 $0xF7A, s2;
	p2 =	seq.s32 @!p0 s5, $0x0  }
0x1f: {  	s9 =	smul.u32 $0xF7A, s1;
	s8 =	simm.s32 @!p0 $0x1BF5;
	p2 =	por !p2, p0  }
0x20: {  	[sflag:s8] =	ssyncset.s32 @!p0 $0xFFFFF086;
	s6 =	sadd.s32 @!p0 s3, s7;
	s7 =	simm.s32 @!p0 $0x108  }
0x21: {  	s3 =	sadd.s32 s3, s9;
	s6 =	sadd.s32 @!p0 $0x88, s6;
	s7 =	simm.s32 @p2 $0x1082  }
0x22: {  	[simem:s7], [sflag:s8] =	dma.local @!p0 [hbm:s6], $0xF7A  }
0x23: {  	s9 =	sor.u32 $0xD0000000, s2;
	s6 =	simm.s32 $0x108;
	_ =	swait.ge @!p0 [sflag:s8], $0x0  }
0x24: {  	s3 =	sadd.s32 $0x88, s3;
	s6 =	simm.s32 @!p1 $0x1082;
	[sflag:s4] =	ssyncset.s32 $0xFFFFF086  }
0x25: {  	[simem:s6], [sflag:s4] =	dma.local [hbm:s3], $0xF7A  }
0x26: {  	[smem:$0x3F9F] =	sst s1;
	(tag) =	ssettag s2;
	_ =	strace s9  }
0x27: {  	s1 =	sld [smem:$0x3FAF]  }
0x28: {  	s2 =	sld [smem:$0x3FB0]  }
0x29: {  	s4 =	sld [smem:$0x3FB2]  }
0x2a: {  	p0 =	seq.s32 s5, $0x0;
	s5 =	sld [smem:$0x3FB3]  }
0x2b: {  	s6 =	sld [smem:$0x3FB4]  }
0x2c: {  	s7 =	sld [smem:$0x3FB5]  }
0x2d: {  	s3 =	simm.s32 $0x108;
	s8 =	sld [smem:$0x3FB6]  }
0x2e: {  	s3 =	simm.s32 @!p0 $0x1082;
	s9 =	sld [smem:$0x3FB7]  }
0x2f: {  	lr =	sadd.s32 s0, s3;
	s0 =	sld [smem:$0x3FAE]  }
0x30: {  	s3 =	sld [smem:$0x3FB1]  }
0x31: {  	[smem:$0x3FBA] =	sst s10  }
0x32: {  	s10 =	sld [smem:$0x3FB8];
	_ =	sdelay $0x3  }
0x33: {  	p0 =	seq.s32 s10, $0x1;
	s10 =	sld [smem:$0x3FBA];
	_ =	sdelay $0x3  }
0x34: {  	[smem:$0x3FBA] =	sst s10  }
0x35: {  	s10 =	sld [smem:$0x3FB9];
	_ =	sdelay $0x3  }
0x36: {  	p1 =	seq.s32 s10, $0x1;
	s10 =	sld [smem:$0x3FBA];
	_ =	sdelay $0x3  }
0x37: {  	[smem:$0x3FBA] =	sst s10  }
0x38: {  	s10 =	sld [smem:$0x3FBB]  }
0x39: {  	_ = 	snop;
	(pc) =	sbr.ind lr, $3  }
0x3a: {  	_ = 	snop  }
0x3b: {  	_ = 	snop  }
0x3c: {  	p2 =	seq.s32 s10, $0x1;
	s10 =	sld [smem:$0x3FBA]  }
0x3d: {  	_ =	shalt  }
0x3e: {  	_ =	shalt  }
0x3f: {  	_ =	shalt  }
0x40: {  	_ =	shalt  }
0x41: {  	_ =	shalt  }
0x42: {  	_ =	shalt  }
0x43: {  	_ =	shalt  }
0x44: {  	_ =	shalt  }
0x45: {  	_ =	shalt  }
0x46: {  	_ =	shalt  }
0x47: {  	_ =	shalt  }
0x48: {  	_ =	shalt  }
0x49: {  	_ =	shalt  }
0x4a: {  	_ =	shalt  }
0x4b: {  	_ =	shalt  }
0x4c: {  	_ =	shalt  }
0x4d: {  	_ =	shalt  }
0x4e: {  	_ =	shalt  }
0x4f: {  	_ =	shalt  }
0x50: {  	_ =	shalt  }
0x51: {  	_ =	shalt  }
0x52: {  	_ =	shalt  }
0x53: {  	_ =	shalt  }
0x54: {  	_ =	shalt  }
0x55: {  	_ =	shalt  }
0x56: {  	_ =	shalt  }
0x57: {  	_ =	shalt  }
0x58: {  	_ =	shalt  }
0x59: {  	_ =	shalt  }
0x5a: {  	_ =	shalt  }
0x5b: {  	_ =	shalt  }
0x5c: {  	_ =	shalt  }
0x5d: {  	_ =	shalt  }
0x5e: {  	_ =	shalt  }
0x5f: {  	_ =	shalt  }
0x60: {  	_ =	shalt  }
0x61: {  	_ =	shalt  }
0x62: {  	_ =	shalt  }
0x63: {  	_ =	shalt  }
0x64: {  	_ =	shalt  }
0x65: {  	_ =	shalt  }
0x66: {  	_ =	shalt  }
0x67: {  	_ =	shalt  }
0x68: {  	_ =	shalt  }
0x69: {  	_ =	shalt  }
0x6a: {  	_ =	shalt  }
0x6b: {  	_ =	shalt  }
0x6c: {  	_ =	shalt  }
0x6d: {  	_ =	shalt  }
0x6e: {  	_ =	shalt  }
0x6f: {  	_ =	shalt  }
0x70: {  	_ =	shalt  }
0x71: {  	_ =	shalt  }
0x72: {  	_ =	shalt  }
0x73: {  	_ =	shalt  }
0x74: {  	_ =	shalt  }
0x75: {  	_ =	shalt  }
0x76: {  	_ =	shalt  }
0x77: {  	_ =	shalt  }
0x78: {  	_ =	shalt  }
0x79: {  	_ =	shalt  }
0x7a: {  	_ =	shalt  }
0x7b: {  	_ =	shalt  }
0x7c: {  	_ =	shalt  }
0x7d: {  	_ =	shalt  }
0x7e: {  	_ =	shalt  }
0x7f: {  	_ =	shalt  }
0x80: {  	_ =	shalt  }
0x81: {  	_ =	shalt  }
0x82: {  	_ =	shalt  }
0x83: {  	_ =	shalt  }
0x84: {  	_ =	shalt  }
0x85: {  	_ =	shalt  }
0x86: {  	_ =	shalt  }
0x87: {  	_ =	shalt  }
.Lfunc_end0:
.L_simem_size_0:
called_computation_lowered:
.L_overlay_start_0:
0x88: {  	s2 =	sld [smem:$0x3FD9]  }
0x89: {  	s3 =	sld [smem:$0x3FFE];
	_ =	sdelay $0x1  }
0x8a: {  	s1 =	srdreg.scid  }
0x8b: {  	s0 =	sand.u32 $0x1, s1  }
0x8c: {  	s17 =	sshll.u32 s0, $0xA;
	s2 =	sadd.s32 s3, s2  }
0x8d: {  	s2 =	sadd.s32 s2, s17  }
0x8e: {  	[smem:$0x3FC6] =	sst s2  }
0x8f: {  	_ = 	snop  }
0x90: {  	s2 =	sld [smem:$0x3FC9]  }
0x91: {  	s18 =	sld [smem:$0x3FC8];
	(tm) =	ssettm $0x1  }
0x92: {  	s4 =	sld [smem:$0x3FFB];
	_ =	sdelay $0x3  }
0x93: {  	_ =	strace s4  }
0x94: {  	s4 =	sld [smem:$0x3FFC];
	_ =	sdelay $0x3  }
0x95: {  	_ =	strace s4  }
0x96: {  	s4 =	sld [smem:$0x3FFD];
	_ =	sdelay $0x3  }
0x97: {  	_ =	strace s4  }
0x98: {  	_ =	strace $0x8FFFFFFF  }
0x99: {  	s19 =	sld [smem:$0x3FDB];
	_ =	sdelay $0x1  }
0x9a: {  	s5 =	simm.s32 $_scs_section_size  }
0x9b: {  	s6 =	simm.s32 $_size__tile_overlayer_lowered;
	s7 =	simm.s32 $_tile_overlayer_lowered  }
0x9c: {  	s22 =	simm.s32 $0x1BFF;
	s21 =	sshll.u32 s7, $0x1;
	s4 =	sadd.s32 s5, s19  }
0x9d: {  	s8 =	simm.s32 $0x0;
	s20 =	sshll.u32 s6, $0x1;
	s6 =	sadd.s32 s21, s4  }
0x9e: {  	[timem:s8], [sflag:s22] =	dma.local [hbm:s6], s20  }
0x9f: {  	_ =	swait.ge [sflag:s22], s20  }
0xa0: {  	s5 =	ssub.s32 $0x0, s20;
	[sflag:s22] =	ssyncset.done $0x0  }
0xa1: {  	[sflag:s22] =	ssyncadd.s32 s5;
	_ =	sdelay $0x1  }
0xa2: {  	s23 =	simm.s32 $0x1B8B  }
0xa3: {  	_ =	swait.ge [sflag:s23], $0x1  }
0xa4: {  	[sflag:s23] =	ssyncset.done $0x0  }
0xa5: {  	s25 =	simm.s32 $0x1B8E;
	s24 =	sld [smem:$0x3FFE];
	[sflag:s23] =	ssyncadd.s32 $0xFFFFFFFF  }
0xa6: {  	s26 =	simm.s32 $execute0_lowered;
	[smem:$0x3FD2] =	sst s25  }
0xa7: {  	s6 =	sshll.u32 s26, $0x1;
	_ =	strace $0x80000046;
	[dreg:$0x1] =	wrdreg $0xFFFFFFFF  }
0xa8: {  	s28 =	simm.s32 $_size_execute0_lowered;
	s4 =	sadd.s32 s4, s6;
	[dreg:$0x0] =	wrdreg $0x0  }
0xa9: {  	s6 =	sshll.u32 s28, $0x1;
	[dreg:$0x2] =	wrdreg s4  }
0xaa: {  	[dreg:$0x3] =	wrdreg s6  }
0xab: {  	[dreg:$0x4] =	wrdreg $0xC0  }
0xac: {  	_ =	task [dreg:s8], $0x5FFFF  }
0xad: {  	[dreg:$0x1] =	wrdreg $0xFFFFFFFF  }
0xae: {  	[dreg:$0x0] =	wrdreg $0x60  }
0xaf: {  	[dreg:$0x2] =	wrdreg s2  }
0xb0: {  	[dreg:$0x3] =	wrdreg s18  }
0xb1: {  	[dreg:$0x4] =	wrdreg s24  }
0xb2: {  	[dreg:$0x5] =	wrdreg $0x9  }
0xb3: {  	_ =	task.clear_ibuf [dreg:s8], $0x6FFFF;
	_ =	strace $0x90000046  }
0xb4: {  	s29 =	simm.s32 $0x9;
	_ =	strace $0x80000048  }
0xb5: {  	_ =	swait.ge [sflag:s29], $0x1  }
0xb6: {  	[sflag:s29] =	ssyncadd.s32 $0xFFFFFFFF  }
0xb7: {  	_ =	strace $0x90000048  }
0xb8: {  	_ =	sfence  }
0xb9: {  	s30 =	sld [smem:$0x0];
	_ =	sdelay $0x2  }
0xba: {  	s31 =	sshll.u32 s1, $0xD;
	s1 =	sshrl.u32 s1, $0x2  }
0xbb: {  	s3 =	sand.u32 $0x4000, s31;
	s1 =	sadd.s32 s1, s30  }
0xbc: {  	s0 =	sor.u32 s3, s0;
	s1 =	sshll.u32 s1, $0x11  }
0xbd: {  	s0 =	sor.u32 s1, s0  }
0xbe: {  	s0 =	sadd.s32 $0x8F2B, s0  }
0xbf: {  	[sflag:s0] =	ssyncadd.remote.s32 $0x1  }
0xc0: {  	_ =	sfence.sel $0xFFFF  }
0xc1: {  	[dreg:$0x0] =	wrdreg $0xFFFFFFFF;
	(pc) =	sbr.abs _section_cstart, $3  }
0xc2: {  	[dreg:$0x1] =	wrdreg $0xFFFFFFFF  }
0xc3: {  	_ =	task.clear_ibuf [dreg:s8], $0x2FFFF;
	_ =	strace $0x9FFFFFFF  }
0xc4: {  	(tm) =	ssettm $0x7FFFFFFF  }
0xc5: {  	_ =	shalt  }
tec
execute0_lowered:
.L_overlay_start_1:
0x0: {  	(tag) =	ssettag $0x1  }
0x1: {  	s1 =	rddreg [dreg:$0x0]  }
0x2: {  	s0 =	srdreg.scid;
	s3 =	rddreg [dreg:$0x1]  }
0x3: {  	s7 =	stileid.u32;
	s4 =	rddreg [dreg:$0x2]  }
0x4: {  	s21 =	simm.s32 $0x8000;
	s22 =	simm.s32 $0x4000;
	s28 =	simm.s32 $0x2  }
0x5: {  	s29 =	simm.s32 $0x4;
	s0 =	sand.u32 $0x1, s0;
	s6 =	sshll.u32 s7, $0x7  }
0x6: {  	s2 =	sshll.u32 s0, $0x4;
	s6 =	sand.u32 $0x380, s6;
	s23 =	ssub.s32 $0x2, s0  }
0x7: {  	s0 =	sshll.u32 s0, $0xE;
	s2 =	sor.u32 s7, s2;
	s7 =	sshll.u32 s7, $0xF  }
0x8: {  	s8 =	sshrl.u32 s23, $0x1;
	s5 =	sshrl.u32 s2, $0x3;
	s2 =	simm.s32 $0x0  }
0x9: {  	s0 =	sor.u32 s0, s7;
	s20 =	ssub.s32 s23, s8;
	s23 =	simm.s32 $0xC000  }
0xa: {  	s5 =	smul.u32 $0x2800, s5;
	[smem:$0x7FF] =	sst s2;
	s24 =	sor.u32 $0x800, s0  }
0xb: {  	s25 =	sadd.s32 s1, s0;
	s26 =	sadd.s32 s3, s0;
	s31 =	sor.u32 $0x1000, s0  }
0xc: {  	s10 =	sor.u32 $0x1800, s0;
	s12 =	sor.u32 $0x2000, s0;
	s14 =	sor.u32 $0x2800, s0  }
0xd: {  	s16 =	sor.u32 $0x3000, s0;
	_ =	strace $0x80000047;
	[dreg:$0x4] =	wrdreg s25  }
0xe: {  	s0 =	sor.u32 $0x3800, s0;
	s20 =	smax.u32 s20, $0x1;
	[dreg:$0x5] =	wrdreg s26  }
0xf: {  	s30 =	sadd.s32 s1, s24;
	s7 =	sadd.s32 s1, s31;
	s8 =	sadd.s32 s3, s31  }
0x10: {  	s9 =	sadd.s32 s1, s10;
	s10 =	sadd.s32 s3, s10;
	s11 =	sadd.s32 s1, s12  }
0x11: {  	s12 =	sadd.s32 s3, s12;
	s13 =	sadd.s32 s1, s14;
	s14 =	sadd.s32 s3, s14  }
0x12: {  	s15 =	sadd.s32 s1, s16;
	s16 =	sadd.s32 s3, s16;
	s17 =	sadd.s32 s1, s0  }
0x13: {  	s18 =	sadd.s32 s3, s0;
	s25 =	simm.s32 $0x3;
	s5 =	sor.u32 s6, s5  }
0x14: {  	s26 =	simm.s32 $0x10000;
	s1 =	simm.s32 $0x5;
	s5 =	sshrl.u32 s5, $0x3  }
0x15: {  	s0 =	simm.s32 $0x0;
	[dreg:$0x6] =	wrdreg s30;
	s19 =	sadd.s32 s5, s4  }
0x16: {  	v0 =	vimm.f32 $0.0e+00;
	v1 =	vimm.f32 $1.000000000e+00;
	s6 =	sadd.s32 s3, s24;
	s24 =	simm.s32 $0x1;
	s19 =	sadd.s32 $0x600, s19  }
.LBB2_1:
0x17: {  	[tilespmem:$0x10000] =	vst v0  }
0x18: {  	[tilespmem:$0x10010] =	vst v0  }
0x19: {  	[tilespmem:$0x10020] =	vst v0  }
0x1a: {  	[tilespmem:$0x10030] =	vst v0  }
0x1b: {  	[tilespmem:$0x10040] =	vst v0  }
0x1c: {  	[tilespmem:$0x10050] =	vst v0  }
0x1d: {  	[tilespmem:$0x10060] =	vst v0  }
0x1e: {  	[tilespmem:$0x10070] =	vst v0  }
0x1f: {  	[tilespmem:$0x10080] =	vst v0  }
0x20: {  	[tilespmem:$0x10090] =	vst v0  }
0x21: {  	[tilespmem:$0x100A0] =	vst v0  }
0x22: {  	[tilespmem:$0x100B0] =	vst v0  }
0x23: {  	[tilespmem:$0x100C0] =	vst v0  }
0x24: {  	[tilespmem:$0x100D0] =	vst v0  }
0x25: {  	[tilespmem:$0x100E0] =	vst v0  }
0x26: {  	[tilespmem:$0x100F0] =	vst v0  }
0x27: {  	[tilespmem:$0x10100] =	vst v0  }
0x28: {  	[tilespmem:$0x10110] =	vst v0  }
0x29: {  	[tilespmem:$0x10120] =	vst v0  }
0x2a: {  	[tilespmem:$0x10130] =	vst v0  }
0x2b: {  	[tilespmem:$0x10140] =	vst v0  }
0x2c: {  	[tilespmem:$0x10150] =	vst v0  }
0x2d: {  	[tilespmem:$0x10160] =	vst v0  }
0x2e: {  	[tilespmem:$0x10170] =	vst v0  }
0x2f: {  	[tilespmem:$0x10180] =	vst v0  }
0x30: {  	[tilespmem:$0x10190] =	vst v0  }
0x31: {  	[tilespmem:$0x101A0] =	vst v0  }
0x32: {  	[tilespmem:$0x101B0] =	vst v0  }
0x33: {  	[tilespmem:$0x101C0] =	vst v0  }
0x34: {  	[tilespmem:$0x101D0] =	vst v0  }
0x35: {  	[tilespmem:$0x101E0] =	vst v0  }
0x36: {  	[tilespmem:$0x101F0] =	vst v0  }
0x37: {  	[tilespmem:$0x10200] =	vst v0  }
0x38: {  	[tilespmem:$0x10210] =	vst v0  }
0x39: {  	[tilespmem:$0x10220] =	vst v0  }
0x3a: {  	[tilespmem:$0x10230] =	vst v0  }
0x3b: {  	[tilespmem:$0x10240] =	vst v0  }
0x3c: {  	[tilespmem:$0x10250] =	vst v0  }
0x3d: {  	[tilespmem:$0x10260] =	vst v0  }
0x3e: {  	[tilespmem:$0x10270] =	vst v0  }
0x3f: {  	[tilespmem:$0x10280] =	vst v0  }
0x40: {  	[tilespmem:$0x10290] =	vst v0  }
0x41: {  	[tilespmem:$0x102A0] =	vst v0  }
0x42: {  	[tilespmem:$0x102B0] =	vst v0  }
0x43: {  	[tilespmem:$0x102C0] =	vst v0  }
0x44: {  	[tilespmem:$0x102D0] =	vst v0  }
0x45: {  	[tilespmem:$0x102E0] =	vst v0  }
0x46: {  	[tilespmem:$0x102F0] =	vst v0  }
0x47: {  	[tilespmem:$0x10300] =	vst v0  }
0x48: {  	[tilespmem:$0x10310] =	vst v0  }
0x49: {  	[tilespmem:$0x10320] =	vst v0  }
0x4a: {  	[tilespmem:$0x10330] =	vst v0  }
0x4b: {  	[tilespmem:$0x10340] =	vst v0  }
0x4c: {  	[tilespmem:$0x10350] =	vst v0  }
0x4d: {  	[tilespmem:$0x10360] =	vst v0  }
0x4e: {  	[tilespmem:$0x10370] =	vst v0  }
0x4f: {  	[tilespmem:$0x10380] =	vst v0  }
0x50: {  	[tilespmem:$0x10390] =	vst v0  }
0x51: {  	[tilespmem:$0x103A0] =	vst v0  }
0x52: {  	[tilespmem:$0x103B0] =	vst v0  }
0x53: {  	[tilespmem:$0x103C0] =	vst v0  }
0x54: {  	[tilespmem:$0x103D0] =	vst v0  }
0x55: {  	[tilespmem:$0x103E0] =	vst v0  }
0x56: {  	[tilespmem:$0x103F0] =	vst v0  }
0x57: {  	[tilespmem:$0x10400] =	vst v0  }
0x58: {  	[tilespmem:$0x10410] =	vst v0  }
0x59: {  	[tilespmem:$0x10420] =	vst v0  }
0x5a: {  	[tilespmem:$0x10430] =	vst v0  }
0x5b: {  	[tilespmem:$0x10440] =	vst v0  }
0x5c: {  	[tilespmem:$0x10450] =	vst v0  }
0x5d: {  	[tilespmem:$0x10460] =	vst v0  }
0x5e: {  	[tilespmem:$0x10470] =	vst v0  }
0x5f: {  	[tilespmem:$0x10480] =	vst v0  }
0x60: {  	[tilespmem:$0x10490] =	vst v0  }
0x61: {  	[tilespmem:$0x104A0] =	vst v0  }
0x62: {  	[tilespmem:$0x104B0] =	vst v0  }
0x63: {  	[tilespmem:$0x104C0] =	vst v0  }
0x64: {  	[tilespmem:$0x104D0] =	vst v0  }
0x65: {  	[tilespmem:$0x104E0] =	vst v0  }
0x66: {  	[tilespmem:$0x104F0] =	vst v0;
	s3 =	rddreg [dreg:$0x4]  }
0x67: {  	[tilespmem:s2], [sflag:$0x1] =	stream.linear.gather [hbm4b:s3+s2], $0x4000, $0x38;
	[tilespmem:$0x10500] =	vst v63  }
0x68: {  	s4 =	rddreg [dreg:$0x5]  }
0x69: {  	[tilespmem:s21], [sflag:$0x3] =	stream.linear.gather [hbm4b:s4+s2], $0x4000, $0x38;
	[tilespmem:$0x10500] =	vst v63  }
0x6a: {  	s5 =	rddreg [dreg:$0x6]  }
0x6b: {  	[tilespmem:s22], [sflag:$0x2] =	stream.linear.gather [hbm4b:s5+s2], $0x4000, $0x38;
	[tilespmem:$0x10500] =	vst v63  }
0x6c: {  	_ = 	snop  }
0x6d: {  	[tilespmem:s23], [sflag:$0x4] =	stream.linear.gather [hbm4b:s6+s2], $0x4000, $0x38;
	[tilespmem:$0x10500] =	vst v63  }
0x6e: {  	_ =	swait.ge [sflag:s24], $0x4000  }
0x6f: {  	[sflag:s24] =	ssyncset.done $0x0  }
0x70: {  	s30 =	sand.u32 $0xC00, s2;
	s4 =	simm.s32 $0x0;
	[sflag:s24] =	ssyncadd.s32 $0xFFFFC000  }
0x71: {  	s31 =	simm.s32 $0x0;
	s3 =	sand.u32 $0x3000, s4;
	_ =	swait.ge [sflag:s25], $0x4000  }
0x72: {  	s3 =	sor.u32 s30, s3;
	s30 =	sand.u32 $0x380, s31;
	[sflag:s25] =	ssyncset.done $0x0  }
0x73: {  	s3 =	sor.u32 s30, s3;
	[sflag:s25] =	ssyncadd.s32 $0xFFFFC000  }
0x74: {  	v2 =	vld [tilespmem:s3+$0x70]  }
0x75: {  	v3 =	vld [tilespmem:s3+$0x8070]  }
0x76: {  	v5 =	vld [tilespmem:s3+$0x8000]  }
0x77: {  	v6 =	vld [tilespmem:s3+$0x10]  }
0x78: {  	v7 =	vld [tilespmem:s3+$0x8010]  }
0x79: {  	v8 =	vld [tilespmem:s3+$0x20]  }
0x7a: {  	v10 =	vld [tilespmem:s3+$0x8020]  }
0x7b: {  	v11 =	vld [tilespmem:s3+$0x30]  }
0x7c: {  	v13 =	vld [tilespmem:s3+$0x40]  }
0x7d: {  	v15 =	vld [tilespmem:s3+$0x50]  }
0x7e: {  	v4 =	vld [tilespmem:s3+$0x0];
	vm0 =	vgt.s32 v3, $0x0;
	v9 =	vxor.u32 $0x80000000, v2  }
0x7f: {  	vm13 =	vgt.s32 v5, $0x0;
	v5 =	vmul.u32 $0x280, v5;
	v12 =	vxor.u32 $0x80000000, v6  }
0x80: {  	vm14 =	vgt.s32 v7, $0x0;
	v7 =	vmul.u32 $0x280, v7;
	v14 =	vxor.u32 $0x80000000, v8  }
0x81: {  	vm15 =	vgt.s32 v10, $0x0;
	v16 =	vxor.u32 $0x80000000, v11;
	v18 =	vxor.u32 $0x80000000, v13  }
0x82: {  	v19 =	vxor.u32 $0x80000000, v15;
	v2 =	vsel vm0, v2, v9;
	v6 =	vsel vm14, v6, v12;
	v12 =	vld [tilespmem:s3+$0x8040]  }
0x83: {  	v9 =	vxor.u32 $0x80000000, v4;
	v8 =	vsel vm15, v8, v14;
	v14 =	vld [tilespmem:s3+$0x8050];
	v2 =	vsub.f32 $1.000000000e+00, v2  }
0x84: {  	v4 =	vsel vm13, v4, v9;
	v9 =	vld [tilespmem:s3+$0x8030];
	v6 =	vsub.f32 $1.000000000e+00, v6;
	v8 =	vsub.f32 $1.000000000e+00, v8  }
0x85: {  	v3 =	vmul.u32 $0x280, v3;
	v4 =	vsub.f32 $1.000000000e+00, v4;
	v2 =	vmul.f32 $6.400000000e+01, v2  }
0x86: {  	v10 =	vmul.u32 $0x280, v10;
	v6 =	vmul.f32 $6.400000000e+01, v6;
	v8 =	vmul.f32 $6.400000000e+01, v8  }
0x87: {  	v4 =	vmul.f32 $6.400000000e+01, v4;
	v2 =	vadd.f32 $1.000000000e+00, v2;
	vm5 =	vgt.s32 v12, $0x0  }
0x88: {  	vm6 =	vgt.s32 v14, $0x0;
	v6 =	vadd.f32 $1.000000000e+00, v6;
	v8 =	vadd.f32 $1.000000000e+00, v8  }
0x89: {  	v12 =	vmul.u32 $0x280, v12;
	v14 =	vmul.u32 $0x280, v14;
	vm4 =	vgt.s32 v9, $0x0  }
0x8a: {  	v13 =	vsel vm5, v13, v18;
	v15 =	vsel vm6, v15, v19;
	v4 =	vadd.f32 $1.000000000e+00, v4  }
0x8b: {  	v17 =	vld [tilespmem:s3+$0x60];
	v2 =	vmax.f32 v2, $0.0e+00;
	v11 =	vsel vm4, v11, v16;
	v6 =	vmax.f32 v6, $0.0e+00  }
0x8c: {  	v8 =	vmax.f32 v8, $0.0e+00;
	v2 =	vmin.f32 v2, $5.120000000e+02;
	v11 =	vsub.f32 $1.000000000e+00, v11  }
0x8d: {  	v16 =	vld [tilespmem:s3+$0x8060];
	v6 =	vmin.f32 v6, $5.120000000e+02;
	v8 =	vmin.f32 v8, $5.120000000e+02;
	v2 =	vtrunc.f32 v2  }
0x8e: {  	s5 =	simm.s32 $0x80;
	s30 =	simm.s32 $0x400;
	v4 =	vmax.f32 v4, $0.0e+00;
	v6 =	vtrunc.f32 v6;
	v8 =	vtrunc.f32 v8  }
0x8f: {  	s4 =	simm.s32 $0x20;
	s31 =	sand.u32 $0xC00, s30;
	s3 =	sand.u32 $0x3000, s5;
	v4 =	vmin.f32 v4, $5.120000000e+02;
	v2 =	vcvt.f32.s32 v2;
	v11 =	vmul.f32 $6.400000000e+01, v11  }
0x90: {  	s4 =	sand.u32 $0x380, s4;
	v18 =	vxor.u32 $0x80000000, v17;
	s3 =	sor.u32 s31, s3;
	v4 =	vtrunc.f32 v4;
	v6 =	vcvt.f32.s32 v6  }
0x91: {  	v9 =	vmul.u32 $0x280, v9;
	s3 =	sor.u32 s4, s3;
	v8 =	vcvt.f32.s32 v8;
	v4 =	vcvt.f32.s32 v4  }
0x92: {  	v20 =	vld [tilespmem:s3+$0x0];
	v19 =	vadd.s32 v2, v3;
	v2 =	vsub.f32 $1.000000000e+00, v13;
	vm7 =	vgt.s32 v16, $0x0  }
0x93: {  	v3 =	vsub.f32 $1.000000000e+00, v15;
	v11 =	vadd.f32 $1.000000000e+00, v11;
	v15 =	vld [tilespmem:s3+$0x70];
	v13 =	vsel vm7, v17, v18  }
0x94: {  	v23 =	vadd.s32 v6, v7;
	v10 =	vadd.s32 v8, v10;
	v13 =	vsub.f32 $1.000000000e+00, v13  }
0x95: {  	v18 =	vld [tilespmem:s3+$0x8070];
	v2 =	vmul.f32 $6.400000000e+01, v2;
	v3 =	vmul.f32 $6.400000000e+01, v3;
	v11 =	vmax.f32 v11, $0.0e+00  }
0x96: {  	v22 =	vadd.s32 v4, v5;
	v11 =	vmin.f32 v11, $5.120000000e+02;
	v13 =	vmul.f32 $6.400000000e+01, v13  }
0x97: {  	v21 =	vld [tilespmem:s3+$0x10];
	v2 =	vadd.f32 $1.000000000e+00, v2;
	v3 =	vadd.f32 $1.000000000e+00, v3;
	v11 =	vtrunc.f32 v11  }
0x98: {  	v24 =	vld [tilespmem:s3+$0x40];
	v7 =	vxor.u32 $0x80000000, v20;
	v11 =	vcvt.f32.s32 v11;
	v6 =	vxor.u32 $0x80000000, v15  }
0x99: {  	v59 =	vld [tilespmem:s3+$0x50];
	v13 =	vadd.f32 $1.000000000e+00, v13;
	v2 =	vmax.f32 v2, $0.0e+00;
	v3 =	vmax.f32 v3, $0.0e+00  }
0x9a: {  	v26 =	vld [tilespmem:s3+$0x60];
	vm8 =	vgt.s32 v18, $0x0;
	v2 =	vmin.f32 v2, $5.120000000e+02;
	v3 =	vmin.f32 v3, $5.120000000e+02  }
0x9b: {  	v8 =	vld [tilespmem:s3+$0x20];
	v11 =	vadd.s32 v11, v9;
	v6 =	vsel vm8, v15, v6;
	v13 =	vmax.f32 v13, $0.0e+00  }
0x9c: {  	v9 =	vld [tilespmem:s3+$0x30];
	v17 =	vtrunc.f32 v2;
	v3 =	vtrunc.f32 v3;
	v2 =	vmul.u32 $0x280, v16  }
0x9d: {  	v16 =	vld [tilespmem:s3+$0x8000];
	v15 =	vsub.f32 $1.000000000e+00, v6;
	v13 =	vmin.f32 v13, $5.120000000e+02;
	v4 =	vcvt.f32.s32 v17  }
0x9e: {  	v27 =	vxor.u32 $0x80000000, v24;
	v5 =	vcvt.f32.s32 v3;
	v17 =	vld [tilespmem:s3+$0x8010];
	v13 =	vtrunc.f32 v13  }
0x9f: {  	v60 =	vxor.u32 $0x80000000, v59;
	v15 =	vmul.f32 $6.400000000e+01, v15;
	v3 =	vcvt.f32.s32 v13;
	v13 =	vld [tilespmem:s3+$0x8020]  }
0xa0: {  	v61 =	vxor.u32 $0x80000000, v26;
	v18 =	vmul.u32 $0x280, v18;
	v6 =	vld [tilespmem:s3+$0x8030];
	v12 =	vadd.s32 v4, v12  }
0xa1: {  	v14 =	vadd.s32 v5, v14;
	v15 =	vadd.f32 $1.000000000e+00, v15;
	v25 =	vxor.u32 $0x80000000, v9  }
0xa2: {  	vm9 =	vgt.s32 v16, $0x0;
	v4 =	vmul.u32 $0x280, v16;
	v16 =	vxor.u32 $0x80000000, v21  }
0xa3: {  	v7 =	vsel vm9, v20, v7;
	vm10 =	vgt.s32 v17, $0x0;
	v5 =	vmul.u32 $0x280, v17  }
0xa4: {  	v17 =	vxor.u32 $0x80000000, v8;
	v20 =	vsub.f32 $1.000000000e+00, v7;
	v7 =	vld [tilespmem:s3+$0x8040];
	vm11 =	vgt.s32 v13, $0x0  }
0xa5: {  	vm12 =	vgt.s32 v6, $0x0;
	v15 =	vmax.f32 v15, $0.0e+00;
	v17 =	vsel vm11, v8, v17;
	v8 =	vld [tilespmem:s3+$0x8050]  }
0xa6: {  	v25 =	vsel vm12, v9, v25;
	v9 =	vld [tilespmem:s3+$0x8060];
	v16 =	vsel vm10, v21, v16;
	v15 =	vmin.f32 v15, $5.120000000e+02  }
0xa7: {  	v25 =	vsub.f32 $1.000000000e+00, v25;
	v16 =	vsub.f32 $1.000000000e+00, v16;
	v15 =	vtrunc.f32 v15  }
0xa8: {  	[tilespmem:v10+s26+$0x0] =	vst.idx.add.f32.msk $0xffff, v1;
	v10 =	vmul.u32 $0x280, v13;
	v20 =	vmul.f32 $6.400000000e+01, v20;
	v15 =	vcvt.f32.s32 v15  }
0xa9: {  	v62 =	vmul.f32 $6.400000000e+01, v25;
	v17 =	vsub.f32 $1.000000000e+00, v17;
	v16 =	vmul.f32 $6.400000000e+01, v16  }
0xaa: {  	v18 =	vadd.s32 v15, v18;
	vm13 =	vgt.s32 v7, $0x0;
	vm14 =	vgt.s32 v8, $0x0  }
0xab: {  	[tilespmem:v19+s26+$0x0] =	vst.idx.add.f32.msk $0xffff, v1;
	vm15 =	vgt.s32 v9, $0x0;
	v24 =	vsel vm13, v24, v27;
	v19 =	vsel vm14, v59, v60  }
0xac: {  	[tilespmem:v23+s26+$0x0] =	vst.idx.add.f32.msk $0xffff, v1;
	v21 =	vsel vm15, v26, v61;
	v15 =	vsub.f32 $1.000000000e+00, v24;
	v19 =	vsub.f32 $1.000000000e+00, v19  }
0xad: {  	[tilespmem:v11+s26+$0x0] =	vst.idx.add.f32.msk $0xffff, v1;
	v11 =	vadd.f32 $1.000000000e+00, v20;
	v17 =	vmul.f32 $6.400000000e+01, v17;
	v21 =	vsub.f32 $1.000000000e+00, v21  }
0xae: {  	[tilespmem:v22+s26+$0x0] =	vst.idx.add.f32.msk $0xffff, v1;
	v13 =	vadd.f32 $1.000000000e+00, v62;
	v15 =	vmul.f32 $6.400000000e+01, v15;
	v19 =	vmul.f32 $6.400000000e+01, v19  }
0xaf: {  	[tilespmem:v12+s26+$0x0] =	vst.idx.add.f32.msk $0xffff, v1;
	v63 =	vadd.f32 $1.000000000e+00, v16;
	v12 =	vadd.f32 $1.000000000e+00, v17;
	v17 =	vmul.f32 $6.400000000e+01, v21  }
0xb0: {  	[tilespmem:v14+s26+$0x0] =	vst.idx.add.f32.msk $0xffff, v1;
	v11 =	vmax.f32 v11, $0.0e+00;
	v15 =	vadd.f32 $1.000000000e+00, v15;
	v16 =	vadd.f32 $1.000000000e+00, v19  }
0xb1: {  	s31 =	simm.s32 $0x8;
	v14 =	vmax.f32 v63, $0.0e+00;
	[tilespmem:v18+s26+$0x0] =	vst.idx.add.f32.msk $0xffff, v1;
	v12 =	vmax.f32 v12, $0.0e+00;
	v17 =	vadd.f32 $1.000000000e+00, v17  }
.LBB2_2:
0xb2: {  	s31 =	sadd.s32 $0x8, s31;
	v13 =	vmax.f32 v13, $0.0e+00;
	v15 =	vmax.f32 v15, $0.0e+00;
	v16 =	vmax.f32 v16, $0.0e+00  }
0xb3: {  	v11 =	vmin.f32 v11, $5.120000000e+02;
	v14 =	vmin.f32 v14, $5.120000000e+02;
	s30 =	sadd.s32 $0x400, s30;
	s3 =	sshll.u32 s31, $0x4;
	p0 =	slt.u32 s31, $0x3F8;
	v17 =	vmax.f32 v17, $0.0e+00  }
0xb4: {  	v12 =	vmin.f32 v12, $5.120000000e+02;
	s4 =	sand.u32 $0xC00, s30;
	s5 =	sshll.u32 s31, $0x2;
	v13 =	vmin.f32 v13, $5.120000000e+02;
	v15 =	vmin.f32 v15, $5.120000000e+02;
	s3 =	sand.u32 $0x3000, s3  }
0xb5: {  	v11 =	vtrunc.f32 v11;
	v16 =	vmin.f32 v16, $5.120000000e+02;
	v17 =	vmin.f32 v17, $5.120000000e+02;
	s3 =	sor.u32 s4, s3;
	s4 =	sand.u32 $0x380, s5  }
0xb6: {  	v6 =	vmul.u32 $0x280, v6;
	v14 =	vtrunc.f32 v14;
	v12 =	vtrunc.f32 v12;
	s3 =	sor.u32 s4, s3  }
0xb7: {  	v7 =	vmul.u32 $0x280, v7;
	v13 =	vtrunc.f32 v13;
	v15 =	vtrunc.f32 v15;
	v18 =	vld [tilespmem:s3+$0x70]  }
0xb8: {  	v8 =	vmul.u32 $0x280, v8;
	v16 =	vtrunc.f32 v16;
	v17 =	vtrunc.f32 v17;
	v19 =	vld [tilespmem:s3+$0x8070]  }
0xb9: {  	v9 =	vmul.u32 $0x280, v9;
	v11 =	vcvt.f32.s32 v11;
	v14 =	vcvt.f32.s32 v14;
	v20 =	vld [tilespmem:s3+$0x0]  }
0xba: {  	v22 =	vadd.s32 v3, v2;
	v12 =	vcvt.f32.s32 v12;
	v13 =	vcvt.f32.s32 v13;
	v21 =	vld [tilespmem:s3+$0x8000]  }
0xbb: {  	v2 =	vmovc v9;
	v11 =	vadd.s32 v11, v4;
	v4 =	vcvt.f32.s32 v15;
	v15 =	vcvt.f32.s32 v16;
	v23 =	vld [tilespmem:s3+$0x10]  }
0xbc: {  	v14 =	vadd.s32 v14, v5;
	v10 =	vadd.s32 v12, v10;
	v3 =	vcvt.f32.s32 v17;
	v9 =	vld [tilespmem:s3+$0x8010]  }
0xbd: {  	v13 =	vadd.s32 v13, v6;
	v5 =	vxor.u32 $0x80000000, v18;
	v12 =	vld [tilespmem:s3+$0x20];
	vm0 =	vgt.s32 v19, $0x0  }
0xbe: {  	v17 =	vadd.s32 v4, v7;
	v6 =	vxor.u32 $0x80000000, v20;
	v16 =	vld [tilespmem:s3+$0x8020];
	v5 =	vsel vm0, v18, v5  }
0xbf: {  	vm0 =	vgt.s32 v21, $0x0;
	v4 =	vmul.u32 $0x280, v21;
	v18 =	vld [tilespmem:s3+$0x30];
	v5 =	vsub.f32 $1.000000000e+00, v5  }
0xc0: {  	v15 =	vadd.s32 v15, v8;
	v7 =	vsel vm0, v20, v6;
	v20 =	vxor.u32 $0x80000000, v23;
	v6 =	vld [tilespmem:s3+$0x8030]  }
0xc1: {  	v8 =	vsub.f32 $1.000000000e+00, v7;
	vm0 =	vgt.s32 v9, $0x0;
	v21 =	vld [tilespmem:s3+$0x40];
	v24 =	vmul.f32 $6.400000000e+01, v5  }
0xc2: {  	v5 =	vmul.u32 $0x280, v9;
	v20 =	vsel vm0, v23, v20;
	v9 =	vxor.u32 $0x80000000, v12;
	v7 =	vld [tilespmem:s3+$0x8040]  }
0xc3: {  	v20 =	vsub.f32 $1.000000000e+00, v20;
	vm0 =	vgt.s32 v16, $0x0;
	v23 =	vld [tilespmem:s3+$0x50];
	v24 =	vadd.f32 $1.000000000e+00, v24  }
0xc4: {  	v25 =	vmul.f32 $6.400000000e+01, v8;
	v9 =	vsel vm0, v12, v9;
	v12 =	vxor.u32 $0x80000000, v18;
	v8 =	vld [tilespmem:s3+$0x8050]  }
0xc5: {  	v26 =	vsub.f32 $1.000000000e+00, v9;
	vm0 =	vgt.s32 v6, $0x0;
	v27 =	vld [tilespmem:s3+$0x60];
	v24 =	vmax.f32 v24, $0.0e+00  }
0xc6: {  	v12 =	vsel vm0, v18, v12;
	v18 =	vxor.u32 $0x80000000, v21;
	v9 =	vld [tilespmem:s3+$0x8060];
	v24 =	vmin.f32 v24, $5.120000000e+02  }
0xc7: {  	v12 =	vsub.f32 $1.000000000e+00, v12;
	vm0 =	vgt.s32 v7, $0x0;
	v24 =	vtrunc.f32 v24;
	[tilespmem:v11+s26+$0x0] =	vst.idx.add.f32.msk $0xffff, v1  }
0xc8: {  	v19 =	vmul.u32 $0x280, v19;
	v11 =	vxor.u32 $0x80000000, v23;
	v24 =	vcvt.f32.s32 v24;
	[tilespmem:v14+s26+$0x0] =	vst.idx.add.f32.msk $0xffff, v1  }
0xc9: {  	v14 =	vmul.f32 $6.400000000e+01, v20;
	v18 =	vsel vm0, v21, v18;
	vm0 =	vgt.s32 v8, $0x0;
	[tilespmem:v10+s26+$0x0] =	vst.idx.add.f32.msk $0xffff, v1  }
0xca: {  	v10 =	vsel vm0, v23, v11;
	v11 =	vxor.u32 $0x80000000, v27;
	v19 =	vadd.s32 v24, v19;
	[tilespmem:v13+s26+$0x0] =	vst.idx.add.f32.msk $0xffff, v1  }
0xcb: {  	v13 =	vsub.f32 $1.000000000e+00, v18;
	v10 =	vsub.f32 $1.000000000e+00, v10;
	vm0 =	vgt.s32 v9, $0x0;
	[tilespmem:v17+s26+$0x0] =	vst.idx.add.f32.msk $0xffff, v1  }
0xcc: {  	v12 =	vmul.f32 $6.400000000e+01, v12;
	v17 =	vmul.f32 $6.400000000e+01, v26;
	v11 =	vsel vm0, v27, v11;
	[tilespmem:v15+s26+$0x0] =	vst.idx.add.f32.msk $0xffff, v1  }
.Ltmp0:
0xcd: {  	v15 =	vmul.f32 $6.400000000e+01, v13;
	v18 =	vmul.f32 $6.400000000e+01, v10;
	v11 =	vsub.f32 $1.000000000e+00, v11;
	[tilespmem:v22+s26+$0x0] =	vst.idx.add.f32.msk $0xffff, v1;
	(pc) =	sbr.rel @p0 .LBB2_2-.Ltmp0, $4  }
0xce: {  	v20 =	vadd.f32 $1.000000000e+00, v25;
	v14 =	vadd.f32 $1.000000000e+00, v14;
	v10 =	vmul.u32 $0x280, v16  }
0xcf: {  	v13 =	vadd.f32 $1.000000000e+00, v12;
	v17 =	vadd.f32 $1.000000000e+00, v17;
	v21 =	vmul.f32 $6.400000000e+01, v11;
	[tilespmem:v19+s26+$0x0] =	vst.idx.add.f32.msk $0xffff, v1  }
0xd0: {  	v15 =	vadd.f32 $1.000000000e+00, v15;
	v11 =	vmax.f32 v20, $0.0e+00;
	v16 =	vadd.f32 $1.000000000e+00, v18  }
0xd1: {  	v14 =	vmax.f32 v14, $0.0e+00;
	v12 =	vmax.f32 v17, $0.0e+00;
	v17 =	vadd.f32 $1.000000000e+00, v21  }
0xd2: {  	v13 =	vmax.f32 v13, $0.0e+00;
	v15 =	vmax.f32 v15, $0.0e+00  }
0xd3: {  	v16 =	vmax.f32 v16, $0.0e+00;
	v11 =	vmin.f32 v11, $5.120000000e+02;
	v14 =	vmin.f32 v14, $5.120000000e+02  }
0xd4: {  	v12 =	vmin.f32 v12, $5.120000000e+02;
	v6 =	vmul.u32 $0x280, v6;
	v7 =	vmul.u32 $0x280, v7  }
0xd5: {  	v8 =	vmul.u32 $0x280, v8;
	v2 =	vadd.s32 v3, v2;
	v17 =	vmax.f32 v17, $0.0e+00  }
0xd6: {  	v13 =	vmin.f32 v13, $5.120000000e+02;
	v15 =	vmin.f32 v15, $5.120000000e+02;
	v11 =	vtrunc.f32 v11  }
0xd7: {  	v16 =	vmin.f32 v16, $5.120000000e+02;
	v14 =	vtrunc.f32 v14;
	v11 =	vcvt.f32.s32 v11  }
0xd8: {  	v12 =	vtrunc.f32 v12;
	v17 =	vmin.f32 v17, $5.120000000e+02;
	v14 =	vcvt.f32.s32 v14  }
0xd9: {  	v13 =	vtrunc.f32 v13;
	v12 =	vcvt.f32.s32 v12;
	v4 =	vadd.s32 v11, v4  }
0xda: {  	v15 =	vtrunc.f32 v15;
	v11 =	vcvt.f32.s32 v13;
	v5 =	vadd.s32 v14, v5  }
0xdb: {  	v13 =	vtrunc.f32 v16;
	v14 =	vcvt.f32.s32 v15;
	v10 =	vadd.s32 v12, v10  }
0xdc: {  	v12 =	vcvt.f32.s32 v13;
	v6 =	vadd.s32 v11, v6;
	v11 =	vtrunc.f32 v17  }
0xdd: {  	v9 =	vmul.u32 $0x280, v9;
	[tilespmem:v2+s26+$0x0] =	vst.idx.add.f32.msk $0xffff, v1;
	v7 =	vadd.s32 v14, v7;
	v11 =	vcvt.f32.s32 v11  }
0xde: {  	v8 =	vadd.s32 v12, v8;
	[tilespmem:v4+s26+$0x0] =	vst.idx.add.f32.msk $0xffff, v1  }
0xdf: {  	[tilespmem:v5+s26+$0x0] =	vst.idx.add.f32.msk $0xffff, v1;
	v3 =	vadd.s32 v11, v9  }
0xe0: {  	[tilespmem:v10+s26+$0x0] =	vst.idx.add.f32.msk $0xffff, v1  }
0xe1: {  	[tilespmem:v6+s26+$0x0] =	vst.idx.add.f32.msk $0xffff, v1  }
0xe2: {  	[tilespmem:v7+s26+$0x0] =	vst.idx.add.f32.msk $0xffff, v1  }
0xe3: {  	[tilespmem:v8+s26+$0x0] =	vst.idx.add.f32.msk $0xffff, v1  }
0xe4: {  	s3 =	simm.s32 $0x0;
	[tilespmem:v3+s26+$0x0] =	vst.idx.add.f32.msk $0xffff, v1  }
0xe5: {  	[tilespmem:s3], [sflag:$0x1] =	stream.linear.gather [hbm4b:s7+s3], $0x4000, $0x38;
	[tilespmem:$0x10500] =	vst v63  }
0xe6: {  	_ = 	snop  }
0xe7: {  	[tilespmem:s21], [sflag:$0x3] =	stream.linear.gather [hbm4b:s8+s3], $0x4000, $0x38;
	[tilespmem:$0x10500] =	vst v63  }
0xe8: {  	_ =	swait.ge [sflag:s28], $0x4000  }
0xe9: {  	[sflag:s28] =	ssyncset.done $0x0  }
0xea: {  	s4 =	simm.s32 $0x0;
	s5 =	simm.s32 $0x0;
	[sflag:s28] =	ssyncadd.s32 $0xFFFFC000  }
0xeb: {  	s4 =	sand.u32 $0x3000, s4;
	s3 =	sand.u32 $0xC00, s3;
	_ =	swait.ge [sflag:s29], $0x4000  }
0xec: {  	s5 =	sand.u32 $0x380, s5;
	s3 =	sor.u32 s3, s4;
	[sflag:s29] =	ssyncset.done $0x0  }
0xed: {  	s3 =	sor.u32 s5, s3;
	[sflag:s29] =	ssyncadd.s32 $0xFFFFC000  }
0xee: {  	v2 =	vld [tilespmem:s3+$0x4070]  }
0xef: {  	v3 =	vld [tilespmem:s3+$0xC070]  }
0xf0: {  	v5 =	vld [tilespmem:s3+$0xC000]  }
0xf1: {  	v6 =	vld [tilespmem:s3+$0x4010]  }
0xf2: {  	v7 =	vld [tilespmem:s3+$0xC010]  }
0xf3: {  	v8 =	vld [tilespmem:s3+$0x4020]  }
0xf4: {  	v10 =	vld [tilespmem:s3+$0xC020]  }
0xf5: {  	v11 =	vld [tilespmem:s3+$0x4030]  }
0xf6: {  	v13 =	vld [tilespmem:s3+$0x4040]  }
0xf7: {  	v15 =	vld [tilespmem:s3+$0x4050]  }
0xf8: {  	v4 =	vld [tilespmem:s3+$0x4000];
	vm0 =	vgt.s32 v3, $0x0;
	v9 =	vxor.u32 $0x80000000, v2  }
0xf9: {  	vm13 =	vgt.s32 v5, $0x0;
	v5 =	vmul.u32 $0x280, v5;
	v12 =	vxor.u32 $0x80000000, v6  }
0xfa: {  	vm14 =	vgt.s32 v7, $0x0;
	v7 =	vmul.u32 $0x280, v7;
	v14 =	vxor.u32 $0x80000000, v8  }
0xfb: {  	vm15 =	vgt.s32 v10, $0x0;
	v16 =	vxor.u32 $0x80000000, v11;
	v18 =	vxor.u32 $0x80000000, v13  }
0xfc: {  	v19 =	vxor.u32 $0x80000000, v15;
	v2 =	vsel vm0, v2, v9;
	v6 =	vsel vm14, v6, v12;
	v12 =	vld [tilespmem:s3+$0xC040]  }
0xfd: {  	v9 =	vxor.u32 $0x80000000, v4;
	v8 =	vsel vm15, v8, v14;
	v14 =	vld [tilespmem:s3+$0xC050];
	v2 =	vsub.f32 $1.000000000e+00, v2  }
0xfe: {  	v4 =	vsel vm13, v4, v9;
	v9 =	vld [tilespmem:s3+$0xC030];
	v6 =	vsub.f32 $1.000000000e+00, v6;
	v8 =	vsub.f32 $1.000000000e+00, v8  }
0xff: {  	v3 =	vmul.u32 $0x280, v3;
	v4 =	vsub.f32 $1.000000000e+00, v4;
	v2 =	vmul.f32 $6.400000000e+01, v2  }
0x100: {  	v10 =	vmul.u32 $0x280, v10;
	v6 =	vmul.f32 $6.400000000e+01, v6;
	v8 =	vmul.f32 $6.400000000e+01, v8  }
0x101: {  	v4 =	vmul.f32 $6.400000000e+01, v4;
	v2 =	vadd.f32 $1.000000000e+00, v2;
	vm5 =	vgt.s32 v12, $0x0  }
0x102: {  	vm6 =	vgt.s32 v14, $0x0;
	v6 =	vadd.f32 $1.000000000e+00, v6;
	v8 =	vadd.f32 $1.000000000e+00, v8  }
0x103: {  	v12 =	vmul.u32 $0x280, v12;
	v14 =	vmul.u32 $0x280, v14;
	vm4 =	vgt.s32 v9, $0x0  }
0x104: {  	v13 =	vsel vm5, v13, v18;
	v15 =	vsel vm6, v15, v19;
	v4 =	vadd.f32 $1.000000000e+00, v4  }
0x105: {  	v17 =	vld [tilespmem:s3+$0x4060];
	v2 =	vmax.f32 v2, $0.0e+00;
	v11 =	vsel vm4, v11, v16;
	v6 =	vmax.f32 v6, $0.0e+00  }
0x106: {  	v8 =	vmax.f32 v8, $0.0e+00;
	v2 =	vmin.f32 v2, $5.120000000e+02;
	v11 =	vsub.f32 $1.000000000e+00, v11  }
0x107: {  	v16 =	vld [tilespmem:s3+$0xC060];
	v6 =	vmin.f32 v6, $5.120000000e+02;
	v8 =	vmin.f32 v8, $5.120000000e+02;
	v2 =	vtrunc.f32 v2  }
0x108: {  	s30 =	simm.s32 $0x400;
	s4 =	simm.s32 $0x80;
	v4 =	vmax.f32 v4, $0.0e+00;
	v6 =	vtrunc.f32 v6;
	v8 =	vtrunc.f32 v8  }
0x109: {  	s5 =	simm.s32 $0x20;
	s3 =	sand.u32 $0x3000, s4;
	s4 =	sand.u32 $0xC00, s30;
	v4 =	vmin.f32 v4, $5.120000000e+02;
	v2 =	vcvt.f32.s32 v2;
	v11 =	vmul.f32 $6.400000000e+01, v11  }
0x10a: {  	s5 =	sand.u32 $0x380, s5;
	v18 =	vxor.u32 $0x80000000, v17;
	s3 =	sor.u32 s4, s3;
	v4 =	vtrunc.f32 v4;
	v6 =	vcvt.f32.s32 v6  }
0x10b: {  	v9 =	vmul.u32 $0x280, v9;
	s3 =	sor.u32 s5, s3;
	v8 =	vcvt.f32.s32 v8;
	v4 =	vcvt.f32.s32 v4  }
0x10c: {  	v20 =	vld [tilespmem:s3+$0x4000];
	v19 =	vadd.s32 v2, v3;
	v2 =	vsub.f32 $1.000000000e+00, v13;
	vm7 =	vgt.s32 v16, $0x0  }
0x10d: {  	v3 =	vsub.f32 $1.000000000e+00, v15;
	v11 =	vadd.f32 $1.000000000e+00, v11;
	v15 =	vld [tilespmem:s3+$0x4070];
	v13 =	vsel vm7, v17, v18  }
0x10e: {  	v23 =	vadd.s32 v6, v7;
	v10 =	vadd.s32 v8, v10;
	v13 =	vsub.f32 $1.000000000e+00, v13  }
0x10f: {  	v18 =	vld [tilespmem:s3+$0xC070];
	v2 =	vmul.f32 $6.400000000e+01, v2;
	v3 =	vmul.f32 $6.400000000e+01, v3;
	v11 =	vmax.f32 v11, $0.0e+00  }
0x110: {  	v22 =	vadd.s32 v4, v5;
	v11 =	vmin.f32 v11, $5.120000000e+02;
	v13 =	vmul.f32 $6.400000000e+01, v13  }
0x111: {  	v21 =	vld [tilespmem:s3+$0x4010];
	v2 =	vadd.f32 $1.000000000e+00, v2;
	v3 =	vadd.f32 $1.000000000e+00, v3;
	v11 =	vtrunc.f32 v11  }
0x112: {  	v24 =	vld [tilespmem:s3+$0x4040];
	v7 =	vxor.u32 $0x80000000, v20;
	v11 =	vcvt.f32.s32 v11;
	v6 =	vxor.u32 $0x80000000, v15  }
0x113: {  	v59 =	vld [tilespmem:s3+$0x4050];
	v13 =	vadd.f32 $1.000000000e+00, v13;
	v2 =	vmax.f32 v2, $0.0e+00;
	v3 =	vmax.f32 v3, $0.0e+00  }
0x114: {  	v26 =	vld [tilespmem:s3+$0x4060];
	vm8 =	vgt.s32 v18, $0x0;
	v2 =	vmin.f32 v2, $5.120000000e+02;
	v3 =	vmin.f32 v3, $5.120000000e+02  }
0x115: {  	v8 =	vld [tilespmem:s3+$0x4020];
	v11 =	vadd.s32 v11, v9;
	v6 =	vsel vm8, v15, v6;
	v13 =	vmax.f32 v13, $0.0e+00  }
0x116: {  	v9 =	vld [tilespmem:s3+$0x4030];
	v17 =	vtrunc.f32 v2;
	v3 =	vtrunc.f32 v3;
	v2 =	vmul.u32 $0x280, v16  }
0x117: {  	v16 =	vld [tilespmem:s3+$0xC000];
	v15 =	vsub.f32 $1.000000000e+00, v6;
	v13 =	vmin.f32 v13, $5.120000000e+02;
	v4 =	vcvt.f32.s32 v17  }
0x118: {  	v27 =	vxor.u32 $0x80000000, v24;
	v5 =	vcvt.f32.s32 v3;
	v17 =	vld [tilespmem:s3+$0xC010];
	v13 =	vtrunc.f32 v13  }
0x119: {  	v60 =	vxor.u32 $0x80000000, v59;
	v15 =	vmul.f32 $6.400000000e+01, v15;
	v3 =	vcvt.f32.s32 v13;
	v13 =	vld [tilespmem:s3+$0xC020]  }
0x11a: {  	v61 =	vxor.u32 $0x80000000, v26;
	v18 =	vmul.u32 $0x280, v18;
	v6 =	vld [tilespmem:s3+$0xC030];
	v12 =	vadd.s32 v4, v12  }
0x11b: {  	v14 =	vadd.s32 v5, v14;
	v15 =	vadd.f32 $1.000000000e+00, v15;
	v25 =	vxor.u32 $0x80000000, v9  }
0x11c: {  	vm9 =	vgt.s32 v16, $0x0;
	v4 =	vmul.u32 $0x280, v16;
	v16 =	vxor.u32 $0x80000000, v21  }
0x11d: {  	v7 =	vsel vm9, v20, v7;
	vm10 =	vgt.s32 v17, $0x0;
	v5 =	vmul.u32 $0x280, v17  }
0x11e: {  	v17 =	vxor.u32 $0x80000000, v8;
	v20 =	vsub.f32 $1.000000000e+00, v7;
	v7 =	vld [tilespmem:s3+$0xC040];
	vm11 =	vgt.s32 v13, $0x0  }
0x11f: {  	vm12 =	vgt.s32 v6, $0x0;
	v15 =	vmax.f32 v15, $0.0e+00;
	v17 =	vsel vm11, v8, v17;
	v8 =	vld [tilespmem:s3+$0xC050]  }
0x120: {  	v25 =	vsel vm12, v9, v25;
	v9 =	vld [tilespmem:s3+$0xC060];
	v16 =	vsel vm10, v21, v16;
	v15 =	vmin.f32 v15, $5.120000000e+02  }
0x121: {  	v25 =	vsub.f32 $1.000000000e+00, v25;
	v16 =	vsub.f32 $1.000000000e+00, v16;
	v15 =	vtrunc.f32 v15  }
0x122: {  	[tilespmem:v10+s26+$0x0] =	vst.idx.add.f32.msk $0xffff, v1;
	v10 =	vmul.u32 $0x280, v13;
	v20 =	vmul.f32 $6.400000000e+01, v20;
	v15 =	vcvt.f32.s32 v15  }
0x123: {  	v62 =	vmul.f32 $6.400000000e+01, v25;
	v17 =	vsub.f32 $1.000000000e+00, v17;
	v16 =	vmul.f32 $6.400000000e+01, v16  }
0x124: {  	v18 =	vadd.s32 v15, v18;
	vm13 =	vgt.s32 v7, $0x0;
	vm14 =	vgt.s32 v8, $0x0  }
0x125: {  	[tilespmem:v19+s26+$0x0] =	vst.idx.add.f32.msk $0xffff, v1;
	vm15 =	vgt.s32 v9, $0x0;
	v24 =	vsel vm13, v24, v27;
	v19 =	vsel vm14, v59, v60  }
0x126: {  	[tilespmem:v23+s26+$0x0] =	vst.idx.add.f32.msk $0xffff, v1;
	v21 =	vsel vm15, v26, v61;
	v15 =	vsub.f32 $1.000000000e+00, v24;
	v19 =	vsub.f32 $1.000000000e+00, v19  }
0x127: {  	[tilespmem:v11+s26+$0x0] =	vst.idx.add.f32.msk $0xffff, v1;
	v11 =	vadd.f32 $1.000000000e+00, v20;
	v17 =	vmul.f32 $6.400000000e+01, v17;
	v21 =	vsub.f32 $1.000000000e+00, v21  }
0x128: {  	[tilespmem:v22+s26+$0x0] =	vst.idx.add.f32.msk $0xffff, v1;
	v13 =	vadd.f32 $1.000000000e+00, v62;
	v15 =	vmul.f32 $6.400000000e+01, v15;
	v19 =	vmul.f32 $6.400000000e+01, v19  }
0x129: {  	[tilespmem:v12+s26+$0x0] =	vst.idx.add.f32.msk $0xffff, v1;
	v63 =	vadd.f32 $1.000000000e+00, v16;
	v12 =	vadd.f32 $1.000000000e+00, v17;
	v17 =	vmul.f32 $6.400000000e+01, v21  }
0x12a: {  	[tilespmem:v14+s26+$0x0] =	vst.idx.add.f32.msk $0xffff, v1;
	v11 =	vmax.f32 v11, $0.0e+00;
	v15 =	vadd.f32 $1.000000000e+00, v15;
	v16 =	vadd.f32 $1.000000000e+00, v19  }
0x12b: {  	s31 =	simm.s32 $0x8;
	v14 =	vmax.f32 v63, $0.0e+00;
	[tilespmem:v18+s26+$0x0] =	vst.idx.add.f32.msk $0xffff, v1;
	v12 =	vmax.f32 v12, $0.0e+00;
	v17 =	vadd.f32 $1.000000000e+00, v17  }
.LBB2_4:
0x12c: {  	s31 =	sadd.s32 $0x8, s31;
	v13 =	vmax.f32 v13, $0.0e+00;
	v15 =	vmax.f32 v15, $0.0e+00;
	v16 =	vmax.f32 v16, $0.0e+00  }
0x12d: {  	v11 =	vmin.f32 v11, $5.120000000e+02;
	v14 =	vmin.f32 v14, $5.120000000e+02;
	s30 =	sadd.s32 $0x400, s30;
	s3 =	sshll.u32 s31, $0x4;
	p0 =	slt.u32 s31, $0x3F8;
	v17 =	vmax.f32 v17, $0.0e+00  }
0x12e: {  	v12 =	vmin.f32 v12, $5.120000000e+02;
	s4 =	sand.u32 $0xC00, s30;
	s5 =	sshll.u32 s31, $0x2;
	v13 =	vmin.f32 v13, $5.120000000e+02;
	v15 =	vmin.f32 v15, $5.120000000e+02;
	s3 =	sand.u32 $0x3000, s3  }
0x12f: {  	v11 =	vtrunc.f32 v11;
	v16 =	vmin.f32 v16, $5.120000000e+02;
	v17 =	vmin.f32 v17, $5.120000000e+02;
	s3 =	sor.u32 s4, s3;
	s4 =	sand.u32 $0x380, s5  }
0x130: {  	v6 =	vmul.u32 $0x280, v6;
	v14 =	vtrunc.f32 v14;
	v12 =	vtrunc.f32 v12;
	s3 =	sor.u32 s4, s3  }
0x131: {  	v7 =	vmul.u32 $0x280, v7;
	v13 =	vtrunc.f32 v13;
	v15 =	vtrunc.f32 v15;
	v18 =	vld [tilespmem:s3+$0x4070]  }
0x132: {  	v8 =	vmul.u32 $0x280, v8;
	v16 =	vtrunc.f32 v16;
	v17 =	vtrunc.f32 v17;
	v19 =	vld [tilespmem:s3+$0xC070]  }
0x133: {  	v9 =	vmul.u32 $0x280, v9;
	v11 =	vcvt.f32.s32 v11;
	v14 =	vcvt.f32.s32 v14;
	v20 =	vld [tilespmem:s3+$0x4000]  }
0x134: {  	v22 =	vadd.s32 v3, v2;
	v12 =	vcvt.f32.s32 v12;
	v13 =	vcvt.f32.s32 v13;
	v21 =	vld [tilespmem:s3+$0xC000]  }
0x135: {  	v2 =	vmovc v9;
	v11 =	vadd.s32 v11, v4;
	v4 =	vcvt.f32.s32 v15;
	v15 =	vcvt.f32.s32 v16;
	v23 =	vld [tilespmem:s3+$0x4010]  }
0x136: {  	v14 =	vadd.s32 v14, v5;
	v10 =	vadd.s32 v12, v10;
	v3 =	vcvt.f32.s32 v17;
	v9 =	vld [tilespmem:s3+$0xC010]  }
0x137: {  	v13 =	vadd.s32 v13, v6;
	v5 =	vxor.u32 $0x80000000, v18;
	v12 =	vld [tilespmem:s3+$0x4020];
	vm0 =	vgt.s32 v19, $0x0  }
0x138: {  	v17 =	vadd.s32 v4, v7;
	v6 =	vxor.u32 $0x80000000, v20;
	v16 =	vld [tilespmem:s3+$0xC020];
	v5 =	vsel vm0, v18, v5  }
0x139: {  	vm0 =	vgt.s32 v21, $0x0;
	v4 =	vmul.u32 $0x280, v21;
	v18 =	vld [tilespmem:s3+$0x4030];
	v5 =	vsub.f32 $1.000000000e+00, v5  }
0x13a: {  	v15 =	vadd.s32 v15, v8;
	v7 =	vsel vm0, v20, v6;
	v20 =	vxor.u32 $0x80000000, v23;
	v6 =	vld [tilespmem:s3+$0xC030]  }
0x13b: {  	v8 =	vsub.f32 $1.000000000e+00, v7;
	vm0 =	vgt.s32 v9, $0x0;
	v21 =	vld [tilespmem:s3+$0x4040];
	v24 =	vmul.f32 $6.400000000e+01, v5  }
0x13c: {  	v5 =	vmul.u32 $0x280, v9;
	v20 =	vsel vm0, v23, v20;
	v9 =	vxor.u32 $0x80000000, v12;
	v7 =	vld [tilespmem:s3+$0xC040]  }
0x13d: {  	v20 =	vsub.f32 $1.000000000e+00, v20;
	vm0 =	vgt.s32 v16, $0x0;
	v23 =	vld [tilespmem:s3+$0x4050];
	v24 =	vadd.f32 $1.000000000e+00, v24  }
0x13e: {  	v25 =	vmul.f32 $6.400000000e+01, v8;
	v9 =	vsel vm0, v12, v9;
	v12 =	vxor.u32 $0x80000000, v18;
	v8 =	vld [tilespmem:s3+$0xC050]  }
0x13f: {  	v26 =	vsub.f32 $1.000000000e+00, v9;
	vm0 =	vgt.s32 v6, $0x0;
	v27 =	vld [tilespmem:s3+$0x4060];
	v24 =	vmax.f32 v24, $0.0e+00  }
0x140: {  	v12 =	vsel vm0, v18, v12;
	v18 =	vxor.u32 $0x80000000, v21;
	v9 =	vld [tilespmem:s3+$0xC060];
	v24 =	vmin.f32 v24, $5.120000000e+02  }
0x141: {  	v12 =	vsub.f32 $1.000000000e+00, v12;
	vm0 =	vgt.s32 v7, $0x0;
	v24 =	vtrunc.f32 v24;
	[tilespmem:v11+s26+$0x0] =	vst.idx.add.f32.msk $0xffff, v1  }
0x142: {  	v19 =	vmul.u32 $0x280, v19;
	v11 =	vxor.u32 $0x80000000, v23;
	v24 =	vcvt.f32.s32 v24;
	[tilespmem:v14+s26+$0x0] =	vst.idx.add.f32.msk $0xffff, v1  }
0x143: {  	v14 =	vmul.f32 $6.400000000e+01, v20;
	v18 =	vsel vm0, v21, v18;
	vm0 =	vgt.s32 v8, $0x0;
	[tilespmem:v10+s26+$0x0] =	vst.idx.add.f32.msk $0xffff, v1  }
0x144: {  	v10 =	vsel vm0, v23, v11;
	v11 =	vxor.u32 $0x80000000, v27;
	v19 =	vadd.s32 v24, v19;
	[tilespmem:v13+s26+$0x0] =	vst.idx.add.f32.msk $0xffff, v1  }
0x145: {  	v13 =	vsub.f32 $1.000000000e+00, v18;
	v10 =	vsub.f32 $1.000000000e+00, v10;
	vm0 =	vgt.s32 v9, $0x0;
	[tilespmem:v17+s26+$0x0] =	vst.idx.add.f32.msk $0xffff, v1  }
0x146: {  	v12 =	vmul.f32 $6.400000000e+01, v12;
	v17 =	vmul.f32 $6.400000000e+01, v26;
	v11 =	vsel vm0, v27, v11;
	[tilespmem:v15+s26+$0x0] =	vst.idx.add.f32.msk $0xffff, v1  }
.Ltmp1:
0x147: {  	v15 =	vmul.f32 $6.400000000e+01, v13;
	v18 =	vmul.f32 $6.400000000e+01, v10;
	v11 =	vsub.f32 $1.000000000e+00, v11;
	[tilespmem:v22+s26+$0x0] =	vst.idx.add.f32.msk $0xffff, v1;
	(pc) =	sbr.rel @p0 .LBB2_4-.Ltmp1, $4  }
0x148: {  	v20 =	vadd.f32 $1.000000000e+00, v25;
	v14 =	vadd.f32 $1.000000000e+00, v14;
	v10 =	vmul.u32 $0x280, v16  }
0x149: {  	v13 =	vadd.f32 $1.000000000e+00, v12;
	v17 =	vadd.f32 $1.000000000e+00, v17;
	v21 =	vmul.f32 $6.400000000e+01, v11;
	[tilespmem:v19+s26+$0x0] =	vst.idx.add.f32.msk $0xffff, v1  }
0x14a: {  	v15 =	vadd.f32 $1.000000000e+00, v15;
	v11 =	vmax.f32 v20, $0.0e+00;
	v16 =	vadd.f32 $1.000000000e+00, v18  }
0x14b: {  	v14 =	vmax.f32 v14, $0.0e+00;
	v12 =	vmax.f32 v17, $0.0e+00;
	v17 =	vadd.f32 $1.000000000e+00, v21  }
0x14c: {  	v13 =	vmax.f32 v13, $0.0e+00;
	v15 =	vmax.f32 v15, $0.0e+00  }
0x14d: {  	v16 =	vmax.f32 v16, $0.0e+00;
	v11 =	vmin.f32 v11, $5.120000000e+02;
	v14 =	vmin.f32 v14, $5.120000000e+02  }
0x14e: {  	v12 =	vmin.f32 v12, $5.120000000e+02;
	v6 =	vmul.u32 $0x280, v6;
	v7 =	vmul.u32 $0x280, v7  }
0x14f: {  	v8 =	vmul.u32 $0x280, v8;
	v2 =	vadd.s32 v3, v2;
	v17 =	vmax.f32 v17, $0.0e+00  }
0x150: {  	v13 =	vmin.f32 v13, $5.120000000e+02;
	v15 =	vmin.f32 v15, $5.120000000e+02;
	v11 =	vtrunc.f32 v11  }
0x151: {  	v16 =	vmin.f32 v16, $5.120000000e+02;
	v14 =	vtrunc.f32 v14;
	v11 =	vcvt.f32.s32 v11  }
0x152: {  	v12 =	vtrunc.f32 v12;
	v17 =	vmin.f32 v17, $5.120000000e+02;
	v14 =	vcvt.f32.s32 v14  }
0x153: {  	v13 =	vtrunc.f32 v13;
	v12 =	vcvt.f32.s32 v12;
	v4 =	vadd.s32 v11, v4  }
0x154: {  	v15 =	vtrunc.f32 v15;
	v11 =	vcvt.f32.s32 v13;
	v5 =	vadd.s32 v14, v5  }
0x155: {  	v13 =	vtrunc.f32 v16;
	v14 =	vcvt.f32.s32 v15;
	v10 =	vadd.s32 v12, v10  }
0x156: {  	v12 =	vcvt.f32.s32 v13;
	v6 =	vadd.s32 v11, v6;
	v11 =	vtrunc.f32 v17  }
0x157: {  	v9 =	vmul.u32 $0x280, v9;
	[tilespmem:v2+s26+$0x0] =	vst.idx.add.f32.msk $0xffff, v1;
	v7 =	vadd.s32 v14, v7;
	v11 =	vcvt.f32.s32 v11  }
0x158: {  	v8 =	vadd.s32 v12, v8;
	[tilespmem:v4+s26+$0x0] =	vst.idx.add.f32.msk $0xffff, v1  }
0x159: {  	[tilespmem:v5+s26+$0x0] =	vst.idx.add.f32.msk $0xffff, v1;
	v3 =	vadd.s32 v11, v9  }
0x15a: {  	[tilespmem:v10+s26+$0x0] =	vst.idx.add.f32.msk $0xffff, v1  }
0x15b: {  	[tilespmem:v6+s26+$0x0] =	vst.idx.add.f32.msk $0xffff, v1  }
0x15c: {  	[tilespmem:v7+s26+$0x0] =	vst.idx.add.f32.msk $0xffff, v1  }
0x15d: {  	[tilespmem:v8+s26+$0x0] =	vst.idx.add.f32.msk $0xffff, v1  }
0x15e: {  	s3 =	simm.s32 $0x0;
	[tilespmem:v3+s26+$0x0] =	vst.idx.add.f32.msk $0xffff, v1  }
0x15f: {  	[tilespmem:s22], [sflag:$0x2] =	stream.linear.gather [hbm4b:s9+s3], $0x4000, $0x38;
	[tilespmem:$0x10500] =	vst v63  }
0x160: {  	_ = 	snop  }
0x161: {  	[tilespmem:s23], [sflag:$0x4] =	stream.linear.gather [hbm4b:s10+s3], $0x4000, $0x38;
	[tilespmem:$0x10500] =	vst v63  }
0x162: {  	_ =	swait.ge [sflag:s24], $0x4000  }
0x163: {  	[sflag:s24] =	ssyncset.done $0x0  }
0x164: {  	s4 =	simm.s32 $0x0;
	s5 =	simm.s32 $0x0;
	[sflag:s24] =	ssyncadd.s32 $0xFFFFC000  }
0x165: {  	s4 =	sand.u32 $0x3000, s4;
	s3 =	sand.u32 $0xC00, s3;
	_ =	swait.ge [sflag:s25], $0x4000  }
0x166: {  	s5 =	sand.u32 $0x380, s5;
	s3 =	sor.u32 s3, s4;
	[sflag:s25] =	ssyncset.done $0x0  }
0x167: {  	s3 =	sor.u32 s5, s3;
	[sflag:s25] =	ssyncadd.s32 $0xFFFFC000  }
0x168: {  	v2 =	vld [tilespmem:s3+$0x70]  }
0x169: {  	v3 =	vld [tilespmem:s3+$0x8070]  }
0x16a: {  	v5 =	vld [tilespmem:s3+$0x8000]  }
0x16b: {  	v6 =	vld [tilespmem:s3+$0x10]  }
0x16c: {  	v7 =	vld [tilespmem:s3+$0x8010]  }
0x16d: {  	v8 =	vld [tilespmem:s3+$0x20]  }
0x16e: {  	v10 =	vld [tilespmem:s3+$0x8020]  }
0x16f: {  	v11 =	vld [tilespmem:s3+$0x30]  }
0x170: {  	v13 =	vld [tilespmem:s3+$0x40]  }
0x171: {  	v15 =	vld [tilespmem:s3+$0x50]  }
0x172: {  	v4 =	vld [tilespmem:s3+$0x0];
	vm0 =	vgt.s32 v3, $0x0;
	v9 =	vxor.u32 $0x80000000, v2  }
0x173: {  	vm13 =	vgt.s32 v5, $0x0;
	v5 =	vmul.u32 $0x280, v5;
	v12 =	vxor.u32 $0x80000000, v6  }
0x174: {  	vm14 =	vgt.s32 v7, $0x0;
	v7 =	vmul.u32 $0x280, v7;
	v14 =	vxor.u32 $0x80000000, v8  }
0x175: {  	vm15 =	vgt.s32 v10, $0x0;
	v16 =	vxor.u32 $0x80000000, v11;
	v18 =	vxor.u32 $0x80000000, v13  }
0x176: {  	v19 =	vxor.u32 $0x80000000, v15;
	v2 =	vsel vm0, v2, v9;
	v6 =	vsel vm14, v6, v12;
	v12 =	vld [tilespmem:s3+$0x8040]  }
0x177: {  	v9 =	vxor.u32 $0x80000000, v4;
	v8 =	vsel vm15, v8, v14;
	v14 =	vld [tilespmem:s3+$0x8050];
	v2 =	vsub.f32 $1.000000000e+00, v2  }
0x178: {  	v4 =	vsel vm13, v4, v9;
	v9 =	vld [tilespmem:s3+$0x8030];
	v6 =	vsub.f32 $1.000000000e+00, v6;
	v8 =	vsub.f32 $1.000000000e+00, v8  }
0x179: {  	v3 =	vmul.u32 $0x280, v3;
	v4 =	vsub.f32 $1.000000000e+00, v4;
	v2 =	vmul.f32 $6.400000000e+01, v2  }
0x17a: {  	v10 =	vmul.u32 $0x280, v10;
	v6 =	vmul.f32 $6.400000000e+01, v6;
	v8 =	vmul.f32 $6.400000000e+01, v8  }
0x17b: {  	v4 =	vmul.f32 $6.400000000e+01, v4;
	v2 =	vadd.f32 $1.000000000e+00, v2;
	vm5 =	vgt.s32 v12, $0x0  }
0x17c: {  	vm6 =	vgt.s32 v14, $0x0;
	v6 =	vadd.f32 $1.000000000e+00, v6;
	v8 =	vadd.f32 $1.000000000e+00, v8  }
0x17d: {  	v12 =	vmul.u32 $0x280, v12;
	v14 =	vmul.u32 $0x280, v14;
	vm4 =	vgt.s32 v9, $0x0  }
0x17e: {  	v13 =	vsel vm5, v13, v18;
	v15 =	vsel vm6, v15, v19;
	v4 =	vadd.f32 $1.000000000e+00, v4  }
0x17f: {  	v17 =	vld [tilespmem:s3+$0x60];
	v2 =	vmax.f32 v2, $0.0e+00;
	v11 =	vsel vm4, v11, v16;
	v6 =	vmax.f32 v6, $0.0e+00  }
0x180: {  	v8 =	vmax.f32 v8, $0.0e+00;
	v2 =	vmin.f32 v2, $5.120000000e+02;
	v11 =	vsub.f32 $1.000000000e+00, v11  }
0x181: {  	v16 =	vld [tilespmem:s3+$0x8060];
	v6 =	vmin.f32 v6, $5.120000000e+02;
	v8 =	vmin.f32 v8, $5.120000000e+02;
	v2 =	vtrunc.f32 v2  }
0x182: {  	s30 =	simm.s32 $0x400;
	s4 =	simm.s32 $0x80;
	v4 =	vmax.f32 v4, $0.0e+00;
	v6 =	vtrunc.f32 v6;
	v8 =	vtrunc.f32 v8  }
0x183: {  	s5 =	simm.s32 $0x20;
	s3 =	sand.u32 $0x3000, s4;
	s4 =	sand.u32 $0xC00, s30;
	v4 =	vmin.f32 v4, $5.120000000e+02;
	v2 =	vcvt.f32.s32 v2;
	v11 =	vmul.f32 $6.400000000e+01, v11  }
0x184: {  	s5 =	sand.u32 $0x380, s5;
	v18 =	vxor.u32 $0x80000000, v17;
	s3 =	sor.u32 s4, s3;
	v4 =	vtrunc.f32 v4;
	v6 =	vcvt.f32.s32 v6  }
0x185: {  	v9 =	vmul.u32 $0x280, v9;
	s3 =	sor.u32 s5, s3;
	v8 =	vcvt.f32.s32 v8;
	v4 =	vcvt.f32.s32 v4  }
0x186: {  	v20 =	vld [tilespmem:s3+$0x0];
	v19 =	vadd.s32 v2, v3;
	v2 =	vsub.f32 $1.000000000e+00, v13;
	vm7 =	vgt.s32 v16, $0x0  }
0x187: {  	v3 =	vsub.f32 $1.000000000e+00, v15;
	v11 =	vadd.f32 $1.000000000e+00, v11;
	v15 =	vld [tilespmem:s3+$0x70];
	v13 =	vsel vm7, v17, v18  }
0x188: {  	v23 =	vadd.s32 v6, v7;
	v10 =	vadd.s32 v8, v10;
	v13 =	vsub.f32 $1.000000000e+00, v13  }
0x189: {  	v18 =	vld [tilespmem:s3+$0x8070];
	v2 =	vmul.f32 $6.400000000e+01, v2;
	v3 =	vmul.f32 $6.400000000e+01, v3;
	v11 =	vmax.f32 v11, $0.0e+00  }
0x18a: {  	v22 =	vadd.s32 v4, v5;
	v11 =	vmin.f32 v11, $5.120000000e+02;
	v13 =	vmul.f32 $6.400000000e+01, v13  }
0x18b: {  	v21 =	vld [tilespmem:s3+$0x10];
	v2 =	vadd.f32 $1.000000000e+00, v2;
	v3 =	vadd.f32 $1.000000000e+00, v3;
	v11 =	vtrunc.f32 v11  }
0x18c: {  	v24 =	vld [tilespmem:s3+$0x40];
	v7 =	vxor.u32 $0x80000000, v20;
	v11 =	vcvt.f32.s32 v11;
	v6 =	vxor.u32 $0x80000000, v15  }
0x18d: {  	v59 =	vld [tilespmem:s3+$0x50];
	v13 =	vadd.f32 $1.000000000e+00, v13;
	v2 =	vmax.f32 v2, $0.0e+00;
	v3 =	vmax.f32 v3, $0.0e+00  }
0x18e: {  	v26 =	vld [tilespmem:s3+$0x60];
	vm8 =	vgt.s32 v18, $0x0;
	v2 =	vmin.f32 v2, $5.120000000e+02;
	v3 =	vmin.f32 v3, $5.120000000e+02  }
0x18f: {  	v8 =	vld [tilespmem:s3+$0x20];
	v11 =	vadd.s32 v11, v9;
	v6 =	vsel vm8, v15, v6;
	v13 =	vmax.f32 v13, $0.0e+00  }
0x190: {  	v9 =	vld [tilespmem:s3+$0x30];
	v17 =	vtrunc.f32 v2;
	v3 =	vtrunc.f32 v3;
	v2 =	vmul.u32 $0x280, v16  }
0x191: {  	v16 =	vld [tilespmem:s3+$0x8000];
	v15 =	vsub.f32 $1.000000000e+00, v6;
	v13 =	vmin.f32 v13, $5.120000000e+02;
	v4 =	vcvt.f32.s32 v17  }
0x192: {  	v27 =	vxor.u32 $0x80000000, v24;
	v5 =	vcvt.f32.s32 v3;
	v17 =	vld [tilespmem:s3+$0x8010];
	v13 =	vtrunc.f32 v13  }
0x193: {  	v60 =	vxor.u32 $0x80000000, v59;
	v15 =	vmul.f32 $6.400000000e+01, v15;
	v3 =	vcvt.f32.s32 v13;
	v13 =	vld [tilespmem:s3+$0x8020]  }
0x194: {  	v61 =	vxor.u32 $0x80000000, v26;
	v18 =	vmul.u32 $0x280, v18;
	v6 =	vld [tilespmem:s3+$0x8030];
	v12 =	vadd.s32 v4, v12  }
0x195: {  	v14 =	vadd.s32 v5, v14;
	v15 =	vadd.f32 $1.000000000e+00, v15;
	v25 =	vxor.u32 $0x80000000, v9  }
0x196: {  	vm9 =	vgt.s32 v16, $0x0;
	v4 =	vmul.u32 $0x280, v16;
	v16 =	vxor.u32 $0x80000000, v21  }
0x197: {  	v7 =	vsel vm9, v20, v7;
	vm10 =	vgt.s32 v17, $0x0;
	v5 =	vmul.u32 $0x280, v17  }
0x198: {  	v17 =	vxor.u32 $0x80000000, v8;
	v20 =	vsub.f32 $1.000000000e+00, v7;
	v7 =	vld [tilespmem:s3+$0x8040];
	vm11 =	vgt.s32 v13, $0x0  }
0x199: {  	vm12 =	vgt.s32 v6, $0x0;
	v15 =	vmax.f32 v15, $0.0e+00;
	v17 =	vsel vm11, v8, v17;
	v8 =	vld [tilespmem:s3+$0x8050]  }
0x19a: {  	v25 =	vsel vm12, v9, v25;
	v9 =	vld [tilespmem:s3+$0x8060];
	v16 =	vsel vm10, v21, v16;
	v15 =	vmin.f32 v15, $5.120000000e+02  }
0x19b: {  	v25 =	vsub.f32 $1.000000000e+00, v25;
	v16 =	vsub.f32 $1.000000000e+00, v16;
	v15 =	vtrunc.f32 v15  }
0x19c: {  	[tilespmem:v10+s26+$0x0] =	vst.idx.add.f32.msk $0xffff, v1;
	v10 =	vmul.u32 $0x280, v13;
	v20 =	vmul.f32 $6.400000000e+01, v20;
	v15 =	vcvt.f32.s32 v15  }
0x19d: {  	v62 =	vmul.f32 $6.400000000e+01, v25;
	v17 =	vsub.f32 $1.000000000e+00, v17;
	v16 =	vmul.f32 $6.400000000e+01, v16  }
0x19e: {  	v18 =	vadd.s32 v15, v18;
	vm13 =	vgt.s32 v7, $0x0;
	vm14 =	vgt.s32 v8, $0x0  }
0x19f: {  	[tilespmem:v19+s26+$0x0] =	vst.idx.add.f32.msk $0xffff, v1;
	vm15 =	vgt.s32 v9, $0x0;
	v24 =	vsel vm13, v24, v27;
	v19 =	vsel vm14, v59, v60  }
0x1a0: {  	[tilespmem:v23+s26+$0x0] =	vst.idx.add.f32.msk $0xffff, v1;
	v21 =	vsel vm15, v26, v61;
	v15 =	vsub.f32 $1.000000000e+00, v24;
	v19 =	vsub.f32 $1.000000000e+00, v19  }
0x1a1: {  	[tilespmem:v11+s26+$0x0] =	vst.idx.add.f32.msk $0xffff, v1;
	v11 =	vadd.f32 $1.000000000e+00, v20;
	v17 =	vmul.f32 $6.400000000e+01, v17;
	v21 =	vsub.f32 $1.000000000e+00, v21  }
0x1a2: {  	[tilespmem:v22+s26+$0x0] =	vst.idx.add.f32.msk $0xffff, v1;
	v13 =	vadd.f32 $1.000000000e+00, v62;
	v15 =	vmul.f32 $6.400000000e+01, v15;
	v19 =	vmul.f32 $6.400000000e+01, v19  }
0x1a3: {  	[tilespmem:v12+s26+$0x0] =	vst.idx.add.f32.msk $0xffff, v1;
	v63 =	vadd.f32 $1.000000000e+00, v16;
	v12 =	vadd.f32 $1.000000000e+00, v17;
	v17 =	vmul.f32 $6.400000000e+01, v21  }
0x1a4: {  	[tilespmem:v14+s26+$0x0] =	vst.idx.add.f32.msk $0xffff, v1;
	v11 =	vmax.f32 v11, $0.0e+00;
	v15 =	vadd.f32 $1.000000000e+00, v15;
	v16 =	vadd.f32 $1.000000000e+00, v19  }
0x1a5: {  	s31 =	simm.s32 $0x8;
	v14 =	vmax.f32 v63, $0.0e+00;
	[tilespmem:v18+s26+$0x0] =	vst.idx.add.f32.msk $0xffff, v1;
	v12 =	vmax.f32 v12, $0.0e+00;
	v17 =	vadd.f32 $1.000000000e+00, v17  }
.LBB2_6:
0x1a6: {  	s31 =	sadd.s32 $0x8, s31;
	v13 =	vmax.f32 v13, $0.0e+00;
	v15 =	vmax.f32 v15, $0.0e+00;
	v16 =	vmax.f32 v16, $0.0e+00  }
0x1a7: {  	v11 =	vmin.f32 v11, $5.120000000e+02;
	v14 =	vmin.f32 v14, $5.120000000e+02;
	s30 =	sadd.s32 $0x400, s30;
	s3 =	sshll.u32 s31, $0x4;
	p0 =	slt.u32 s31, $0x3F8;
	v17 =	vmax.f32 v17, $0.0e+00  }
0x1a8: {  	v12 =	vmin.f32 v12, $5.120000000e+02;
	s4 =	sand.u32 $0xC00, s30;
	s5 =	sshll.u32 s31, $0x2;
	v13 =	vmin.f32 v13, $5.120000000e+02;
	v15 =	vmin.f32 v15, $5.120000000e+02;
	s3 =	sand.u32 $0x3000, s3  }
0x1a9: {  	v11 =	vtrunc.f32 v11;
	v16 =	vmin.f32 v16, $5.120000000e+02;
	v17 =	vmin.f32 v17, $5.120000000e+02;
	s3 =	sor.u32 s4, s3;
	s4 =	sand.u32 $0x380, s5  }
0x1aa: {  	v6 =	vmul.u32 $0x280, v6;
	v14 =	vtrunc.f32 v14;
	v12 =	vtrunc.f32 v12;
	s3 =	sor.u32 s4, s3  }
0x1ab: {  	v7 =	vmul.u32 $0x280, v7;
	v13 =	vtrunc.f32 v13;
	v15 =	vtrunc.f32 v15;
	v18 =	vld [tilespmem:s3+$0x70]  }
0x1ac: {  	v8 =	vmul.u32 $0x280, v8;
	v16 =	vtrunc.f32 v16;
	v17 =	vtrunc.f32 v17;
	v19 =	vld [tilespmem:s3+$0x8070]  }
0x1ad: {  	v9 =	vmul.u32 $0x280, v9;
	v11 =	vcvt.f32.s32 v11;
	v14 =	vcvt.f32.s32 v14;
	v20 =	vld [tilespmem:s3+$0x0]  }
0x1ae: {  	v22 =	vadd.s32 v3, v2;
	v12 =	vcvt.f32.s32 v12;
	v13 =	vcvt.f32.s32 v13;
	v21 =	vld [tilespmem:s3+$0x8000]  }
0x1af: {  	v2 =	vmovc v9;
	v11 =	vadd.s32 v11, v4;
	v4 =	vcvt.f32.s32 v15;
	v15 =	vcvt.f32.s32 v16;
	v23 =	vld [tilespmem:s3+$0x10]  }
0x1b0: {  	v14 =	vadd.s32 v14, v5;
	v10 =	vadd.s32 v12, v10;
	v3 =	vcvt.f32.s32 v17;
	v9 =	vld [tilespmem:s3+$0x8010]  }
0x1b1: {  	v13 =	vadd.s32 v13, v6;
	v5 =	vxor.u32 $0x80000000, v18;
	v12 =	vld [tilespmem:s3+$0x20];
	vm0 =	vgt.s32 v19, $0x0  }
0x1b2: {  	v17 =	vadd.s32 v4, v7;
	v6 =	vxor.u32 $0x80000000, v20;
	v16 =	vld [tilespmem:s3+$0x8020];
	v5 =	vsel vm0, v18, v5  }
0x1b3: {  	vm0 =	vgt.s32 v21, $0x0;
	v4 =	vmul.u32 $0x280, v21;
	v18 =	vld [tilespmem:s3+$0x30];
	v5 =	vsub.f32 $1.000000000e+00, v5  }
0x1b4: {  	v15 =	vadd.s32 v15, v8;
	v7 =	vsel vm0, v20, v6;
	v20 =	vxor.u32 $0x80000000, v23;
	v6 =	vld [tilespmem:s3+$0x8030]  }
0x1b5: {  	v8 =	vsub.f32 $1.000000000e+00, v7;
	vm0 =	vgt.s32 v9, $0x0;
	v21 =	vld [tilespmem:s3+$0x40];
	v24 =	vmul.f32 $6.400000000e+01, v5  }
0x1b6: {  	v5 =	vmul.u32 $0x280, v9;
	v20 =	vsel vm0, v23, v20;
	v9 =	vxor.u32 $0x80000000, v12;
	v7 =	vld [tilespmem:s3+$0x8040]  }
0x1b7: {  	v20 =	vsub.f32 $1.000000000e+00, v20;
	vm0 =	vgt.s32 v16, $0x0;
	v23 =	vld [tilespmem:s3+$0x50];
	v24 =	vadd.f32 $1.000000000e+00, v24  }
0x1b8: {  	v25 =	vmul.f32 $6.400000000e+01, v8;
	v9 =	vsel vm0, v12, v9;
	v12 =	vxor.u32 $0x80000000, v18;
	v8 =	vld [tilespmem:s3+$0x8050]  }
0x1b9: {  	v26 =	vsub.f32 $1.000000000e+00, v9;
	vm0 =	vgt.s32 v6, $0x0;
	v27 =	vld [tilespmem:s3+$0x60];
	v24 =	vmax.f32 v24, $0.0e+00  }
0x1ba: {  	v12 =	vsel vm0, v18, v12;
	v18 =	vxor.u32 $0x80000000, v21;
	v9 =	vld [tilespmem:s3+$0x8060];
	v24 =	vmin.f32 v24, $5.120000000e+02  }
0x1bb: {  	v12 =	vsub.f32 $1.000000000e+00, v12;
	vm0 =	vgt.s32 v7, $0x0;
	v24 =	vtrunc.f32 v24;
	[tilespmem:v11+s26+$0x0] =	vst.idx.add.f32.msk $0xffff, v1  }
0x1bc: {  	v19 =	vmul.u32 $0x280, v19;
	v11 =	vxor.u32 $0x80000000, v23;
	v24 =	vcvt.f32.s32 v24;
	[tilespmem:v14+s26+$0x0] =	vst.idx.add.f32.msk $0xffff, v1  }
0x1bd: {  	v14 =	vmul.f32 $6.400000000e+01, v20;
	v18 =	vsel vm0, v21, v18;
	vm0 =	vgt.s32 v8, $0x0;
	[tilespmem:v10+s26+$0x0] =	vst.idx.add.f32.msk $0xffff, v1  }
0x1be: {  	v10 =	vsel vm0, v23, v11;
	v11 =	vxor.u32 $0x80000000, v27;
	v19 =	vadd.s32 v24, v19;
	[tilespmem:v13+s26+$0x0] =	vst.idx.add.f32.msk $0xffff, v1  }
0x1bf: {  	v13 =	vsub.f32 $1.000000000e+00, v18;
	v10 =	vsub.f32 $1.000000000e+00, v10;
	vm0 =	vgt.s32 v9, $0x0;
	[tilespmem:v17+s26+$0x0] =	vst.idx.add.f32.msk $0xffff, v1  }
0x1c0: {  	v12 =	vmul.f32 $6.400000000e+01, v12;
	v17 =	vmul.f32 $6.400000000e+01, v26;
	v11 =	vsel vm0, v27, v11;
	[tilespmem:v15+s26+$0x0] =	vst.idx.add.f32.msk $0xffff, v1  }
.Ltmp2:
0x1c1: {  	v15 =	vmul.f32 $6.400000000e+01, v13;
	v18 =	vmul.f32 $6.400000000e+01, v10;
	v11 =	vsub.f32 $1.000000000e+00, v11;
	[tilespmem:v22+s26+$0x0] =	vst.idx.add.f32.msk $0xffff, v1;
	(pc) =	sbr.rel @p0 .LBB2_6-.Ltmp2, $4  }
0x1c2: {  	v20 =	vadd.f32 $1.000000000e+00, v25;
	v14 =	vadd.f32 $1.000000000e+00, v14;
	v10 =	vmul.u32 $0x280, v16  }
0x1c3: {  	v13 =	vadd.f32 $1.000000000e+00, v12;
	v17 =	vadd.f32 $1.000000000e+00, v17;
	v21 =	vmul.f32 $6.400000000e+01, v11;
	[tilespmem:v19+s26+$0x0] =	vst.idx.add.f32.msk $0xffff, v1  }
0x1c4: {  	v15 =	vadd.f32 $1.000000000e+00, v15;
	v11 =	vmax.f32 v20, $0.0e+00;
	v16 =	vadd.f32 $1.000000000e+00, v18  }
0x1c5: {  	v14 =	vmax.f32 v14, $0.0e+00;
	v12 =	vmax.f32 v17, $0.0e+00;
	v17 =	vadd.f32 $1.000000000e+00, v21  }
0x1c6: {  	v13 =	vmax.f32 v13, $0.0e+00;
	v15 =	vmax.f32 v15, $0.0e+00  }
0x1c7: {  	v16 =	vmax.f32 v16, $0.0e+00;
	v11 =	vmin.f32 v11, $5.120000000e+02;
	v14 =	vmin.f32 v14, $5.120000000e+02  }
0x1c8: {  	v12 =	vmin.f32 v12, $5.120000000e+02;
	v6 =	vmul.u32 $0x280, v6;
	v7 =	vmul.u32 $0x280, v7  }
0x1c9: {  	v8 =	vmul.u32 $0x280, v8;
	v2 =	vadd.s32 v3, v2;
	v17 =	vmax.f32 v17, $0.0e+00  }
0x1ca: {  	v13 =	vmin.f32 v13, $5.120000000e+02;
	v15 =	vmin.f32 v15, $5.120000000e+02;
	v11 =	vtrunc.f32 v11  }
0x1cb: {  	v16 =	vmin.f32 v16, $5.120000000e+02;
	v14 =	vtrunc.f32 v14;
	v11 =	vcvt.f32.s32 v11  }
0x1cc: {  	v12 =	vtrunc.f32 v12;
	v17 =	vmin.f32 v17, $5.120000000e+02;
	v14 =	vcvt.f32.s32 v14  }
0x1cd: {  	v13 =	vtrunc.f32 v13;
	v12 =	vcvt.f32.s32 v12;
	v4 =	vadd.s32 v11, v4  }
0x1ce: {  	v15 =	vtrunc.f32 v15;
	v11 =	vcvt.f32.s32 v13;
	v5 =	vadd.s32 v14, v5  }
0x1cf: {  	v13 =	vtrunc.f32 v16;
	v14 =	vcvt.f32.s32 v15;
	v10 =	vadd.s32 v12, v10  }
0x1d0: {  	v12 =	vcvt.f32.s32 v13;
	v6 =	vadd.s32 v11, v6;
	v11 =	vtrunc.f32 v17  }
0x1d1: {  	v9 =	vmul.u32 $0x280, v9;
	[tilespmem:v2+s26+$0x0] =	vst.idx.add.f32.msk $0xffff, v1;
	v7 =	vadd.s32 v14, v7;
	v11 =	vcvt.f32.s32 v11  }
0x1d2: {  	v8 =	vadd.s32 v12, v8;
	[tilespmem:v4+s26+$0x0] =	vst.idx.add.f32.msk $0xffff, v1  }
0x1d3: {  	[tilespmem:v5+s26+$0x0] =	vst.idx.add.f32.msk $0xffff, v1;
	v3 =	vadd.s32 v11, v9  }
0x1d4: {  	[tilespmem:v10+s26+$0x0] =	vst.idx.add.f32.msk $0xffff, v1  }
0x1d5: {  	[tilespmem:v6+s26+$0x0] =	vst.idx.add.f32.msk $0xffff, v1  }
0x1d6: {  	[tilespmem:v7+s26+$0x0] =	vst.idx.add.f32.msk $0xffff, v1  }
0x1d7: {  	[tilespmem:v8+s26+$0x0] =	vst.idx.add.f32.msk $0xffff, v1  }
0x1d8: {  	s3 =	simm.s32 $0x0;
	[tilespmem:v3+s26+$0x0] =	vst.idx.add.f32.msk $0xffff, v1  }
0x1d9: {  	[tilespmem:s3], [sflag:$0x1] =	stream.linear.gather [hbm4b:s11+s3], $0x4000, $0x38;
	[tilespmem:$0x10500] =	vst v63  }
0x1da: {  	_ = 	snop  }
0x1db: {  	[tilespmem:s21], [sflag:$0x3] =	stream.linear.gather [hbm4b:s12+s3], $0x4000, $0x38;
	[tilespmem:$0x10500] =	vst v63  }
0x1dc: {  	_ =	swait.ge [sflag:s28], $0x4000  }
0x1dd: {  	[sflag:s28] =	ssyncset.done $0x0  }
0x1de: {  	s4 =	simm.s32 $0x0;
	s5 =	simm.s32 $0x0;
	[sflag:s28] =	ssyncadd.s32 $0xFFFFC000  }
0x1df: {  	s4 =	sand.u32 $0x3000, s4;
	s3 =	sand.u32 $0xC00, s3;
	_ =	swait.ge [sflag:s29], $0x4000  }
0x1e0: {  	s5 =	sand.u32 $0x380, s5;
	s3 =	sor.u32 s3, s4;
	[sflag:s29] =	ssyncset.done $0x0  }
0x1e1: {  	s3 =	sor.u32 s5, s3;
	[sflag:s29] =	ssyncadd.s32 $0xFFFFC000  }
0x1e2: {  	v2 =	vld [tilespmem:s3+$0x4070]  }
0x1e3: {  	v3 =	vld [tilespmem:s3+$0xC070]  }
0x1e4: {  	v5 =	vld [tilespmem:s3+$0xC000]  }
0x1e5: {  	v6 =	vld [tilespmem:s3+$0x4010]  }
0x1e6: {  	v7 =	vld [tilespmem:s3+$0xC010]  }
0x1e7: {  	v8 =	vld [tilespmem:s3+$0x4020]  }
0x1e8: {  	v10 =	vld [tilespmem:s3+$0xC020]  }
0x1e9: {  	v11 =	vld [tilespmem:s3+$0x4030]  }
0x1ea: {  	v13 =	vld [tilespmem:s3+$0x4040]  }
0x1eb: {  	v15 =	vld [tilespmem:s3+$0x4050]  }
0x1ec: {  	v4 =	vld [tilespmem:s3+$0x4000];
	vm0 =	vgt.s32 v3, $0x0;
	v9 =	vxor.u32 $0x80000000, v2  }
0x1ed: {  	vm13 =	vgt.s32 v5, $0x0;
	v5 =	vmul.u32 $0x280, v5;
	v12 =	vxor.u32 $0x80000000, v6  }
0x1ee: {  	vm14 =	vgt.s32 v7, $0x0;
	v7 =	vmul.u32 $0x280, v7;
	v14 =	vxor.u32 $0x80000000, v8  }
0x1ef: {  	vm15 =	vgt.s32 v10, $0x0;
	v16 =	vxor.u32 $0x80000000, v11;
	v18 =	vxor.u32 $0x80000000, v13  }
0x1f0: {  	v19 =	vxor.u32 $0x80000000, v15;
	v2 =	vsel vm0, v2, v9;
	v6 =	vsel vm14, v6, v12;
	v12 =	vld [tilespmem:s3+$0xC040]  }
0x1f1: {  	v9 =	vxor.u32 $0x80000000, v4;
	v8 =	vsel vm15, v8, v14;
	v14 =	vld [tilespmem:s3+$0xC050];
	v2 =	vsub.f32 $1.000000000e+00, v2  }
0x1f2: {  	v4 =	vsel vm13, v4, v9;
	v9 =	vld [tilespmem:s3+$0xC030];
	v6 =	vsub.f32 $1.000000000e+00, v6;
	v8 =	vsub.f32 $1.000000000e+00, v8  }
0x1f3: {  	v3 =	vmul.u32 $0x280, v3;
	v4 =	vsub.f32 $1.000000000e+00, v4;
	v2 =	vmul.f32 $6.400000000e+01, v2  }
0x1f4: {  	v10 =	vmul.u32 $0x280, v10;
	v6 =	vmul.f32 $6.400000000e+01, v6;
	v8 =	vmul.f32 $6.400000000e+01, v8  }
0x1f5: {  	v4 =	vmul.f32 $6.400000000e+01, v4;
	v2 =	vadd.f32 $1.000000000e+00, v2;
	vm5 =	vgt.s32 v12, $0x0  }
0x1f6: {  	vm6 =	vgt.s32 v14, $0x0;
	v6 =	vadd.f32 $1.000000000e+00, v6;
	v8 =	vadd.f32 $1.000000000e+00, v8  }
0x1f7: {  	v12 =	vmul.u32 $0x280, v12;
	v14 =	vmul.u32 $0x280, v14;
	vm4 =	vgt.s32 v9, $0x0  }
0x1f8: {  	v13 =	vsel vm5, v13, v18;
	v15 =	vsel vm6, v15, v19;
	v4 =	vadd.f32 $1.000000000e+00, v4  }
0x1f9: {  	v17 =	vld [tilespmem:s3+$0x4060];
	v2 =	vmax.f32 v2, $0.0e+00;
	v11 =	vsel vm4, v11, v16;
	v6 =	vmax.f32 v6, $0.0e+00  }
0x1fa: {  	v8 =	vmax.f32 v8, $0.0e+00;
	v2 =	vmin.f32 v2, $5.120000000e+02;
	v11 =	vsub.f32 $1.000000000e+00, v11  }
0x1fb: {  	v16 =	vld [tilespmem:s3+$0xC060];
	v6 =	vmin.f32 v6, $5.120000000e+02;
	v8 =	vmin.f32 v8, $5.120000000e+02;
	v2 =	vtrunc.f32 v2  }
0x1fc: {  	s30 =	simm.s32 $0x400;
	s4 =	simm.s32 $0x80;
	v4 =	vmax.f32 v4, $0.0e+00;
	v6 =	vtrunc.f32 v6;
	v8 =	vtrunc.f32 v8  }
0x1fd: {  	s5 =	simm.s32 $0x20;
	s3 =	sand.u32 $0x3000, s4;
	s4 =	sand.u32 $0xC00, s30;
	v4 =	vmin.f32 v4, $5.120000000e+02;
	v2 =	vcvt.f32.s32 v2;
	v11 =	vmul.f32 $6.400000000e+01, v11  }
0x1fe: {  	s5 =	sand.u32 $0x380, s5;
	v18 =	vxor.u32 $0x80000000, v17;
	s3 =	sor.u32 s4, s3;
	v4 =	vtrunc.f32 v4;
	v6 =	vcvt.f32.s32 v6  }
0x1ff: {  	v9 =	vmul.u32 $0x280, v9;
	s3 =	sor.u32 s5, s3;
	v8 =	vcvt.f32.s32 v8;
	v4 =	vcvt.f32.s32 v4  }
0x200: {  	v20 =	vld [tilespmem:s3+$0x4000];
	v19 =	vadd.s32 v2, v3;
	v2 =	vsub.f32 $1.000000000e+00, v13;
	vm7 =	vgt.s32 v16, $0x0  }
0x201: {  	v3 =	vsub.f32 $1.000000000e+00, v15;
	v11 =	vadd.f32 $1.000000000e+00, v11;
	v15 =	vld [tilespmem:s3+$0x4070];
	v13 =	vsel vm7, v17, v18  }
0x202: {  	v23 =	vadd.s32 v6, v7;
	v10 =	vadd.s32 v8, v10;
	v13 =	vsub.f32 $1.000000000e+00, v13  }
0x203: {  	v18 =	vld [tilespmem:s3+$0xC070];
	v2 =	vmul.f32 $6.400000000e+01, v2;
	v3 =	vmul.f32 $6.400000000e+01, v3;
	v11 =	vmax.f32 v11, $0.0e+00  }
0x204: {  	v22 =	vadd.s32 v4, v5;
	v11 =	vmin.f32 v11, $5.120000000e+02;
	v13 =	vmul.f32 $6.400000000e+01, v13  }
0x205: {  	v21 =	vld [tilespmem:s3+$0x4010];
	v2 =	vadd.f32 $1.000000000e+00, v2;
	v3 =	vadd.f32 $1.000000000e+00, v3;
	v11 =	vtrunc.f32 v11  }
0x206: {  	v24 =	vld [tilespmem:s3+$0x4040];
	v7 =	vxor.u32 $0x80000000, v20;
	v11 =	vcvt.f32.s32 v11;
	v6 =	vxor.u32 $0x80000000, v15  }
0x207: {  	v59 =	vld [tilespmem:s3+$0x4050];
	v13 =	vadd.f32 $1.000000000e+00, v13;
	v2 =	vmax.f32 v2, $0.0e+00;
	v3 =	vmax.f32 v3, $0.0e+00  }
0x208: {  	v26 =	vld [tilespmem:s3+$0x4060];
	vm8 =	vgt.s32 v18, $0x0;
	v2 =	vmin.f32 v2, $5.120000000e+02;
	v3 =	vmin.f32 v3, $5.120000000e+02  }
0x209: {  	v8 =	vld [tilespmem:s3+$0x4020];
	v11 =	vadd.s32 v11, v9;
	v6 =	vsel vm8, v15, v6;
	v13 =	vmax.f32 v13, $0.0e+00  }
0x20a: {  	v9 =	vld [tilespmem:s3+$0x4030];
	v17 =	vtrunc.f32 v2;
	v3 =	vtrunc.f32 v3;
	v2 =	vmul.u32 $0x280, v16  }
0x20b: {  	v16 =	vld [tilespmem:s3+$0xC000];
	v15 =	vsub.f32 $1.000000000e+00, v6;
	v13 =	vmin.f32 v13, $5.120000000e+02;
	v4 =	vcvt.f32.s32 v17  }
0x20c: {  	v27 =	vxor.u32 $0x80000000, v24;
	v5 =	vcvt.f32.s32 v3;
	v17 =	vld [tilespmem:s3+$0xC010];
	v13 =	vtrunc.f32 v13  }
0x20d: {  	v60 =	vxor.u32 $0x80000000, v59;
	v15 =	vmul.f32 $6.400000000e+01, v15;
	v3 =	vcvt.f32.s32 v13;
	v13 =	vld [tilespmem:s3+$0xC020]  }
0x20e: {  	v61 =	vxor.u32 $0x80000000, v26;
	v18 =	vmul.u32 $0x280, v18;
	v6 =	vld [tilespmem:s3+$0xC030];
	v12 =	vadd.s32 v4, v12  }
0x20f: {  	v14 =	vadd.s32 v5, v14;
	v15 =	vadd.f32 $1.000000000e+00, v15;
	v25 =	vxor.u32 $0x80000000, v9  }
0x210: {  	vm9 =	vgt.s32 v16, $0x0;
	v4 =	vmul.u32 $0x280, v16;
	v16 =	vxor.u32 $0x80000000, v21  }
0x211: {  	v7 =	vsel vm9, v20, v7;
	vm10 =	vgt.s32 v17, $0x0;
	v5 =	vmul.u32 $0x280, v17  }
0x212: {  	v17 =	vxor.u32 $0x80000000, v8;
	v20 =	vsub.f32 $1.000000000e+00, v7;
	v7 =	vld [tilespmem:s3+$0xC040];
	vm11 =	vgt.s32 v13, $0x0  }
0x213: {  	vm12 =	vgt.s32 v6, $0x0;
	v15 =	vmax.f32 v15, $0.0e+00;
	v17 =	vsel vm11, v8, v17;
	v8 =	vld [tilespmem:s3+$0xC050]  }
0x214: {  	v25 =	vsel vm12, v9, v25;
	v9 =	vld [tilespmem:s3+$0xC060];
	v16 =	vsel vm10, v21, v16;
	v15 =	vmin.f32 v15, $5.120000000e+02  }
0x215: {  	v25 =	vsub.f32 $1.000000000e+00, v25;
	v16 =	vsub.f32 $1.000000000e+00, v16;
	v15 =	vtrunc.f32 v15  }
0x216: {  	[tilespmem:v10+s26+$0x0] =	vst.idx.add.f32.msk $0xffff, v1;
	v10 =	vmul.u32 $0x280, v13;
	v20 =	vmul.f32 $6.400000000e+01, v20;
	v15 =	vcvt.f32.s32 v15  }
0x217: {  	v62 =	vmul.f32 $6.400000000e+01, v25;
	v17 =	vsub.f32 $1.000000000e+00, v17;
	v16 =	vmul.f32 $6.400000000e+01, v16  }
0x218: {  	v18 =	vadd.s32 v15, v18;
	vm13 =	vgt.s32 v7, $0x0;
	vm14 =	vgt.s32 v8, $0x0  }
0x219: {  	[tilespmem:v19+s26+$0x0] =	vst.idx.add.f32.msk $0xffff, v1;
	vm15 =	vgt.s32 v9, $0x0;
	v24 =	vsel vm13, v24, v27;
	v19 =	vsel vm14, v59, v60  }
0x21a: {  	[tilespmem:v23+s26+$0x0] =	vst.idx.add.f32.msk $0xffff, v1;
	v21 =	vsel vm15, v26, v61;
	v15 =	vsub.f32 $1.000000000e+00, v24;
	v19 =	vsub.f32 $1.000000000e+00, v19  }
0x21b: {  	[tilespmem:v11+s26+$0x0] =	vst.idx.add.f32.msk $0xffff, v1;
	v11 =	vadd.f32 $1.000000000e+00, v20;
	v17 =	vmul.f32 $6.400000000e+01, v17;
	v21 =	vsub.f32 $1.000000000e+00, v21  }
0x21c: {  	[tilespmem:v22+s26+$0x0] =	vst.idx.add.f32.msk $0xffff, v1;
	v13 =	vadd.f32 $1.000000000e+00, v62;
	v15 =	vmul.f32 $6.400000000e+01, v15;
	v19 =	vmul.f32 $6.400000000e+01, v19  }
0x21d: {  	[tilespmem:v12+s26+$0x0] =	vst.idx.add.f32.msk $0xffff, v1;
	v63 =	vadd.f32 $1.000000000e+00, v16;
	v12 =	vadd.f32 $1.000000000e+00, v17;
	v17 =	vmul.f32 $6.400000000e+01, v21  }
0x21e: {  	[tilespmem:v14+s26+$0x0] =	vst.idx.add.f32.msk $0xffff, v1;
	v11 =	vmax.f32 v11, $0.0e+00;
	v15 =	vadd.f32 $1.000000000e+00, v15;
	v16 =	vadd.f32 $1.000000000e+00, v19  }
0x21f: {  	s31 =	simm.s32 $0x8;
	v14 =	vmax.f32 v63, $0.0e+00;
	[tilespmem:v18+s26+$0x0] =	vst.idx.add.f32.msk $0xffff, v1;
	v12 =	vmax.f32 v12, $0.0e+00;
	v17 =	vadd.f32 $1.000000000e+00, v17  }
.LBB2_8:
0x220: {  	s31 =	sadd.s32 $0x8, s31;
	v13 =	vmax.f32 v13, $0.0e+00;
	v15 =	vmax.f32 v15, $0.0e+00;
	v16 =	vmax.f32 v16, $0.0e+00  }
0x221: {  	v11 =	vmin.f32 v11, $5.120000000e+02;
	v14 =	vmin.f32 v14, $5.120000000e+02;
	s30 =	sadd.s32 $0x400, s30;
	s3 =	sshll.u32 s31, $0x4;
	p0 =	slt.u32 s31, $0x3F8;
	v17 =	vmax.f32 v17, $0.0e+00  }
0x222: {  	v12 =	vmin.f32 v12, $5.120000000e+02;
	s4 =	sand.u32 $0xC00, s30;
	s5 =	sshll.u32 s31, $0x2;
	v13 =	vmin.f32 v13, $5.120000000e+02;
	v15 =	vmin.f32 v15, $5.120000000e+02;
	s3 =	sand.u32 $0x3000, s3  }
0x223: {  	v11 =	vtrunc.f32 v11;
	v16 =	vmin.f32 v16, $5.120000000e+02;
	v17 =	vmin.f32 v17, $5.120000000e+02;
	s3 =	sor.u32 s4, s3;
	s4 =	sand.u32 $0x380, s5  }
0x224: {  	v6 =	vmul.u32 $0x280, v6;
	v14 =	vtrunc.f32 v14;
	v12 =	vtrunc.f32 v12;
	s3 =	sor.u32 s4, s3  }
0x225: {  	v7 =	vmul.u32 $0x280, v7;
	v13 =	vtrunc.f32 v13;
	v15 =	vtrunc.f32 v15;
	v18 =	vld [tilespmem:s3+$0x4070]  }
0x226: {  	v8 =	vmul.u32 $0x280, v8;
	v16 =	vtrunc.f32 v16;
	v17 =	vtrunc.f32 v17;
	v19 =	vld [tilespmem:s3+$0xC070]  }
0x227: {  	v9 =	vmul.u32 $0x280, v9;
	v11 =	vcvt.f32.s32 v11;
	v14 =	vcvt.f32.s32 v14;
	v20 =	vld [tilespmem:s3+$0x4000]  }
0x228: {  	v22 =	vadd.s32 v3, v2;
	v12 =	vcvt.f32.s32 v12;
	v13 =	vcvt.f32.s32 v13;
	v21 =	vld [tilespmem:s3+$0xC000]  }
0x229: {  	v2 =	vmovc v9;
	v11 =	vadd.s32 v11, v4;
	v4 =	vcvt.f32.s32 v15;
	v15 =	vcvt.f32.s32 v16;
	v23 =	vld [tilespmem:s3+$0x4010]  }
0x22a: {  	v14 =	vadd.s32 v14, v5;
	v10 =	vadd.s32 v12, v10;
	v3 =	vcvt.f32.s32 v17;
	v9 =	vld [tilespmem:s3+$0xC010]  }
0x22b: {  	v13 =	vadd.s32 v13, v6;
	v5 =	vxor.u32 $0x80000000, v18;
	v12 =	vld [tilespmem:s3+$0x4020];
	vm0 =	vgt.s32 v19, $0x0  }
0x22c: {  	v17 =	vadd.s32 v4, v7;
	v6 =	vxor.u32 $0x80000000, v20;
	v16 =	vld [tilespmem:s3+$0xC020];
	v5 =	vsel vm0, v18, v5  }
0x22d: {  	vm0 =	vgt.s32 v21, $0x0;
	v4 =	vmul.u32 $0x280, v21;
	v18 =	vld [tilespmem:s3+$0x4030];
	v5 =	vsub.f32 $1.000000000e+00, v5  }
0x22e: {  	v15 =	vadd.s32 v15, v8;
	v7 =	vsel vm0, v20, v6;
	v20 =	vxor.u32 $0x80000000, v23;
	v6 =	vld [tilespmem:s3+$0xC030]  }
0x22f: {  	v8 =	vsub.f32 $1.000000000e+00, v7;
	vm0 =	vgt.s32 v9, $0x0;
	v21 =	vld [tilespmem:s3+$0x4040];
	v24 =	vmul.f32 $6.400000000e+01, v5  }
0x230: {  	v5 =	vmul.u32 $0x280, v9;
	v20 =	vsel vm0, v23, v20;
	v9 =	vxor.u32 $0x80000000, v12;
	v7 =	vld [tilespmem:s3+$0xC040]  }
0x231: {  	v20 =	vsub.f32 $1.000000000e+00, v20;
	vm0 =	vgt.s32 v16, $0x0;
	v23 =	vld [tilespmem:s3+$0x4050];
	v24 =	vadd.f32 $1.000000000e+00, v24  }
0x232: {  	v25 =	vmul.f32 $6.400000000e+01, v8;
	v9 =	vsel vm0, v12, v9;
	v12 =	vxor.u32 $0x80000000, v18;
	v8 =	vld [tilespmem:s3+$0xC050]  }
0x233: {  	v26 =	vsub.f32 $1.000000000e+00, v9;
	vm0 =	vgt.s32 v6, $0x0;
	v27 =	vld [tilespmem:s3+$0x4060];
	v24 =	vmax.f32 v24, $0.0e+00  }
0x234: {  	v12 =	vsel vm0, v18, v12;
	v18 =	vxor.u32 $0x80000000, v21;
	v9 =	vld [tilespmem:s3+$0xC060];
	v24 =	vmin.f32 v24, $5.120000000e+02  }
0x235: {  	v12 =	vsub.f32 $1.000000000e+00, v12;
	vm0 =	vgt.s32 v7, $0x0;
	v24 =	vtrunc.f32 v24;
	[tilespmem:v11+s26+$0x0] =	vst.idx.add.f32.msk $0xffff, v1  }
0x236: {  	v19 =	vmul.u32 $0x280, v19;
	v11 =	vxor.u32 $0x80000000, v23;
	v24 =	vcvt.f32.s32 v24;
	[tilespmem:v14+s26+$0x0] =	vst.idx.add.f32.msk $0xffff, v1  }
0x237: {  	v14 =	vmul.f32 $6.400000000e+01, v20;
	v18 =	vsel vm0, v21, v18;
	vm0 =	vgt.s32 v8, $0x0;
	[tilespmem:v10+s26+$0x0] =	vst.idx.add.f32.msk $0xffff, v1  }
0x238: {  	v10 =	vsel vm0, v23, v11;
	v11 =	vxor.u32 $0x80000000, v27;
	v19 =	vadd.s32 v24, v19;
	[tilespmem:v13+s26+$0x0] =	vst.idx.add.f32.msk $0xffff, v1  }
0x239: {  	v13 =	vsub.f32 $1.000000000e+00, v18;
	v10 =	vsub.f32 $1.000000000e+00, v10;
	vm0 =	vgt.s32 v9, $0x0;
	[tilespmem:v17+s26+$0x0] =	vst.idx.add.f32.msk $0xffff, v1  }
0x23a: {  	v12 =	vmul.f32 $6.400000000e+01, v12;
	v17 =	vmul.f32 $6.400000000e+01, v26;
	v11 =	vsel vm0, v27, v11;
	[tilespmem:v15+s26+$0x0] =	vst.idx.add.f32.msk $0xffff, v1  }
.Ltmp3:
0x23b: {  	v15 =	vmul.f32 $6.400000000e+01, v13;
	v18 =	vmul.f32 $6.400000000e+01, v10;
	v11 =	vsub.f32 $1.000000000e+00, v11;
	[tilespmem:v22+s26+$0x0] =	vst.idx.add.f32.msk $0xffff, v1;
	(pc) =	sbr.rel @p0 .LBB2_8-.Ltmp3, $4  }
0x23c: {  	v20 =	vadd.f32 $1.000000000e+00, v25;
	v14 =	vadd.f32 $1.000000000e+00, v14;
	v10 =	vmul.u32 $0x280, v16  }
0x23d: {  	v13 =	vadd.f32 $1.000000000e+00, v12;
	v17 =	vadd.f32 $1.000000000e+00, v17;
	v21 =	vmul.f32 $6.400000000e+01, v11;
	[tilespmem:v19+s26+$0x0] =	vst.idx.add.f32.msk $0xffff, v1  }
0x23e: {  	v15 =	vadd.f32 $1.000000000e+00, v15;
	v11 =	vmax.f32 v20, $0.0e+00;
	v16 =	vadd.f32 $1.000000000e+00, v18  }
0x23f: {  	v14 =	vmax.f32 v14, $0.0e+00;
	v12 =	vmax.f32 v17, $0.0e+00;
	v17 =	vadd.f32 $1.000000000e+00, v21  }
0x240: {  	v13 =	vmax.f32 v13, $0.0e+00;
	v15 =	vmax.f32 v15, $0.0e+00  }
0x241: {  	v16 =	vmax.f32 v16, $0.0e+00;
	v11 =	vmin.f32 v11, $5.120000000e+02;
	v14 =	vmin.f32 v14, $5.120000000e+02  }
0x242: {  	v12 =	vmin.f32 v12, $5.120000000e+02;
	v6 =	vmul.u32 $0x280, v6;
	v7 =	vmul.u32 $0x280, v7  }
0x243: {  	v8 =	vmul.u32 $0x280, v8;
	v2 =	vadd.s32 v3, v2;
	v17 =	vmax.f32 v17, $0.0e+00  }
0x244: {  	v13 =	vmin.f32 v13, $5.120000000e+02;
	v15 =	vmin.f32 v15, $5.120000000e+02;
	v11 =	vtrunc.f32 v11  }
0x245: {  	v16 =	vmin.f32 v16, $5.120000000e+02;
	v14 =	vtrunc.f32 v14;
	v11 =	vcvt.f32.s32 v11  }
0x246: {  	v12 =	vtrunc.f32 v12;
	v17 =	vmin.f32 v17, $5.120000000e+02;
	v14 =	vcvt.f32.s32 v14  }
0x247: {  	v13 =	vtrunc.f32 v13;
	v12 =	vcvt.f32.s32 v12;
	v4 =	vadd.s32 v11, v4  }
0x248: {  	v15 =	vtrunc.f32 v15;
	v11 =	vcvt.f32.s32 v13;
	v5 =	vadd.s32 v14, v5  }
0x249: {  	v13 =	vtrunc.f32 v16;
	v14 =	vcvt.f32.s32 v15;
	v10 =	vadd.s32 v12, v10  }
0x24a: {  	v12 =	vcvt.f32.s32 v13;
	v6 =	vadd.s32 v11, v6;
	v11 =	vtrunc.f32 v17  }
0x24b: {  	v9 =	vmul.u32 $0x280, v9;
	[tilespmem:v2+s26+$0x0] =	vst.idx.add.f32.msk $0xffff, v1;
	v7 =	vadd.s32 v14, v7;
	v11 =	vcvt.f32.s32 v11  }
0x24c: {  	v8 =	vadd.s32 v12, v8;
	[tilespmem:v4+s26+$0x0] =	vst.idx.add.f32.msk $0xffff, v1  }
0x24d: {  	[tilespmem:v5+s26+$0x0] =	vst.idx.add.f32.msk $0xffff, v1;
	v3 =	vadd.s32 v11, v9  }
0x24e: {  	[tilespmem:v10+s26+$0x0] =	vst.idx.add.f32.msk $0xffff, v1  }
0x24f: {  	[tilespmem:v6+s26+$0x0] =	vst.idx.add.f32.msk $0xffff, v1  }
0x250: {  	[tilespmem:v7+s26+$0x0] =	vst.idx.add.f32.msk $0xffff, v1  }
0x251: {  	[tilespmem:v8+s26+$0x0] =	vst.idx.add.f32.msk $0xffff, v1  }
0x252: {  	s3 =	simm.s32 $0x0;
	[tilespmem:v3+s26+$0x0] =	vst.idx.add.f32.msk $0xffff, v1  }
0x253: {  	[tilespmem:s22], [sflag:$0x2] =	stream.linear.gather [hbm4b:s13+s3], $0x4000, $0x38;
	[tilespmem:$0x10500] =	vst v63  }
0x254: {  	_ = 	snop  }
0x255: {  	[tilespmem:s23], [sflag:$0x4] =	stream.linear.gather [hbm4b:s14+s3], $0x4000, $0x38;
	[tilespmem:$0x10500] =	vst v63  }
0x256: {  	_ =	swait.ge [sflag:s24], $0x4000  }
0x257: {  	[sflag:s24] =	ssyncset.done $0x0  }
0x258: {  	s4 =	simm.s32 $0x0;
	s5 =	simm.s32 $0x0;
	[sflag:s24] =	ssyncadd.s32 $0xFFFFC000  }
0x259: {  	s4 =	sand.u32 $0x3000, s4;
	s3 =	sand.u32 $0xC00, s3;
	_ =	swait.ge [sflag:s25], $0x4000  }
0x25a: {  	s5 =	sand.u32 $0x380, s5;
	s3 =	sor.u32 s3, s4;
	[sflag:s25] =	ssyncset.done $0x0  }
0x25b: {  	s3 =	sor.u32 s5, s3;
	[sflag:s25] =	ssyncadd.s32 $0xFFFFC000  }
0x25c: {  	v2 =	vld [tilespmem:s3+$0x70]  }
0x25d: {  	v3 =	vld [tilespmem:s3+$0x8070]  }
0x25e: {  	v5 =	vld [tilespmem:s3+$0x8000]  }
0x25f: {  	v6 =	vld [tilespmem:s3+$0x10]  }
0x260: {  	v7 =	vld [tilespmem:s3+$0x8010]  }
0x261: {  	v8 =	vld [tilespmem:s3+$0x20]  }
0x262: {  	v10 =	vld [tilespmem:s3+$0x8020]  }
0x263: {  	v11 =	vld [tilespmem:s3+$0x30]  }
0x264: {  	v13 =	vld [tilespmem:s3+$0x40]  }
0x265: {  	v15 =	vld [tilespmem:s3+$0x50]  }
0x266: {  	v4 =	vld [tilespmem:s3+$0x0];
	vm0 =	vgt.s32 v3, $0x0;
	v9 =	vxor.u32 $0x80000000, v2  }
0x267: {  	vm13 =	vgt.s32 v5, $0x0;
	v5 =	vmul.u32 $0x280, v5;
	v12 =	vxor.u32 $0x80000000, v6  }
0x268: {  	vm14 =	vgt.s32 v7, $0x0;
	v7 =	vmul.u32 $0x280, v7;
	v14 =	vxor.u32 $0x80000000, v8  }
0x269: {  	vm15 =	vgt.s32 v10, $0x0;
	v16 =	vxor.u32 $0x80000000, v11;
	v18 =	vxor.u32 $0x80000000, v13  }
0x26a: {  	v19 =	vxor.u32 $0x80000000, v15;
	v2 =	vsel vm0, v2, v9;
	v6 =	vsel vm14, v6, v12;
	v12 =	vld [tilespmem:s3+$0x8040]  }
0x26b: {  	v9 =	vxor.u32 $0x80000000, v4;
	v8 =	vsel vm15, v8, v14;
	v14 =	vld [tilespmem:s3+$0x8050];
	v2 =	vsub.f32 $1.000000000e+00, v2  }
0x26c: {  	v4 =	vsel vm13, v4, v9;
	v9 =	vld [tilespmem:s3+$0x8030];
	v6 =	vsub.f32 $1.000000000e+00, v6;
	v8 =	vsub.f32 $1.000000000e+00, v8  }
0x26d: {  	v3 =	vmul.u32 $0x280, v3;
	v4 =	vsub.f32 $1.000000000e+00, v4;
	v2 =	vmul.f32 $6.400000000e+01, v2  }
0x26e: {  	v10 =	vmul.u32 $0x280, v10;
	v6 =	vmul.f32 $6.400000000e+01, v6;
	v8 =	vmul.f32 $6.400000000e+01, v8  }
0x26f: {  	v4 =	vmul.f32 $6.400000000e+01, v4;
	v2 =	vadd.f32 $1.000000000e+00, v2;
	vm5 =	vgt.s32 v12, $0x0  }
0x270: {  	vm6 =	vgt.s32 v14, $0x0;
	v6 =	vadd.f32 $1.000000000e+00, v6;
	v8 =	vadd.f32 $1.000000000e+00, v8  }
0x271: {  	v12 =	vmul.u32 $0x280, v12;
	v14 =	vmul.u32 $0x280, v14;
	vm4 =	vgt.s32 v9, $0x0  }
0x272: {  	v13 =	vsel vm5, v13, v18;
	v15 =	vsel vm6, v15, v19;
	v4 =	vadd.f32 $1.000000000e+00, v4  }
0x273: {  	v17 =	vld [tilespmem:s3+$0x60];
	v2 =	vmax.f32 v2, $0.0e+00;
	v11 =	vsel vm4, v11, v16;
	v6 =	vmax.f32 v6, $0.0e+00  }
0x274: {  	v8 =	vmax.f32 v8, $0.0e+00;
	v2 =	vmin.f32 v2, $5.120000000e+02;
	v11 =	vsub.f32 $1.000000000e+00, v11  }
0x275: {  	v16 =	vld [tilespmem:s3+$0x8060];
	v6 =	vmin.f32 v6, $5.120000000e+02;
	v8 =	vmin.f32 v8, $5.120000000e+02;
	v2 =	vtrunc.f32 v2  }
0x276: {  	s30 =	simm.s32 $0x400;
	s4 =	simm.s32 $0x80;
	v4 =	vmax.f32 v4, $0.0e+00;
	v6 =	vtrunc.f32 v6;
	v8 =	vtrunc.f32 v8  }
0x277: {  	s5 =	simm.s32 $0x20;
	s3 =	sand.u32 $0x3000, s4;
	s4 =	sand.u32 $0xC00, s30;
	v4 =	vmin.f32 v4, $5.120000000e+02;
	v2 =	vcvt.f32.s32 v2;
	v11 =	vmul.f32 $6.400000000e+01, v11  }
0x278: {  	s5 =	sand.u32 $0x380, s5;
	v18 =	vxor.u32 $0x80000000, v17;
	s3 =	sor.u32 s4, s3;
	v4 =	vtrunc.f32 v4;
	v6 =	vcvt.f32.s32 v6  }
0x279: {  	v9 =	vmul.u32 $0x280, v9;
	s3 =	sor.u32 s5, s3;
	v8 =	vcvt.f32.s32 v8;
	v4 =	vcvt.f32.s32 v4  }
0x27a: {  	v20 =	vld [tilespmem:s3+$0x0];
	v19 =	vadd.s32 v2, v3;
	v2 =	vsub.f32 $1.000000000e+00, v13;
	vm7 =	vgt.s32 v16, $0x0  }
0x27b: {  	v3 =	vsub.f32 $1.000000000e+00, v15;
	v11 =	vadd.f32 $1.000000000e+00, v11;
	v15 =	vld [tilespmem:s3+$0x70];
	v13 =	vsel vm7, v17, v18  }
0x27c: {  	v23 =	vadd.s32 v6, v7;
	v10 =	vadd.s32 v8, v10;
	v13 =	vsub.f32 $1.000000000e+00, v13  }
0x27d: {  	v18 =	vld [tilespmem:s3+$0x8070];
	v2 =	vmul.f32 $6.400000000e+01, v2;
	v3 =	vmul.f32 $6.400000000e+01, v3;
	v11 =	vmax.f32 v11, $0.0e+00  }
0x27e: {  	v22 =	vadd.s32 v4, v5;
	v11 =	vmin.f32 v11, $5.120000000e+02;
	v13 =	vmul.f32 $6.400000000e+01, v13  }
0x27f: {  	v21 =	vld [tilespmem:s3+$0x10];
	v2 =	vadd.f32 $1.000000000e+00, v2;
	v3 =	vadd.f32 $1.000000000e+00, v3;
	v11 =	vtrunc.f32 v11  }
0x280: {  	v24 =	vld [tilespmem:s3+$0x40];
	v7 =	vxor.u32 $0x80000000, v20;
	v11 =	vcvt.f32.s32 v11;
	v6 =	vxor.u32 $0x80000000, v15  }
0x281: {  	v59 =	vld [tilespmem:s3+$0x50];
	v13 =	vadd.f32 $1.000000000e+00, v13;
	v2 =	vmax.f32 v2, $0.0e+00;
	v3 =	vmax.f32 v3, $0.0e+00  }
0x282: {  	v26 =	vld [tilespmem:s3+$0x60];
	vm8 =	vgt.s32 v18, $0x0;
	v2 =	vmin.f32 v2, $5.120000000e+02;
	v3 =	vmin.f32 v3, $5.120000000e+02  }
0x283: {  	v8 =	vld [tilespmem:s3+$0x20];
	v11 =	vadd.s32 v11, v9;
	v6 =	vsel vm8, v15, v6;
	v13 =	vmax.f32 v13, $0.0e+00  }
0x284: {  	v9 =	vld [tilespmem:s3+$0x30];
	v17 =	vtrunc.f32 v2;
	v3 =	vtrunc.f32 v3;
	v2 =	vmul.u32 $0x280, v16  }
0x285: {  	v16 =	vld [tilespmem:s3+$0x8000];
	v15 =	vsub.f32 $1.000000000e+00, v6;
	v13 =	vmin.f32 v13, $5.120000000e+02;
	v4 =	vcvt.f32.s32 v17  }
0x286: {  	v27 =	vxor.u32 $0x80000000, v24;
	v5 =	vcvt.f32.s32 v3;
	v17 =	vld [tilespmem:s3+$0x8010];
	v13 =	vtrunc.f32 v13  }
0x287: {  	v60 =	vxor.u32 $0x80000000, v59;
	v15 =	vmul.f32 $6.400000000e+01, v15;
	v3 =	vcvt.f32.s32 v13;
	v13 =	vld [tilespmem:s3+$0x8020]  }
0x288: {  	v61 =	vxor.u32 $0x80000000, v26;
	v18 =	vmul.u32 $0x280, v18;
	v6 =	vld [tilespmem:s3+$0x8030];
	v12 =	vadd.s32 v4, v12  }
0x289: {  	v14 =	vadd.s32 v5, v14;
	v15 =	vadd.f32 $1.000000000e+00, v15;
	v25 =	vxor.u32 $0x80000000, v9  }
0x28a: {  	vm9 =	vgt.s32 v16, $0x0;
	v4 =	vmul.u32 $0x280, v16;
	v16 =	vxor.u32 $0x80000000, v21  }
0x28b: {  	v7 =	vsel vm9, v20, v7;
	vm10 =	vgt.s32 v17, $0x0;
	v5 =	vmul.u32 $0x280, v17  }
0x28c: {  	v17 =	vxor.u32 $0x80000000, v8;
	v20 =	vsub.f32 $1.000000000e+00, v7;
	v7 =	vld [tilespmem:s3+$0x8040];
	vm11 =	vgt.s32 v13, $0x0  }
0x28d: {  	vm12 =	vgt.s32 v6, $0x0;
	v15 =	vmax.f32 v15, $0.0e+00;
	v17 =	vsel vm11, v8, v17;
	v8 =	vld [tilespmem:s3+$0x8050]  }
0x28e: {  	v25 =	vsel vm12, v9, v25;
	v9 =	vld [tilespmem:s3+$0x8060];
	v16 =	vsel vm10, v21, v16;
	v15 =	vmin.f32 v15, $5.120000000e+02  }
0x28f: {  	v25 =	vsub.f32 $1.000000000e+00, v25;
	v16 =	vsub.f32 $1.000000000e+00, v16;
	v15 =	vtrunc.f32 v15  }
0x290: {  	[tilespmem:v10+s26+$0x0] =	vst.idx.add.f32.msk $0xffff, v1;
	v10 =	vmul.u32 $0x280, v13;
	v20 =	vmul.f32 $6.400000000e+01, v20;
	v15 =	vcvt.f32.s32 v15  }
0x291: {  	v62 =	vmul.f32 $6.400000000e+01, v25;
	v17 =	vsub.f32 $1.000000000e+00, v17;
	v16 =	vmul.f32 $6.400000000e+01, v16  }
0x292: {  	v18 =	vadd.s32 v15, v18;
	vm13 =	vgt.s32 v7, $0x0;
	vm14 =	vgt.s32 v8, $0x0  }
0x293: {  	[tilespmem:v19+s26+$0x0] =	vst.idx.add.f32.msk $0xffff, v1;
	vm15 =	vgt.s32 v9, $0x0;
	v24 =	vsel vm13, v24, v27;
	v19 =	vsel vm14, v59, v60  }
0x294: {  	[tilespmem:v23+s26+$0x0] =	vst.idx.add.f32.msk $0xffff, v1;
	v21 =	vsel vm15, v26, v61;
	v15 =	vsub.f32 $1.000000000e+00, v24;
	v19 =	vsub.f32 $1.000000000e+00, v19  }
0x295: {  	[tilespmem:v11+s26+$0x0] =	vst.idx.add.f32.msk $0xffff, v1;
	v11 =	vadd.f32 $1.000000000e+00, v20;
	v17 =	vmul.f32 $6.400000000e+01, v17;
	v21 =	vsub.f32 $1.000000000e+00, v21  }
0x296: {  	[tilespmem:v22+s26+$0x0] =	vst.idx.add.f32.msk $0xffff, v1;
	v13 =	vadd.f32 $1.000000000e+00, v62;
	v15 =	vmul.f32 $6.400000000e+01, v15;
	v19 =	vmul.f32 $6.400000000e+01, v19  }
0x297: {  	[tilespmem:v12+s26+$0x0] =	vst.idx.add.f32.msk $0xffff, v1;
	v63 =	vadd.f32 $1.000000000e+00, v16;
	v12 =	vadd.f32 $1.000000000e+00, v17;
	v17 =	vmul.f32 $6.400000000e+01, v21  }
0x298: {  	[tilespmem:v14+s26+$0x0] =	vst.idx.add.f32.msk $0xffff, v1;
	v11 =	vmax.f32 v11, $0.0e+00;
	v15 =	vadd.f32 $1.000000000e+00, v15;
	v16 =	vadd.f32 $1.000000000e+00, v19  }
0x299: {  	s31 =	simm.s32 $0x8;
	v14 =	vmax.f32 v63, $0.0e+00;
	[tilespmem:v18+s26+$0x0] =	vst.idx.add.f32.msk $0xffff, v1;
	v12 =	vmax.f32 v12, $0.0e+00;
	v17 =	vadd.f32 $1.000000000e+00, v17  }
.LBB2_10:
0x29a: {  	s31 =	sadd.s32 $0x8, s31;
	v13 =	vmax.f32 v13, $0.0e+00;
	v15 =	vmax.f32 v15, $0.0e+00;
	v16 =	vmax.f32 v16, $0.0e+00  }
0x29b: {  	v11 =	vmin.f32 v11, $5.120000000e+02;
	v14 =	vmin.f32 v14, $5.120000000e+02;
	s30 =	sadd.s32 $0x400, s30;
	s3 =	sshll.u32 s31, $0x4;
	p0 =	slt.u32 s31, $0x3F8;
	v17 =	vmax.f32 v17, $0.0e+00  }
0x29c: {  	v12 =	vmin.f32 v12, $5.120000000e+02;
	s4 =	sand.u32 $0xC00, s30;
	s5 =	sshll.u32 s31, $0x2;
	v13 =	vmin.f32 v13, $5.120000000e+02;
	v15 =	vmin.f32 v15, $5.120000000e+02;
	s3 =	sand.u32 $0x3000, s3  }
0x29d: {  	v11 =	vtrunc.f32 v11;
	v16 =	vmin.f32 v16, $5.120000000e+02;
	v17 =	vmin.f32 v17, $5.120000000e+02;
	s3 =	sor.u32 s4, s3;
	s4 =	sand.u32 $0x380, s5  }
0x29e: {  	v6 =	vmul.u32 $0x280, v6;
	v14 =	vtrunc.f32 v14;
	v12 =	vtrunc.f32 v12;
	s3 =	sor.u32 s4, s3  }
0x29f: {  	v7 =	vmul.u32 $0x280, v7;
	v13 =	vtrunc.f32 v13;
	v15 =	vtrunc.f32 v15;
	v18 =	vld [tilespmem:s3+$0x70]  }
0x2a0: {  	v8 =	vmul.u32 $0x280, v8;
	v16 =	vtrunc.f32 v16;
	v17 =	vtrunc.f32 v17;
	v19 =	vld [tilespmem:s3+$0x8070]  }
0x2a1: {  	v9 =	vmul.u32 $0x280, v9;
	v11 =	vcvt.f32.s32 v11;
	v14 =	vcvt.f32.s32 v14;
	v20 =	vld [tilespmem:s3+$0x0]  }
0x2a2: {  	v22 =	vadd.s32 v3, v2;
	v12 =	vcvt.f32.s32 v12;
	v13 =	vcvt.f32.s32 v13;
	v21 =	vld [tilespmem:s3+$0x8000]  }
0x2a3: {  	v2 =	vmovc v9;
	v11 =	vadd.s32 v11, v4;
	v4 =	vcvt.f32.s32 v15;
	v15 =	vcvt.f32.s32 v16;
	v23 =	vld [tilespmem:s3+$0x10]  }
0x2a4: {  	v14 =	vadd.s32 v14, v5;
	v10 =	vadd.s32 v12, v10;
	v3 =	vcvt.f32.s32 v17;
	v9 =	vld [tilespmem:s3+$0x8010]  }
0x2a5: {  	v13 =	vadd.s32 v13, v6;
	v5 =	vxor.u32 $0x80000000, v18;
	v12 =	vld [tilespmem:s3+$0x20];
	vm0 =	vgt.s32 v19, $0x0  }
0x2a6: {  	v17 =	vadd.s32 v4, v7;
	v6 =	vxor.u32 $0x80000000, v20;
	v16 =	vld [tilespmem:s3+$0x8020];
	v5 =	vsel vm0, v18, v5  }
0x2a7: {  	vm0 =	vgt.s32 v21, $0x0;
	v4 =	vmul.u32 $0x280, v21;
	v18 =	vld [tilespmem:s3+$0x30];
	v5 =	vsub.f32 $1.000000000e+00, v5  }
0x2a8: {  	v15 =	vadd.s32 v15, v8;
	v7 =	vsel vm0, v20, v6;
	v20 =	vxor.u32 $0x80000000, v23;
	v6 =	vld [tilespmem:s3+$0x8030]  }
0x2a9: {  	v8 =	vsub.f32 $1.000000000e+00, v7;
	vm0 =	vgt.s32 v9, $0x0;
	v21 =	vld [tilespmem:s3+$0x40];
	v24 =	vmul.f32 $6.400000000e+01, v5  }
0x2aa: {  	v5 =	vmul.u32 $0x280, v9;
	v20 =	vsel vm0, v23, v20;
	v9 =	vxor.u32 $0x80000000, v12;
	v7 =	vld [tilespmem:s3+$0x8040]  }
0x2ab: {  	v20 =	vsub.f32 $1.000000000e+00, v20;
	vm0 =	vgt.s32 v16, $0x0;
	v23 =	vld [tilespmem:s3+$0x50];
	v24 =	vadd.f32 $1.000000000e+00, v24  }
0x2ac: {  	v25 =	vmul.f32 $6.400000000e+01, v8;
	v9 =	vsel vm0, v12, v9;
	v12 =	vxor.u32 $0x80000000, v18;
	v8 =	vld [tilespmem:s3+$0x8050]  }
0x2ad: {  	v26 =	vsub.f32 $1.000000000e+00, v9;
	vm0 =	vgt.s32 v6, $0x0;
	v27 =	vld [tilespmem:s3+$0x60];
	v24 =	vmax.f32 v24, $0.0e+00  }
0x2ae: {  	v12 =	vsel vm0, v18, v12;
	v18 =	vxor.u32 $0x80000000, v21;
	v9 =	vld [tilespmem:s3+$0x8060];
	v24 =	vmin.f32 v24, $5.120000000e+02  }
0x2af: {  	v12 =	vsub.f32 $1.000000000e+00, v12;
	vm0 =	vgt.s32 v7, $0x0;
	v24 =	vtrunc.f32 v24;
	[tilespmem:v11+s26+$0x0] =	vst.idx.add.f32.msk $0xffff, v1  }
0x2b0: {  	v19 =	vmul.u32 $0x280, v19;
	v11 =	vxor.u32 $0x80000000, v23;
	v24 =	vcvt.f32.s32 v24;
	[tilespmem:v14+s26+$0x0] =	vst.idx.add.f32.msk $0xffff, v1  }
0x2b1: {  	v14 =	vmul.f32 $6.400000000e+01, v20;
	v18 =	vsel vm0, v21, v18;
	vm0 =	vgt.s32 v8, $0x0;
	[tilespmem:v10+s26+$0x0] =	vst.idx.add.f32.msk $0xffff, v1  }
0x2b2: {  	v10 =	vsel vm0, v23, v11;
	v11 =	vxor.u32 $0x80000000, v27;
	v19 =	vadd.s32 v24, v19;
	[tilespmem:v13+s26+$0x0] =	vst.idx.add.f32.msk $0xffff, v1  }
0x2b3: {  	v13 =	vsub.f32 $1.000000000e+00, v18;
	v10 =	vsub.f32 $1.000000000e+00, v10;
	vm0 =	vgt.s32 v9, $0x0;
	[tilespmem:v17+s26+$0x0] =	vst.idx.add.f32.msk $0xffff, v1  }
0x2b4: {  	v12 =	vmul.f32 $6.400000000e+01, v12;
	v17 =	vmul.f32 $6.400000000e+01, v26;
	v11 =	vsel vm0, v27, v11;
	[tilespmem:v15+s26+$0x0] =	vst.idx.add.f32.msk $0xffff, v1  }
.Ltmp4:
0x2b5: {  	v15 =	vmul.f32 $6.400000000e+01, v13;
	v18 =	vmul.f32 $6.400000000e+01, v10;
	v11 =	vsub.f32 $1.000000000e+00, v11;
	[tilespmem:v22+s26+$0x0] =	vst.idx.add.f32.msk $0xffff, v1;
	(pc) =	sbr.rel @p0 .LBB2_10-.Ltmp4, $4  }
0x2b6: {  	v20 =	vadd.f32 $1.000000000e+00, v25;
	v14 =	vadd.f32 $1.000000000e+00, v14;
	v10 =	vmul.u32 $0x280, v16  }
0x2b7: {  	v13 =	vadd.f32 $1.000000000e+00, v12;
	v17 =	vadd.f32 $1.000000000e+00, v17;
	v21 =	vmul.f32 $6.400000000e+01, v11;
	[tilespmem:v19+s26+$0x0] =	vst.idx.add.f32.msk $0xffff, v1  }
0x2b8: {  	v15 =	vadd.f32 $1.000000000e+00, v15;
	v11 =	vmax.f32 v20, $0.0e+00;
	v16 =	vadd.f32 $1.000000000e+00, v18  }
0x2b9: {  	v14 =	vmax.f32 v14, $0.0e+00;
	v12 =	vmax.f32 v17, $0.0e+00;
	v17 =	vadd.f32 $1.000000000e+00, v21  }
0x2ba: {  	v13 =	vmax.f32 v13, $0.0e+00;
	v15 =	vmax.f32 v15, $0.0e+00  }
0x2bb: {  	v16 =	vmax.f32 v16, $0.0e+00;
	v11 =	vmin.f32 v11, $5.120000000e+02;
	v14 =	vmin.f32 v14, $5.120000000e+02  }
0x2bc: {  	v12 =	vmin.f32 v12, $5.120000000e+02;
	v6 =	vmul.u32 $0x280, v6;
	v7 =	vmul.u32 $0x280, v7  }
0x2bd: {  	v8 =	vmul.u32 $0x280, v8;
	v2 =	vadd.s32 v3, v2;
	v17 =	vmax.f32 v17, $0.0e+00  }
0x2be: {  	v13 =	vmin.f32 v13, $5.120000000e+02;
	v15 =	vmin.f32 v15, $5.120000000e+02;
	v11 =	vtrunc.f32 v11  }
0x2bf: {  	v16 =	vmin.f32 v16, $5.120000000e+02;
	v14 =	vtrunc.f32 v14;
	v11 =	vcvt.f32.s32 v11  }
0x2c0: {  	v12 =	vtrunc.f32 v12;
	v17 =	vmin.f32 v17, $5.120000000e+02;
	v14 =	vcvt.f32.s32 v14  }
0x2c1: {  	v13 =	vtrunc.f32 v13;
	v12 =	vcvt.f32.s32 v12;
	v4 =	vadd.s32 v11, v4  }
0x2c2: {  	v15 =	vtrunc.f32 v15;
	v11 =	vcvt.f32.s32 v13;
	v5 =	vadd.s32 v14, v5  }
0x2c3: {  	v13 =	vtrunc.f32 v16;
	v14 =	vcvt.f32.s32 v15;
	v10 =	vadd.s32 v12, v10  }
0x2c4: {  	v12 =	vcvt.f32.s32 v13;
	v6 =	vadd.s32 v11, v6;
	v11 =	vtrunc.f32 v17  }
0x2c5: {  	v9 =	vmul.u32 $0x280, v9;
	[tilespmem:v2+s26+$0x0] =	vst.idx.add.f32.msk $0xffff, v1;
	v7 =	vadd.s32 v14, v7;
	v11 =	vcvt.f32.s32 v11  }
0x2c6: {  	v8 =	vadd.s32 v12, v8;
	[tilespmem:v4+s26+$0x0] =	vst.idx.add.f32.msk $0xffff, v1  }
0x2c7: {  	[tilespmem:v5+s26+$0x0] =	vst.idx.add.f32.msk $0xffff, v1;
	v3 =	vadd.s32 v11, v9  }
0x2c8: {  	[tilespmem:v10+s26+$0x0] =	vst.idx.add.f32.msk $0xffff, v1  }
0x2c9: {  	[tilespmem:v6+s26+$0x0] =	vst.idx.add.f32.msk $0xffff, v1  }
0x2ca: {  	[tilespmem:v7+s26+$0x0] =	vst.idx.add.f32.msk $0xffff, v1  }
0x2cb: {  	[tilespmem:v8+s26+$0x0] =	vst.idx.add.f32.msk $0xffff, v1  }
0x2cc: {  	s3 =	simm.s32 $0x0;
	[tilespmem:v3+s26+$0x0] =	vst.idx.add.f32.msk $0xffff, v1  }
0x2cd: {  	[tilespmem:s3], [sflag:$0x1] =	stream.linear.gather [hbm4b:s15+s3], $0x4000, $0x38;
	[tilespmem:$0x10500] =	vst v63  }
0x2ce: {  	_ = 	snop  }
0x2cf: {  	[tilespmem:s21], [sflag:$0x3] =	stream.linear.gather [hbm4b:s16+s3], $0x4000, $0x38;
	[tilespmem:$0x10500] =	vst v63  }
0x2d0: {  	_ =	swait.ge [sflag:s28], $0x4000  }
0x2d1: {  	[sflag:s28] =	ssyncset.done $0x0  }
0x2d2: {  	s4 =	simm.s32 $0x0;
	s5 =	simm.s32 $0x0;
	[sflag:s28] =	ssyncadd.s32 $0xFFFFC000  }
0x2d3: {  	s4 =	sand.u32 $0x3000, s4;
	s3 =	sand.u32 $0xC00, s3;
	_ =	swait.ge [sflag:s29], $0x4000  }
0x2d4: {  	s5 =	sand.u32 $0x380, s5;
	s3 =	sor.u32 s3, s4;
	[sflag:s29] =	ssyncset.done $0x0  }
0x2d5: {  	s3 =	sor.u32 s5, s3;
	[sflag:s29] =	ssyncadd.s32 $0xFFFFC000  }
0x2d6: {  	v2 =	vld [tilespmem:s3+$0x4070]  }
0x2d7: {  	v3 =	vld [tilespmem:s3+$0xC070]  }
0x2d8: {  	v5 =	vld [tilespmem:s3+$0xC000]  }
0x2d9: {  	v6 =	vld [tilespmem:s3+$0x4010]  }
0x2da: {  	v7 =	vld [tilespmem:s3+$0xC010]  }
0x2db: {  	v8 =	vld [tilespmem:s3+$0x4020]  }
0x2dc: {  	v10 =	vld [tilespmem:s3+$0xC020]  }
0x2dd: {  	v11 =	vld [tilespmem:s3+$0x4030]  }
0x2de: {  	v13 =	vld [tilespmem:s3+$0x4040]  }
0x2df: {  	v15 =	vld [tilespmem:s3+$0x4050]  }
0x2e0: {  	v4 =	vld [tilespmem:s3+$0x4000];
	vm0 =	vgt.s32 v3, $0x0;
	v9 =	vxor.u32 $0x80000000, v2  }
0x2e1: {  	vm13 =	vgt.s32 v5, $0x0;
	v5 =	vmul.u32 $0x280, v5;
	v12 =	vxor.u32 $0x80000000, v6  }
0x2e2: {  	vm14 =	vgt.s32 v7, $0x0;
	v7 =	vmul.u32 $0x280, v7;
	v14 =	vxor.u32 $0x80000000, v8  }
0x2e3: {  	vm15 =	vgt.s32 v10, $0x0;
	v16 =	vxor.u32 $0x80000000, v11;
	v18 =	vxor.u32 $0x80000000, v13  }
0x2e4: {  	v19 =	vxor.u32 $0x80000000, v15;
	v2 =	vsel vm0, v2, v9;
	v6 =	vsel vm14, v6, v12;
	v12 =	vld [tilespmem:s3+$0xC040]  }
0x2e5: {  	v9 =	vxor.u32 $0x80000000, v4;
	v8 =	vsel vm15, v8, v14;
	v14 =	vld [tilespmem:s3+$0xC050];
	v2 =	vsub.f32 $1.000000000e+00, v2  }
0x2e6: {  	v4 =	vsel vm13, v4, v9;
	v9 =	vld [tilespmem:s3+$0xC030];
	v6 =	vsub.f32 $1.000000000e+00, v6;
	v8 =	vsub.f32 $1.000000000e+00, v8  }
0x2e7: {  	v3 =	vmul.u32 $0x280, v3;
	v4 =	vsub.f32 $1.000000000e+00, v4;
	v2 =	vmul.f32 $6.400000000e+01, v2  }
0x2e8: {  	v10 =	vmul.u32 $0x280, v10;
	v6 =	vmul.f32 $6.400000000e+01, v6;
	v8 =	vmul.f32 $6.400000000e+01, v8  }
0x2e9: {  	v4 =	vmul.f32 $6.400000000e+01, v4;
	v2 =	vadd.f32 $1.000000000e+00, v2;
	vm5 =	vgt.s32 v12, $0x0  }
0x2ea: {  	vm6 =	vgt.s32 v14, $0x0;
	v6 =	vadd.f32 $1.000000000e+00, v6;
	v8 =	vadd.f32 $1.000000000e+00, v8  }
0x2eb: {  	v12 =	vmul.u32 $0x280, v12;
	v14 =	vmul.u32 $0x280, v14;
	vm4 =	vgt.s32 v9, $0x0  }
0x2ec: {  	v13 =	vsel vm5, v13, v18;
	v15 =	vsel vm6, v15, v19;
	v4 =	vadd.f32 $1.000000000e+00, v4  }
0x2ed: {  	v17 =	vld [tilespmem:s3+$0x4060];
	v2 =	vmax.f32 v2, $0.0e+00;
	v11 =	vsel vm4, v11, v16;
	v6 =	vmax.f32 v6, $0.0e+00  }
0x2ee: {  	v8 =	vmax.f32 v8, $0.0e+00;
	v2 =	vmin.f32 v2, $5.120000000e+02;
	v11 =	vsub.f32 $1.000000000e+00, v11  }
0x2ef: {  	v16 =	vld [tilespmem:s3+$0xC060];
	v6 =	vmin.f32 v6, $5.120000000e+02;
	v8 =	vmin.f32 v8, $5.120000000e+02;
	v2 =	vtrunc.f32 v2  }
0x2f0: {  	s30 =	simm.s32 $0x400;
	s4 =	simm.s32 $0x80;
	v4 =	vmax.f32 v4, $0.0e+00;
	v6 =	vtrunc.f32 v6;
	v8 =	vtrunc.f32 v8  }
0x2f1: {  	s5 =	simm.s32 $0x20;
	s3 =	sand.u32 $0x3000, s4;
	s4 =	sand.u32 $0xC00, s30;
	v4 =	vmin.f32 v4, $5.120000000e+02;
	v2 =	vcvt.f32.s32 v2;
	v11 =	vmul.f32 $6.400000000e+01, v11  }
0x2f2: {  	s5 =	sand.u32 $0x380, s5;
	v18 =	vxor.u32 $0x80000000, v17;
	s3 =	sor.u32 s4, s3;
	v4 =	vtrunc.f32 v4;
	v6 =	vcvt.f32.s32 v6  }
0x2f3: {  	v9 =	vmul.u32 $0x280, v9;
	s3 =	sor.u32 s5, s3;
	v8 =	vcvt.f32.s32 v8;
	v4 =	vcvt.f32.s32 v4  }
0x2f4: {  	v20 =	vld [tilespmem:s3+$0x4000];
	v19 =	vadd.s32 v2, v3;
	v2 =	vsub.f32 $1.000000000e+00, v13;
	vm7 =	vgt.s32 v16, $0x0  }
0x2f5: {  	v3 =	vsub.f32 $1.000000000e+00, v15;
	v11 =	vadd.f32 $1.000000000e+00, v11;
	v15 =	vld [tilespmem:s3+$0x4070];
	v13 =	vsel vm7, v17, v18  }
0x2f6: {  	v23 =	vadd.s32 v6, v7;
	v10 =	vadd.s32 v8, v10;
	v13 =	vsub.f32 $1.000000000e+00, v13  }
0x2f7: {  	v18 =	vld [tilespmem:s3+$0xC070];
	v2 =	vmul.f32 $6.400000000e+01, v2;
	v3 =	vmul.f32 $6.400000000e+01, v3;
	v11 =	vmax.f32 v11, $0.0e+00  }
0x2f8: {  	v22 =	vadd.s32 v4, v5;
	v11 =	vmin.f32 v11, $5.120000000e+02;
	v13 =	vmul.f32 $6.400000000e+01, v13  }
0x2f9: {  	v21 =	vld [tilespmem:s3+$0x4010];
	v2 =	vadd.f32 $1.000000000e+00, v2;
	v3 =	vadd.f32 $1.000000000e+00, v3;
	v11 =	vtrunc.f32 v11  }
0x2fa: {  	v24 =	vld [tilespmem:s3+$0x4040];
	v7 =	vxor.u32 $0x80000000, v20;
	v11 =	vcvt.f32.s32 v11;
	v6 =	vxor.u32 $0x80000000, v15  }
0x2fb: {  	v59 =	vld [tilespmem:s3+$0x4050];
	v13 =	vadd.f32 $1.000000000e+00, v13;
	v2 =	vmax.f32 v2, $0.0e+00;
	v3 =	vmax.f32 v3, $0.0e+00  }
0x2fc: {  	v26 =	vld [tilespmem:s3+$0x4060];
	vm8 =	vgt.s32 v18, $0x0;
	v2 =	vmin.f32 v2, $5.120000000e+02;
	v3 =	vmin.f32 v3, $5.120000000e+02  }
0x2fd: {  	v8 =	vld [tilespmem:s3+$0x4020];
	v11 =	vadd.s32 v11, v9;
	v6 =	vsel vm8, v15, v6;
	v13 =	vmax.f32 v13, $0.0e+00  }
0x2fe: {  	v9 =	vld [tilespmem:s3+$0x4030];
	v17 =	vtrunc.f32 v2;
	v3 =	vtrunc.f32 v3;
	v2 =	vmul.u32 $0x280, v16  }
0x2ff: {  	v16 =	vld [tilespmem:s3+$0xC000];
	v15 =	vsub.f32 $1.000000000e+00, v6;
	v13 =	vmin.f32 v13, $5.120000000e+02;
	v4 =	vcvt.f32.s32 v17  }
0x300: {  	v27 =	vxor.u32 $0x80000000, v24;
	v5 =	vcvt.f32.s32 v3;
	v17 =	vld [tilespmem:s3+$0xC010];
	v13 =	vtrunc.f32 v13  }
0x301: {  	v60 =	vxor.u32 $0x80000000, v59;
	v15 =	vmul.f32 $6.400000000e+01, v15;
	v3 =	vcvt.f32.s32 v13;
	v13 =	vld [tilespmem:s3+$0xC020]  }
0x302: {  	v61 =	vxor.u32 $0x80000000, v26;
	v18 =	vmul.u32 $0x280, v18;
	v6 =	vld [tilespmem:s3+$0xC030];
	v12 =	vadd.s32 v4, v12  }
0x303: {  	v14 =	vadd.s32 v5, v14;
	v15 =	vadd.f32 $1.000000000e+00, v15;
	v25 =	vxor.u32 $0x80000000, v9  }
0x304: {  	vm9 =	vgt.s32 v16, $0x0;
	v4 =	vmul.u32 $0x280, v16;
	v16 =	vxor.u32 $0x80000000, v21  }
0x305: {  	v7 =	vsel vm9, v20, v7;
	vm10 =	vgt.s32 v17, $0x0;
	v5 =	vmul.u32 $0x280, v17  }
0x306: {  	v17 =	vxor.u32 $0x80000000, v8;
	v20 =	vsub.f32 $1.000000000e+00, v7;
	v7 =	vld [tilespmem:s3+$0xC040];
	vm11 =	vgt.s32 v13, $0x0  }
0x307: {  	vm12 =	vgt.s32 v6, $0x0;
	v15 =	vmax.f32 v15, $0.0e+00;
	v17 =	vsel vm11, v8, v17;
	v8 =	vld [tilespmem:s3+$0xC050]  }
0x308: {  	v25 =	vsel vm12, v9, v25;
	v9 =	vld [tilespmem:s3+$0xC060];
	v16 =	vsel vm10, v21, v16;
	v15 =	vmin.f32 v15, $5.120000000e+02  }
0x309: {  	v25 =	vsub.f32 $1.000000000e+00, v25;
	v16 =	vsub.f32 $1.000000000e+00, v16;
	v15 =	vtrunc.f32 v15  }
0x30a: {  	[tilespmem:v10+s26+$0x0] =	vst.idx.add.f32.msk $0xffff, v1;
	v10 =	vmul.u32 $0x280, v13;
	v20 =	vmul.f32 $6.400000000e+01, v20;
	v15 =	vcvt.f32.s32 v15  }
0x30b: {  	v62 =	vmul.f32 $6.400000000e+01, v25;
	v17 =	vsub.f32 $1.000000000e+00, v17;
	v16 =	vmul.f32 $6.400000000e+01, v16  }
0x30c: {  	v18 =	vadd.s32 v15, v18;
	vm13 =	vgt.s32 v7, $0x0;
	vm14 =	vgt.s32 v8, $0x0  }
0x30d: {  	[tilespmem:v19+s26+$0x0] =	vst.idx.add.f32.msk $0xffff, v1;
	vm15 =	vgt.s32 v9, $0x0;
	v24 =	vsel vm13, v24, v27;
	v19 =	vsel vm14, v59, v60  }
0x30e: {  	[tilespmem:v23+s26+$0x0] =	vst.idx.add.f32.msk $0xffff, v1;
	v21 =	vsel vm15, v26, v61;
	v15 =	vsub.f32 $1.000000000e+00, v24;
	v19 =	vsub.f32 $1.000000000e+00, v19  }
0x30f: {  	[tilespmem:v11+s26+$0x0] =	vst.idx.add.f32.msk $0xffff, v1;
	v11 =	vadd.f32 $1.000000000e+00, v20;
	v17 =	vmul.f32 $6.400000000e+01, v17;
	v21 =	vsub.f32 $1.000000000e+00, v21  }
0x310: {  	[tilespmem:v22+s26+$0x0] =	vst.idx.add.f32.msk $0xffff, v1;
	v13 =	vadd.f32 $1.000000000e+00, v62;
	v15 =	vmul.f32 $6.400000000e+01, v15;
	v19 =	vmul.f32 $6.400000000e+01, v19  }
0x311: {  	[tilespmem:v12+s26+$0x0] =	vst.idx.add.f32.msk $0xffff, v1;
	v63 =	vadd.f32 $1.000000000e+00, v16;
	v12 =	vadd.f32 $1.000000000e+00, v17;
	v17 =	vmul.f32 $6.400000000e+01, v21  }
0x312: {  	[tilespmem:v14+s26+$0x0] =	vst.idx.add.f32.msk $0xffff, v1;
	v11 =	vmax.f32 v11, $0.0e+00;
	v15 =	vadd.f32 $1.000000000e+00, v15;
	v16 =	vadd.f32 $1.000000000e+00, v19  }
0x313: {  	s31 =	simm.s32 $0x8;
	v14 =	vmax.f32 v63, $0.0e+00;
	[tilespmem:v18+s26+$0x0] =	vst.idx.add.f32.msk $0xffff, v1;
	v12 =	vmax.f32 v12, $0.0e+00;
	v17 =	vadd.f32 $1.000000000e+00, v17  }
.LBB2_12:
0x314: {  	s31 =	sadd.s32 $0x8, s31;
	v13 =	vmax.f32 v13, $0.0e+00;
	v15 =	vmax.f32 v15, $0.0e+00;
	v16 =	vmax.f32 v16, $0.0e+00  }
0x315: {  	v11 =	vmin.f32 v11, $5.120000000e+02;
	v14 =	vmin.f32 v14, $5.120000000e+02;
	s30 =	sadd.s32 $0x400, s30;
	s3 =	sshll.u32 s31, $0x4;
	p0 =	slt.u32 s31, $0x3F8;
	v17 =	vmax.f32 v17, $0.0e+00  }
0x316: {  	v12 =	vmin.f32 v12, $5.120000000e+02;
	s4 =	sand.u32 $0xC00, s30;
	s5 =	sshll.u32 s31, $0x2;
	v13 =	vmin.f32 v13, $5.120000000e+02;
	v15 =	vmin.f32 v15, $5.120000000e+02;
	s3 =	sand.u32 $0x3000, s3  }
0x317: {  	v11 =	vtrunc.f32 v11;
	v16 =	vmin.f32 v16, $5.120000000e+02;
	v17 =	vmin.f32 v17, $5.120000000e+02;
	s3 =	sor.u32 s4, s3;
	s4 =	sand.u32 $0x380, s5  }
0x318: {  	v6 =	vmul.u32 $0x280, v6;
	v14 =	vtrunc.f32 v14;
	v12 =	vtrunc.f32 v12;
	s3 =	sor.u32 s4, s3  }
0x319: {  	v7 =	vmul.u32 $0x280, v7;
	v13 =	vtrunc.f32 v13;
	v15 =	vtrunc.f32 v15;
	v18 =	vld [tilespmem:s3+$0x4070]  }
0x31a: {  	v8 =	vmul.u32 $0x280, v8;
	v16 =	vtrunc.f32 v16;
	v17 =	vtrunc.f32 v17;
	v19 =	vld [tilespmem:s3+$0xC070]  }
0x31b: {  	v9 =	vmul.u32 $0x280, v9;
	v11 =	vcvt.f32.s32 v11;
	v14 =	vcvt.f32.s32 v14;
	v20 =	vld [tilespmem:s3+$0x4000]  }
0x31c: {  	v22 =	vadd.s32 v3, v2;
	v12 =	vcvt.f32.s32 v12;
	v13 =	vcvt.f32.s32 v13;
	v21 =	vld [tilespmem:s3+$0xC000]  }
0x31d: {  	v2 =	vmovc v9;
	v11 =	vadd.s32 v11, v4;
	v4 =	vcvt.f32.s32 v15;
	v15 =	vcvt.f32.s32 v16;
	v23 =	vld [tilespmem:s3+$0x4010]  }
0x31e: {  	v14 =	vadd.s32 v14, v5;
	v10 =	vadd.s32 v12, v10;
	v3 =	vcvt.f32.s32 v17;
	v9 =	vld [tilespmem:s3+$0xC010]  }
0x31f: {  	v13 =	vadd.s32 v13, v6;
	v5 =	vxor.u32 $0x80000000, v18;
	v12 =	vld [tilespmem:s3+$0x4020];
	vm0 =	vgt.s32 v19, $0x0  }
0x320: {  	v17 =	vadd.s32 v4, v7;
	v6 =	vxor.u32 $0x80000000, v20;
	v16 =	vld [tilespmem:s3+$0xC020];
	v5 =	vsel vm0, v18, v5  }
0x321: {  	vm0 =	vgt.s32 v21, $0x0;
	v4 =	vmul.u32 $0x280, v21;
	v18 =	vld [tilespmem:s3+$0x4030];
	v5 =	vsub.f32 $1.000000000e+00, v5  }
0x322: {  	v15 =	vadd.s32 v15, v8;
	v7 =	vsel vm0, v20, v6;
	v20 =	vxor.u32 $0x80000000, v23;
	v6 =	vld [tilespmem:s3+$0xC030]  }
0x323: {  	v8 =	vsub.f32 $1.000000000e+00, v7;
	vm0 =	vgt.s32 v9, $0x0;
	v21 =	vld [tilespmem:s3+$0x4040];
	v24 =	vmul.f32 $6.400000000e+01, v5  }
0x324: {  	v5 =	vmul.u32 $0x280, v9;
	v20 =	vsel vm0, v23, v20;
	v9 =	vxor.u32 $0x80000000, v12;
	v7 =	vld [tilespmem:s3+$0xC040]  }
0x325: {  	v20 =	vsub.f32 $1.000000000e+00, v20;
	vm0 =	vgt.s32 v16, $0x0;
	v23 =	vld [tilespmem:s3+$0x4050];
	v24 =	vadd.f32 $1.000000000e+00, v24  }
0x326: {  	v25 =	vmul.f32 $6.400000000e+01, v8;
	v9 =	vsel vm0, v12, v9;
	v12 =	vxor.u32 $0x80000000, v18;
	v8 =	vld [tilespmem:s3+$0xC050]  }
0x327: {  	v26 =	vsub.f32 $1.000000000e+00, v9;
	vm0 =	vgt.s32 v6, $0x0;
	v27 =	vld [tilespmem:s3+$0x4060];
	v24 =	vmax.f32 v24, $0.0e+00  }
0x328: {  	v12 =	vsel vm0, v18, v12;
	v18 =	vxor.u32 $0x80000000, v21;
	v9 =	vld [tilespmem:s3+$0xC060];
	v24 =	vmin.f32 v24, $5.120000000e+02  }
0x329: {  	v12 =	vsub.f32 $1.000000000e+00, v12;
	vm0 =	vgt.s32 v7, $0x0;
	v24 =	vtrunc.f32 v24;
	[tilespmem:v11+s26+$0x0] =	vst.idx.add.f32.msk $0xffff, v1  }
0x32a: {  	v19 =	vmul.u32 $0x280, v19;
	v11 =	vxor.u32 $0x80000000, v23;
	v24 =	vcvt.f32.s32 v24;
	[tilespmem:v14+s26+$0x0] =	vst.idx.add.f32.msk $0xffff, v1  }
0x32b: {  	v14 =	vmul.f32 $6.400000000e+01, v20;
	v18 =	vsel vm0, v21, v18;
	vm0 =	vgt.s32 v8, $0x0;
	[tilespmem:v10+s26+$0x0] =	vst.idx.add.f32.msk $0xffff, v1  }
0x32c: {  	v10 =	vsel vm0, v23, v11;
	v11 =	vxor.u32 $0x80000000, v27;
	v19 =	vadd.s32 v24, v19;
	[tilespmem:v13+s26+$0x0] =	vst.idx.add.f32.msk $0xffff, v1  }
0x32d: {  	v13 =	vsub.f32 $1.000000000e+00, v18;
	v10 =	vsub.f32 $1.000000000e+00, v10;
	vm0 =	vgt.s32 v9, $0x0;
	[tilespmem:v17+s26+$0x0] =	vst.idx.add.f32.msk $0xffff, v1  }
0x32e: {  	v12 =	vmul.f32 $6.400000000e+01, v12;
	v17 =	vmul.f32 $6.400000000e+01, v26;
	v11 =	vsel vm0, v27, v11;
	[tilespmem:v15+s26+$0x0] =	vst.idx.add.f32.msk $0xffff, v1  }
.Ltmp5:
0x32f: {  	v15 =	vmul.f32 $6.400000000e+01, v13;
	v18 =	vmul.f32 $6.400000000e+01, v10;
	v11 =	vsub.f32 $1.000000000e+00, v11;
	[tilespmem:v22+s26+$0x0] =	vst.idx.add.f32.msk $0xffff, v1;
	(pc) =	sbr.rel @p0 .LBB2_12-.Ltmp5, $4  }
0x330: {  	v20 =	vadd.f32 $1.000000000e+00, v25;
	v14 =	vadd.f32 $1.000000000e+00, v14;
	v10 =	vmul.u32 $0x280, v16  }
0x331: {  	v13 =	vadd.f32 $1.000000000e+00, v12;
	v17 =	vadd.f32 $1.000000000e+00, v17;
	v21 =	vmul.f32 $6.400000000e+01, v11;
	[tilespmem:v19+s26+$0x0] =	vst.idx.add.f32.msk $0xffff, v1  }
0x332: {  	v15 =	vadd.f32 $1.000000000e+00, v15;
	v11 =	vmax.f32 v20, $0.0e+00;
	v16 =	vadd.f32 $1.000000000e+00, v18  }
0x333: {  	v14 =	vmax.f32 v14, $0.0e+00;
	v12 =	vmax.f32 v17, $0.0e+00;
	v17 =	vadd.f32 $1.000000000e+00, v21  }
0x334: {  	v13 =	vmax.f32 v13, $0.0e+00;
	v15 =	vmax.f32 v15, $0.0e+00  }
0x335: {  	v16 =	vmax.f32 v16, $0.0e+00;
	v11 =	vmin.f32 v11, $5.120000000e+02;
	v14 =	vmin.f32 v14, $5.120000000e+02  }
0x336: {  	v12 =	vmin.f32 v12, $5.120000000e+02;
	v6 =	vmul.u32 $0x280, v6;
	v7 =	vmul.u32 $0x280, v7  }
0x337: {  	v8 =	vmul.u32 $0x280, v8;
	v2 =	vadd.s32 v3, v2;
	v17 =	vmax.f32 v17, $0.0e+00  }
0x338: {  	v13 =	vmin.f32 v13, $5.120000000e+02;
	v15 =	vmin.f32 v15, $5.120000000e+02;
	v11 =	vtrunc.f32 v11  }
0x339: {  	v16 =	vmin.f32 v16, $5.120000000e+02;
	v14 =	vtrunc.f32 v14;
	v11 =	vcvt.f32.s32 v11  }
0x33a: {  	v12 =	vtrunc.f32 v12;
	v17 =	vmin.f32 v17, $5.120000000e+02;
	v14 =	vcvt.f32.s32 v14  }
0x33b: {  	v13 =	vtrunc.f32 v13;
	v12 =	vcvt.f32.s32 v12;
	v4 =	vadd.s32 v11, v4  }
0x33c: {  	v15 =	vtrunc.f32 v15;
	v11 =	vcvt.f32.s32 v13;
	v5 =	vadd.s32 v14, v5  }
0x33d: {  	v13 =	vtrunc.f32 v16;
	v14 =	vcvt.f32.s32 v15;
	v10 =	vadd.s32 v12, v10  }
0x33e: {  	v12 =	vcvt.f32.s32 v13;
	v6 =	vadd.s32 v11, v6;
	v11 =	vtrunc.f32 v17  }
0x33f: {  	v9 =	vmul.u32 $0x280, v9;
	[tilespmem:v2+s26+$0x0] =	vst.idx.add.f32.msk $0xffff, v1;
	v7 =	vadd.s32 v14, v7;
	v11 =	vcvt.f32.s32 v11  }
0x340: {  	v8 =	vadd.s32 v12, v8;
	[tilespmem:v4+s26+$0x0] =	vst.idx.add.f32.msk $0xffff, v1  }
0x341: {  	[tilespmem:v5+s26+$0x0] =	vst.idx.add.f32.msk $0xffff, v1;
	v3 =	vadd.s32 v11, v9  }
0x342: {  	[tilespmem:v10+s26+$0x0] =	vst.idx.add.f32.msk $0xffff, v1  }
0x343: {  	[tilespmem:v6+s26+$0x0] =	vst.idx.add.f32.msk $0xffff, v1  }
0x344: {  	[tilespmem:v7+s26+$0x0] =	vst.idx.add.f32.msk $0xffff, v1  }
0x345: {  	[tilespmem:v8+s26+$0x0] =	vst.idx.add.f32.msk $0xffff, v1  }
0x346: {  	s3 =	simm.s32 $0x0;
	[tilespmem:v3+s26+$0x0] =	vst.idx.add.f32.msk $0xffff, v1  }
0x347: {  	[tilespmem:s22], [sflag:$0x2] =	stream.linear.gather [hbm4b:s17+s3], $0x4000, $0x38;
	[tilespmem:$0x10500] =	vst v63  }
0x348: {  	_ = 	snop  }
0x349: {  	[tilespmem:s23], [sflag:$0x4] =	stream.linear.gather [hbm4b:s18+s3], $0x4000, $0x38;
	[tilespmem:$0x10500] =	vst v63  }
0x34a: {  	_ =	swait.ge [sflag:s24], $0x4000  }
0x34b: {  	[sflag:s24] =	ssyncset.done $0x0  }
0x34c: {  	s4 =	simm.s32 $0x0;
	s5 =	simm.s32 $0x0;
	[sflag:s24] =	ssyncadd.s32 $0xFFFFC000  }
0x34d: {  	s4 =	sand.u32 $0x3000, s4;
	s3 =	sand.u32 $0xC00, s3;
	_ =	swait.ge [sflag:s25], $0x4000  }
0x34e: {  	s5 =	sand.u32 $0x380, s5;
	s3 =	sor.u32 s3, s4;
	[sflag:s25] =	ssyncset.done $0x0  }
0x34f: {  	s3 =	sor.u32 s5, s3;
	[sflag:s25] =	ssyncadd.s32 $0xFFFFC000  }
0x350: {  	v2 =	vld [tilespmem:s3+$0x70]  }
0x351: {  	v3 =	vld [tilespmem:s3+$0x8070]  }
0x352: {  	v5 =	vld [tilespmem:s3+$0x8000]  }
0x353: {  	v6 =	vld [tilespmem:s3+$0x10]  }
0x354: {  	v7 =	vld [tilespmem:s3+$0x8010]  }
0x355: {  	v8 =	vld [tilespmem:s3+$0x20]  }
0x356: {  	v10 =	vld [tilespmem:s3+$0x8020]  }
0x357: {  	v11 =	vld [tilespmem:s3+$0x30]  }
0x358: {  	v13 =	vld [tilespmem:s3+$0x40]  }
0x359: {  	v15 =	vld [tilespmem:s3+$0x50]  }
0x35a: {  	v4 =	vld [tilespmem:s3+$0x0];
	vm0 =	vgt.s32 v3, $0x0;
	v9 =	vxor.u32 $0x80000000, v2  }
0x35b: {  	vm13 =	vgt.s32 v5, $0x0;
	v5 =	vmul.u32 $0x280, v5;
	v12 =	vxor.u32 $0x80000000, v6  }
0x35c: {  	vm14 =	vgt.s32 v7, $0x0;
	v7 =	vmul.u32 $0x280, v7;
	v14 =	vxor.u32 $0x80000000, v8  }
0x35d: {  	vm15 =	vgt.s32 v10, $0x0;
	v16 =	vxor.u32 $0x80000000, v11;
	v18 =	vxor.u32 $0x80000000, v13  }
0x35e: {  	v19 =	vxor.u32 $0x80000000, v15;
	v2 =	vsel vm0, v2, v9;
	v6 =	vsel vm14, v6, v12;
	v12 =	vld [tilespmem:s3+$0x8040]  }
0x35f: {  	v9 =	vxor.u32 $0x80000000, v4;
	v8 =	vsel vm15, v8, v14;
	v14 =	vld [tilespmem:s3+$0x8050];
	v2 =	vsub.f32 $1.000000000e+00, v2  }
0x360: {  	v4 =	vsel vm13, v4, v9;
	v9 =	vld [tilespmem:s3+$0x8030];
	v6 =	vsub.f32 $1.000000000e+00, v6;
	v8 =	vsub.f32 $1.000000000e+00, v8  }
0x361: {  	v3 =	vmul.u32 $0x280, v3;
	v4 =	vsub.f32 $1.000000000e+00, v4;
	v2 =	vmul.f32 $6.400000000e+01, v2  }
0x362: {  	v10 =	vmul.u32 $0x280, v10;
	v6 =	vmul.f32 $6.400000000e+01, v6;
	v8 =	vmul.f32 $6.400000000e+01, v8  }
0x363: {  	v4 =	vmul.f32 $6.400000000e+01, v4;
	v2 =	vadd.f32 $1.000000000e+00, v2;
	vm5 =	vgt.s32 v12, $0x0  }
0x364: {  	vm6 =	vgt.s32 v14, $0x0;
	v6 =	vadd.f32 $1.000000000e+00, v6;
	v8 =	vadd.f32 $1.000000000e+00, v8  }
0x365: {  	v12 =	vmul.u32 $0x280, v12;
	v14 =	vmul.u32 $0x280, v14;
	vm4 =	vgt.s32 v9, $0x0  }
0x366: {  	v13 =	vsel vm5, v13, v18;
	v15 =	vsel vm6, v15, v19;
	v4 =	vadd.f32 $1.000000000e+00, v4  }
0x367: {  	v17 =	vld [tilespmem:s3+$0x60];
	v2 =	vmax.f32 v2, $0.0e+00;
	v11 =	vsel vm4, v11, v16;
	v6 =	vmax.f32 v6, $0.0e+00  }
0x368: {  	v8 =	vmax.f32 v8, $0.0e+00;
	v2 =	vmin.f32 v2, $5.120000000e+02;
	v11 =	vsub.f32 $1.000000000e+00, v11  }
0x369: {  	v16 =	vld [tilespmem:s3+$0x8060];
	v6 =	vmin.f32 v6, $5.120000000e+02;
	v8 =	vmin.f32 v8, $5.120000000e+02;
	v2 =	vtrunc.f32 v2  }
0x36a: {  	s30 =	simm.s32 $0x400;
	s4 =	simm.s32 $0x80;
	v4 =	vmax.f32 v4, $0.0e+00;
	v6 =	vtrunc.f32 v6;
	v8 =	vtrunc.f32 v8  }
0x36b: {  	s5 =	simm.s32 $0x20;
	s3 =	sand.u32 $0x3000, s4;
	s4 =	sand.u32 $0xC00, s30;
	v4 =	vmin.f32 v4, $5.120000000e+02;
	v2 =	vcvt.f32.s32 v2;
	v11 =	vmul.f32 $6.400000000e+01, v11  }
0x36c: {  	s5 =	sand.u32 $0x380, s5;
	v18 =	vxor.u32 $0x80000000, v17;
	s3 =	sor.u32 s4, s3;
	v4 =	vtrunc.f32 v4;
	v6 =	vcvt.f32.s32 v6  }
0x36d: {  	v9 =	vmul.u32 $0x280, v9;
	s3 =	sor.u32 s5, s3;
	v8 =	vcvt.f32.s32 v8;
	v4 =	vcvt.f32.s32 v4  }
0x36e: {  	v20 =	vld [tilespmem:s3+$0x0];
	v19 =	vadd.s32 v2, v3;
	v2 =	vsub.f32 $1.000000000e+00, v13;
	vm7 =	vgt.s32 v16, $0x0  }
0x36f: {  	v3 =	vsub.f32 $1.000000000e+00, v15;
	v11 =	vadd.f32 $1.000000000e+00, v11;
	v15 =	vld [tilespmem:s3+$0x70];
	v13 =	vsel vm7, v17, v18  }
0x370: {  	v23 =	vadd.s32 v6, v7;
	v10 =	vadd.s32 v8, v10;
	v13 =	vsub.f32 $1.000000000e+00, v13  }
0x371: {  	v18 =	vld [tilespmem:s3+$0x8070];
	v2 =	vmul.f32 $6.400000000e+01, v2;
	v3 =	vmul.f32 $6.400000000e+01, v3;
	v11 =	vmax.f32 v11, $0.0e+00  }
0x372: {  	v22 =	vadd.s32 v4, v5;
	v11 =	vmin.f32 v11, $5.120000000e+02;
	v13 =	vmul.f32 $6.400000000e+01, v13  }
0x373: {  	v21 =	vld [tilespmem:s3+$0x10];
	v2 =	vadd.f32 $1.000000000e+00, v2;
	v3 =	vadd.f32 $1.000000000e+00, v3;
	v11 =	vtrunc.f32 v11  }
0x374: {  	v24 =	vld [tilespmem:s3+$0x40];
	v7 =	vxor.u32 $0x80000000, v20;
	v11 =	vcvt.f32.s32 v11;
	v6 =	vxor.u32 $0x80000000, v15  }
0x375: {  	v59 =	vld [tilespmem:s3+$0x50];
	v13 =	vadd.f32 $1.000000000e+00, v13;
	v2 =	vmax.f32 v2, $0.0e+00;
	v3 =	vmax.f32 v3, $0.0e+00  }
0x376: {  	v26 =	vld [tilespmem:s3+$0x60];
	vm8 =	vgt.s32 v18, $0x0;
	v2 =	vmin.f32 v2, $5.120000000e+02;
	v3 =	vmin.f32 v3, $5.120000000e+02  }
0x377: {  	v8 =	vld [tilespmem:s3+$0x20];
	v11 =	vadd.s32 v11, v9;
	v6 =	vsel vm8, v15, v6;
	v13 =	vmax.f32 v13, $0.0e+00  }
0x378: {  	v9 =	vld [tilespmem:s3+$0x30];
	v17 =	vtrunc.f32 v2;
	v3 =	vtrunc.f32 v3;
	v2 =	vmul.u32 $0x280, v16  }
0x379: {  	v16 =	vld [tilespmem:s3+$0x8000];
	v15 =	vsub.f32 $1.000000000e+00, v6;
	v13 =	vmin.f32 v13, $5.120000000e+02;
	v4 =	vcvt.f32.s32 v17  }
0x37a: {  	v27 =	vxor.u32 $0x80000000, v24;
	v5 =	vcvt.f32.s32 v3;
	v17 =	vld [tilespmem:s3+$0x8010];
	v13 =	vtrunc.f32 v13  }
0x37b: {  	v60 =	vxor.u32 $0x80000000, v59;
	v15 =	vmul.f32 $6.400000000e+01, v15;
	v3 =	vcvt.f32.s32 v13;
	v13 =	vld [tilespmem:s3+$0x8020]  }
0x37c: {  	v61 =	vxor.u32 $0x80000000, v26;
	v18 =	vmul.u32 $0x280, v18;
	v6 =	vld [tilespmem:s3+$0x8030];
	v12 =	vadd.s32 v4, v12  }
0x37d: {  	v14 =	vadd.s32 v5, v14;
	v15 =	vadd.f32 $1.000000000e+00, v15;
	v25 =	vxor.u32 $0x80000000, v9  }
0x37e: {  	vm9 =	vgt.s32 v16, $0x0;
	v4 =	vmul.u32 $0x280, v16;
	v16 =	vxor.u32 $0x80000000, v21  }
0x37f: {  	v7 =	vsel vm9, v20, v7;
	vm10 =	vgt.s32 v17, $0x0;
	v5 =	vmul.u32 $0x280, v17  }
0x380: {  	v17 =	vxor.u32 $0x80000000, v8;
	v20 =	vsub.f32 $1.000000000e+00, v7;
	v7 =	vld [tilespmem:s3+$0x8040];
	vm11 =	vgt.s32 v13, $0x0  }
0x381: {  	vm12 =	vgt.s32 v6, $0x0;
	v15 =	vmax.f32 v15, $0.0e+00;
	v17 =	vsel vm11, v8, v17;
	v8 =	vld [tilespmem:s3+$0x8050]  }
0x382: {  	v25 =	vsel vm12, v9, v25;
	v9 =	vld [tilespmem:s3+$0x8060];
	v16 =	vsel vm10, v21, v16;
	v15 =	vmin.f32 v15, $5.120000000e+02  }
0x383: {  	v25 =	vsub.f32 $1.000000000e+00, v25;
	v16 =	vsub.f32 $1.000000000e+00, v16;
	v15 =	vtrunc.f32 v15  }
0x384: {  	[tilespmem:v10+s26+$0x0] =	vst.idx.add.f32.msk $0xffff, v1;
	v10 =	vmul.u32 $0x280, v13;
	v20 =	vmul.f32 $6.400000000e+01, v20;
	v15 =	vcvt.f32.s32 v15  }
0x385: {  	v62 =	vmul.f32 $6.400000000e+01, v25;
	v17 =	vsub.f32 $1.000000000e+00, v17;
	v16 =	vmul.f32 $6.400000000e+01, v16  }
0x386: {  	v18 =	vadd.s32 v15, v18;
	vm13 =	vgt.s32 v7, $0x0;
	vm14 =	vgt.s32 v8, $0x0  }
0x387: {  	[tilespmem:v19+s26+$0x0] =	vst.idx.add.f32.msk $0xffff, v1;
	vm15 =	vgt.s32 v9, $0x0;
	v24 =	vsel vm13, v24, v27;
	v19 =	vsel vm14, v59, v60  }
0x388: {  	[tilespmem:v23+s26+$0x0] =	vst.idx.add.f32.msk $0xffff, v1;
	v21 =	vsel vm15, v26, v61;
	v15 =	vsub.f32 $1.000000000e+00, v24;
	v19 =	vsub.f32 $1.000000000e+00, v19  }
0x389: {  	[tilespmem:v11+s26+$0x0] =	vst.idx.add.f32.msk $0xffff, v1;
	v11 =	vadd.f32 $1.000000000e+00, v20;
	v17 =	vmul.f32 $6.400000000e+01, v17;
	v21 =	vsub.f32 $1.000000000e+00, v21  }
0x38a: {  	[tilespmem:v22+s26+$0x0] =	vst.idx.add.f32.msk $0xffff, v1;
	v13 =	vadd.f32 $1.000000000e+00, v62;
	v15 =	vmul.f32 $6.400000000e+01, v15;
	v19 =	vmul.f32 $6.400000000e+01, v19  }
0x38b: {  	[tilespmem:v12+s26+$0x0] =	vst.idx.add.f32.msk $0xffff, v1;
	v63 =	vadd.f32 $1.000000000e+00, v16;
	v12 =	vadd.f32 $1.000000000e+00, v17;
	v17 =	vmul.f32 $6.400000000e+01, v21  }
0x38c: {  	[tilespmem:v14+s26+$0x0] =	vst.idx.add.f32.msk $0xffff, v1;
	v11 =	vmax.f32 v11, $0.0e+00;
	v15 =	vadd.f32 $1.000000000e+00, v15;
	v16 =	vadd.f32 $1.000000000e+00, v19  }
0x38d: {  	s31 =	simm.s32 $0x8;
	v14 =	vmax.f32 v63, $0.0e+00;
	[tilespmem:v18+s26+$0x0] =	vst.idx.add.f32.msk $0xffff, v1;
	v12 =	vmax.f32 v12, $0.0e+00;
	v17 =	vadd.f32 $1.000000000e+00, v17  }
.LBB2_14:
0x38e: {  	s31 =	sadd.s32 $0x8, s31;
	v13 =	vmax.f32 v13, $0.0e+00;
	v15 =	vmax.f32 v15, $0.0e+00;
	v16 =	vmax.f32 v16, $0.0e+00  }
0x38f: {  	v11 =	vmin.f32 v11, $5.120000000e+02;
	v14 =	vmin.f32 v14, $5.120000000e+02;
	s30 =	sadd.s32 $0x400, s30;
	s3 =	sshll.u32 s31, $0x4;
	p0 =	slt.u32 s31, $0x3F8;
	v17 =	vmax.f32 v17, $0.0e+00  }
0x390: {  	v12 =	vmin.f32 v12, $5.120000000e+02;
	s4 =	sand.u32 $0xC00, s30;
	s5 =	sshll.u32 s31, $0x2;
	v13 =	vmin.f32 v13, $5.120000000e+02;
	v15 =	vmin.f32 v15, $5.120000000e+02;
	s3 =	sand.u32 $0x3000, s3  }
0x391: {  	v11 =	vtrunc.f32 v11;
	v16 =	vmin.f32 v16, $5.120000000e+02;
	v17 =	vmin.f32 v17, $5.120000000e+02;
	s3 =	sor.u32 s4, s3;
	s4 =	sand.u32 $0x380, s5  }
0x392: {  	v6 =	vmul.u32 $0x280, v6;
	v14 =	vtrunc.f32 v14;
	v12 =	vtrunc.f32 v12;
	s3 =	sor.u32 s4, s3  }
0x393: {  	v7 =	vmul.u32 $0x280, v7;
	v13 =	vtrunc.f32 v13;
	v15 =	vtrunc.f32 v15;
	v18 =	vld [tilespmem:s3+$0x70]  }
0x394: {  	v8 =	vmul.u32 $0x280, v8;
	v16 =	vtrunc.f32 v16;
	v17 =	vtrunc.f32 v17;
	v19 =	vld [tilespmem:s3+$0x8070]  }
0x395: {  	v9 =	vmul.u32 $0x280, v9;
	v11 =	vcvt.f32.s32 v11;
	v14 =	vcvt.f32.s32 v14;
	v20 =	vld [tilespmem:s3+$0x0]  }
0x396: {  	v22 =	vadd.s32 v3, v2;
	v12 =	vcvt.f32.s32 v12;
	v13 =	vcvt.f32.s32 v13;
	v21 =	vld [tilespmem:s3+$0x8000]  }
0x397: {  	v2 =	vmovc v9;
	v11 =	vadd.s32 v11, v4;
	v4 =	vcvt.f32.s32 v15;
	v15 =	vcvt.f32.s32 v16;
	v23 =	vld [tilespmem:s3+$0x10]  }
0x398: {  	v14 =	vadd.s32 v14, v5;
	v10 =	vadd.s32 v12, v10;
	v3 =	vcvt.f32.s32 v17;
	v9 =	vld [tilespmem:s3+$0x8010]  }
0x399: {  	v13 =	vadd.s32 v13, v6;
	v5 =	vxor.u32 $0x80000000, v18;
	v12 =	vld [tilespmem:s3+$0x20];
	vm0 =	vgt.s32 v19, $0x0  }
0x39a: {  	v17 =	vadd.s32 v4, v7;
	v6 =	vxor.u32 $0x80000000, v20;
	v16 =	vld [tilespmem:s3+$0x8020];
	v5 =	vsel vm0, v18, v5  }
0x39b: {  	vm0 =	vgt.s32 v21, $0x0;
	v4 =	vmul.u32 $0x280, v21;
	v18 =	vld [tilespmem:s3+$0x30];
	v5 =	vsub.f32 $1.000000000e+00, v5  }
0x39c: {  	v15 =	vadd.s32 v15, v8;
	v7 =	vsel vm0, v20, v6;
	v20 =	vxor.u32 $0x80000000, v23;
	v6 =	vld [tilespmem:s3+$0x8030]  }
0x39d: {  	v8 =	vsub.f32 $1.000000000e+00, v7;
	vm0 =	vgt.s32 v9, $0x0;
	v21 =	vld [tilespmem:s3+$0x40];
	v24 =	vmul.f32 $6.400000000e+01, v5  }
0x39e: {  	v5 =	vmul.u32 $0x280, v9;
	v20 =	vsel vm0, v23, v20;
	v9 =	vxor.u32 $0x80000000, v12;
	v7 =	vld [tilespmem:s3+$0x8040]  }
0x39f: {  	v20 =	vsub.f32 $1.000000000e+00, v20;
	vm0 =	vgt.s32 v16, $0x0;
	v23 =	vld [tilespmem:s3+$0x50];
	v24 =	vadd.f32 $1.000000000e+00, v24  }
0x3a0: {  	v25 =	vmul.f32 $6.400000000e+01, v8;
	v9 =	vsel vm0, v12, v9;
	v12 =	vxor.u32 $0x80000000, v18;
	v8 =	vld [tilespmem:s3+$0x8050]  }
0x3a1: {  	v26 =	vsub.f32 $1.000000000e+00, v9;
	vm0 =	vgt.s32 v6, $0x0;
	v27 =	vld [tilespmem:s3+$0x60];
	v24 =	vmax.f32 v24, $0.0e+00  }
0x3a2: {  	v12 =	vsel vm0, v18, v12;
	v18 =	vxor.u32 $0x80000000, v21;
	v9 =	vld [tilespmem:s3+$0x8060];
	v24 =	vmin.f32 v24, $5.120000000e+02  }
0x3a3: {  	v12 =	vsub.f32 $1.000000000e+00, v12;
	vm0 =	vgt.s32 v7, $0x0;
	v24 =	vtrunc.f32 v24;
	[tilespmem:v11+s26+$0x0] =	vst.idx.add.f32.msk $0xffff, v1  }
0x3a4: {  	v19 =	vmul.u32 $0x280, v19;
	v11 =	vxor.u32 $0x80000000, v23;
	v24 =	vcvt.f32.s32 v24;
	[tilespmem:v14+s26+$0x0] =	vst.idx.add.f32.msk $0xffff, v1  }
0x3a5: {  	v14 =	vmul.f32 $6.400000000e+01, v20;
	v18 =	vsel vm0, v21, v18;
	vm0 =	vgt.s32 v8, $0x0;
	[tilespmem:v10+s26+$0x0] =	vst.idx.add.f32.msk $0xffff, v1  }
0x3a6: {  	v10 =	vsel vm0, v23, v11;
	v11 =	vxor.u32 $0x80000000, v27;
	v19 =	vadd.s32 v24, v19;
	[tilespmem:v13+s26+$0x0] =	vst.idx.add.f32.msk $0xffff, v1  }
0x3a7: {  	v13 =	vsub.f32 $1.000000000e+00, v18;
	v10 =	vsub.f32 $1.000000000e+00, v10;
	vm0 =	vgt.s32 v9, $0x0;
	[tilespmem:v17+s26+$0x0] =	vst.idx.add.f32.msk $0xffff, v1  }
0x3a8: {  	v12 =	vmul.f32 $6.400000000e+01, v12;
	v17 =	vmul.f32 $6.400000000e+01, v26;
	v11 =	vsel vm0, v27, v11;
	[tilespmem:v15+s26+$0x0] =	vst.idx.add.f32.msk $0xffff, v1  }
.Ltmp6:
0x3a9: {  	v15 =	vmul.f32 $6.400000000e+01, v13;
	v18 =	vmul.f32 $6.400000000e+01, v10;
	v11 =	vsub.f32 $1.000000000e+00, v11;
	[tilespmem:v22+s26+$0x0] =	vst.idx.add.f32.msk $0xffff, v1;
	(pc) =	sbr.rel @p0 .LBB2_14-.Ltmp6, $4  }
0x3aa: {  	v20 =	vadd.f32 $1.000000000e+00, v25;
	v14 =	vadd.f32 $1.000000000e+00, v14;
	v10 =	vmul.u32 $0x280, v16  }
0x3ab: {  	v13 =	vadd.f32 $1.000000000e+00, v12;
	v17 =	vadd.f32 $1.000000000e+00, v17;
	v21 =	vmul.f32 $6.400000000e+01, v11;
	[tilespmem:v19+s26+$0x0] =	vst.idx.add.f32.msk $0xffff, v1  }
0x3ac: {  	v15 =	vadd.f32 $1.000000000e+00, v15;
	v11 =	vmax.f32 v20, $0.0e+00;
	v16 =	vadd.f32 $1.000000000e+00, v18  }
0x3ad: {  	v14 =	vmax.f32 v14, $0.0e+00;
	v12 =	vmax.f32 v17, $0.0e+00;
	v17 =	vadd.f32 $1.000000000e+00, v21  }
0x3ae: {  	v13 =	vmax.f32 v13, $0.0e+00;
	v15 =	vmax.f32 v15, $0.0e+00  }
0x3af: {  	v16 =	vmax.f32 v16, $0.0e+00;
	v11 =	vmin.f32 v11, $5.120000000e+02;
	v14 =	vmin.f32 v14, $5.120000000e+02  }
0x3b0: {  	v12 =	vmin.f32 v12, $5.120000000e+02;
	v6 =	vmul.u32 $0x280, v6;
	v7 =	vmul.u32 $0x280, v7  }
0x3b1: {  	v8 =	vmul.u32 $0x280, v8;
	v2 =	vadd.s32 v3, v2;
	v17 =	vmax.f32 v17, $0.0e+00  }
0x3b2: {  	v13 =	vmin.f32 v13, $5.120000000e+02;
	v15 =	vmin.f32 v15, $5.120000000e+02;
	v11 =	vtrunc.f32 v11  }
0x3b3: {  	v16 =	vmin.f32 v16, $5.120000000e+02;
	v14 =	vtrunc.f32 v14;
	v11 =	vcvt.f32.s32 v11  }
0x3b4: {  	v12 =	vtrunc.f32 v12;
	v17 =	vmin.f32 v17, $5.120000000e+02;
	v14 =	vcvt.f32.s32 v14  }
0x3b5: {  	v13 =	vtrunc.f32 v13;
	v12 =	vcvt.f32.s32 v12;
	v4 =	vadd.s32 v11, v4  }
0x3b6: {  	v15 =	vtrunc.f32 v15;
	v11 =	vcvt.f32.s32 v13;
	v5 =	vadd.s32 v14, v5  }
0x3b7: {  	v13 =	vtrunc.f32 v16;
	v14 =	vcvt.f32.s32 v15;
	v10 =	vadd.s32 v12, v10  }
0x3b8: {  	v12 =	vcvt.f32.s32 v13;
	v6 =	vadd.s32 v11, v6;
	v11 =	vtrunc.f32 v17  }
0x3b9: {  	v9 =	vmul.u32 $0x280, v9;
	[tilespmem:v2+s26+$0x0] =	vst.idx.add.f32.msk $0xffff, v1;
	v7 =	vadd.s32 v14, v7;
	v11 =	vcvt.f32.s32 v11  }
0x3ba: {  	v8 =	vadd.s32 v12, v8;
	[tilespmem:v4+s26+$0x0] =	vst.idx.add.f32.msk $0xffff, v1  }
0x3bb: {  	[tilespmem:v5+s26+$0x0] =	vst.idx.add.f32.msk $0xffff, v1;
	v3 =	vadd.s32 v11, v9  }
0x3bc: {  	[tilespmem:v10+s26+$0x0] =	vst.idx.add.f32.msk $0xffff, v1  }
0x3bd: {  	[tilespmem:v6+s26+$0x0] =	vst.idx.add.f32.msk $0xffff, v1  }
0x3be: {  	[tilespmem:v7+s26+$0x0] =	vst.idx.add.f32.msk $0xffff, v1  }
0x3bf: {  	[tilespmem:v8+s26+$0x0] =	vst.idx.add.f32.msk $0xffff, v1  }
0x3c0: {  	[tilespmem:v3+s26+$0x0] =	vst.idx.add.f32.msk $0xffff, v1  }
0x3c1: {  	_ =	swait.ge [sflag:s28], $0x4000  }
0x3c2: {  	s3 =	simm.s32 $0x0;
	[sflag:s28] =	ssyncset.done $0x0  }
0x3c3: {  	s4 =	simm.s32 $0x0;
	s5 =	simm.s32 $0x0;
	[sflag:s28] =	ssyncadd.s32 $0xFFFFC000  }
0x3c4: {  	s4 =	sand.u32 $0x3000, s4;
	s3 =	sand.u32 $0xC00, s3;
	_ =	swait.ge [sflag:s29], $0x4000  }
0x3c5: {  	s5 =	sand.u32 $0x380, s5;
	s3 =	sor.u32 s3, s4;
	[sflag:s29] =	ssyncset.done $0x0  }
0x3c6: {  	s3 =	sor.u32 s5, s3;
	[sflag:s29] =	ssyncadd.s32 $0xFFFFC000  }
0x3c7: {  	v2 =	vld [tilespmem:s3+$0x4070]  }
0x3c8: {  	v3 =	vld [tilespmem:s3+$0xC070]  }
0x3c9: {  	v5 =	vld [tilespmem:s3+$0xC000]  }
0x3ca: {  	v6 =	vld [tilespmem:s3+$0x4010]  }
0x3cb: {  	v7 =	vld [tilespmem:s3+$0xC010]  }
0x3cc: {  	v8 =	vld [tilespmem:s3+$0x4020]  }
0x3cd: {  	v10 =	vld [tilespmem:s3+$0xC020]  }
0x3ce: {  	v11 =	vld [tilespmem:s3+$0x4030]  }
0x3cf: {  	v13 =	vld [tilespmem:s3+$0x4040]  }
0x3d0: {  	v15 =	vld [tilespmem:s3+$0x4050]  }
0x3d1: {  	v4 =	vld [tilespmem:s3+$0x4000];
	vm0 =	vgt.s32 v3, $0x0;
	v9 =	vxor.u32 $0x80000000, v2  }
0x3d2: {  	vm13 =	vgt.s32 v5, $0x0;
	v5 =	vmul.u32 $0x280, v5;
	v12 =	vxor.u32 $0x80000000, v6  }
0x3d3: {  	vm14 =	vgt.s32 v7, $0x0;
	v7 =	vmul.u32 $0x280, v7;
	v14 =	vxor.u32 $0x80000000, v8  }
0x3d4: {  	vm15 =	vgt.s32 v10, $0x0;
	v16 =	vxor.u32 $0x80000000, v11;
	v18 =	vxor.u32 $0x80000000, v13  }
0x3d5: {  	v19 =	vxor.u32 $0x80000000, v15;
	v2 =	vsel vm0, v2, v9;
	v6 =	vsel vm14, v6, v12;
	v12 =	vld [tilespmem:s3+$0xC040]  }
0x3d6: {  	v9 =	vxor.u32 $0x80000000, v4;
	v8 =	vsel vm15, v8, v14;
	v14 =	vld [tilespmem:s3+$0xC050];
	v2 =	vsub.f32 $1.000000000e+00, v2  }
0x3d7: {  	v4 =	vsel vm13, v4, v9;
	v9 =	vld [tilespmem:s3+$0xC030];
	v6 =	vsub.f32 $1.000000000e+00, v6;
	v8 =	vsub.f32 $1.000000000e+00, v8  }
0x3d8: {  	v3 =	vmul.u32 $0x280, v3;
	v4 =	vsub.f32 $1.000000000e+00, v4;
	v2 =	vmul.f32 $6.400000000e+01, v2  }
0x3d9: {  	v10 =	vmul.u32 $0x280, v10;
	v6 =	vmul.f32 $6.400000000e+01, v6;
	v8 =	vmul.f32 $6.400000000e+01, v8  }
0x3da: {  	v4 =	vmul.f32 $6.400000000e+01, v4;
	v2 =	vadd.f32 $1.000000000e+00, v2;
	vm5 =	vgt.s32 v12, $0x0  }
0x3db: {  	vm6 =	vgt.s32 v14, $0x0;
	v6 =	vadd.f32 $1.000000000e+00, v6;
	v8 =	vadd.f32 $1.000000000e+00, v8  }
0x3dc: {  	v12 =	vmul.u32 $0x280, v12;
	v14 =	vmul.u32 $0x280, v14;
	vm4 =	vgt.s32 v9, $0x0  }
0x3dd: {  	v13 =	vsel vm5, v13, v18;
	v15 =	vsel vm6, v15, v19;
	v4 =	vadd.f32 $1.000000000e+00, v4  }
0x3de: {  	v17 =	vld [tilespmem:s3+$0x4060];
	v2 =	vmax.f32 v2, $0.0e+00;
	v11 =	vsel vm4, v11, v16;
	v6 =	vmax.f32 v6, $0.0e+00  }
0x3df: {  	v8 =	vmax.f32 v8, $0.0e+00;
	v2 =	vmin.f32 v2, $5.120000000e+02;
	v11 =	vsub.f32 $1.000000000e+00, v11  }
0x3e0: {  	v16 =	vld [tilespmem:s3+$0xC060];
	v6 =	vmin.f32 v6, $5.120000000e+02;
	v8 =	vmin.f32 v8, $5.120000000e+02;
	v2 =	vtrunc.f32 v2  }
0x3e1: {  	s30 =	simm.s32 $0x400;
	s4 =	simm.s32 $0x80;
	v4 =	vmax.f32 v4, $0.0e+00;
	v6 =	vtrunc.f32 v6;
	v8 =	vtrunc.f32 v8  }
0x3e2: {  	s5 =	simm.s32 $0x20;
	s3 =	sand.u32 $0x3000, s4;
	s4 =	sand.u32 $0xC00, s30;
	v4 =	vmin.f32 v4, $5.120000000e+02;
	v2 =	vcvt.f32.s32 v2;
	v11 =	vmul.f32 $6.400000000e+01, v11  }
0x3e3: {  	s5 =	sand.u32 $0x380, s5;
	v18 =	vxor.u32 $0x80000000, v17;
	s3 =	sor.u32 s4, s3;
	v4 =	vtrunc.f32 v4;
	v6 =	vcvt.f32.s32 v6  }
0x3e4: {  	v9 =	vmul.u32 $0x280, v9;
	s3 =	sor.u32 s5, s3;
	v8 =	vcvt.f32.s32 v8;
	v4 =	vcvt.f32.s32 v4  }
0x3e5: {  	v20 =	vld [tilespmem:s3+$0x4000];
	v19 =	vadd.s32 v2, v3;
	v2 =	vsub.f32 $1.000000000e+00, v13;
	vm7 =	vgt.s32 v16, $0x0  }
0x3e6: {  	v3 =	vsub.f32 $1.000000000e+00, v15;
	v11 =	vadd.f32 $1.000000000e+00, v11;
	v15 =	vld [tilespmem:s3+$0x4070];
	v13 =	vsel vm7, v17, v18  }
0x3e7: {  	v23 =	vadd.s32 v6, v7;
	v10 =	vadd.s32 v8, v10;
	v13 =	vsub.f32 $1.000000000e+00, v13  }
0x3e8: {  	v18 =	vld [tilespmem:s3+$0xC070];
	v2 =	vmul.f32 $6.400000000e+01, v2;
	v3 =	vmul.f32 $6.400000000e+01, v3;
	v11 =	vmax.f32 v11, $0.0e+00  }
0x3e9: {  	v22 =	vadd.s32 v4, v5;
	v11 =	vmin.f32 v11, $5.120000000e+02;
	v13 =	vmul.f32 $6.400000000e+01, v13  }
0x3ea: {  	v21 =	vld [tilespmem:s3+$0x4010];
	v2 =	vadd.f32 $1.000000000e+00, v2;
	v3 =	vadd.f32 $1.000000000e+00, v3;
	v11 =	vtrunc.f32 v11  }
0x3eb: {  	v24 =	vld [tilespmem:s3+$0x4040];
	v7 =	vxor.u32 $0x80000000, v20;
	v11 =	vcvt.f32.s32 v11;
	v6 =	vxor.u32 $0x80000000, v15  }
0x3ec: {  	v59 =	vld [tilespmem:s3+$0x4050];
	v13 =	vadd.f32 $1.000000000e+00, v13;
	v2 =	vmax.f32 v2, $0.0e+00;
	v3 =	vmax.f32 v3, $0.0e+00  }
0x3ed: {  	v26 =	vld [tilespmem:s3+$0x4060];
	vm8 =	vgt.s32 v18, $0x0;
	v2 =	vmin.f32 v2, $5.120000000e+02;
	v3 =	vmin.f32 v3, $5.120000000e+02  }
0x3ee: {  	v8 =	vld [tilespmem:s3+$0x4020];
	v11 =	vadd.s32 v11, v9;
	v6 =	vsel vm8, v15, v6;
	v13 =	vmax.f32 v13, $0.0e+00  }
0x3ef: {  	v9 =	vld [tilespmem:s3+$0x4030];
	v17 =	vtrunc.f32 v2;
	v3 =	vtrunc.f32 v3;
	v2 =	vmul.u32 $0x280, v16  }
0x3f0: {  	v16 =	vld [tilespmem:s3+$0xC000];
	v15 =	vsub.f32 $1.000000000e+00, v6;
	v13 =	vmin.f32 v13, $5.120000000e+02;
	v4 =	vcvt.f32.s32 v17  }
0x3f1: {  	v27 =	vxor.u32 $0x80000000, v24;
	v5 =	vcvt.f32.s32 v3;
	v17 =	vld [tilespmem:s3+$0xC010];
	v13 =	vtrunc.f32 v13  }
0x3f2: {  	v60 =	vxor.u32 $0x80000000, v59;
	v15 =	vmul.f32 $6.400000000e+01, v15;
	v3 =	vcvt.f32.s32 v13;
	v13 =	vld [tilespmem:s3+$0xC020]  }
0x3f3: {  	v61 =	vxor.u32 $0x80000000, v26;
	v18 =	vmul.u32 $0x280, v18;
	v6 =	vld [tilespmem:s3+$0xC030];
	v12 =	vadd.s32 v4, v12  }
0x3f4: {  	v14 =	vadd.s32 v5, v14;
	v15 =	vadd.f32 $1.000000000e+00, v15;
	v25 =	vxor.u32 $0x80000000, v9  }
0x3f5: {  	vm9 =	vgt.s32 v16, $0x0;
	v4 =	vmul.u32 $0x280, v16;
	v16 =	vxor.u32 $0x80000000, v21  }
0x3f6: {  	v7 =	vsel vm9, v20, v7;
	vm10 =	vgt.s32 v17, $0x0;
	v5 =	vmul.u32 $0x280, v17  }
0x3f7: {  	v17 =	vxor.u32 $0x80000000, v8;
	v20 =	vsub.f32 $1.000000000e+00, v7;
	v7 =	vld [tilespmem:s3+$0xC040];
	vm11 =	vgt.s32 v13, $0x0  }
0x3f8: {  	vm12 =	vgt.s32 v6, $0x0;
	v15 =	vmax.f32 v15, $0.0e+00;
	v17 =	vsel vm11, v8, v17;
	v8 =	vld [tilespmem:s3+$0xC050]  }
0x3f9: {  	v25 =	vsel vm12, v9, v25;
	v9 =	vld [tilespmem:s3+$0xC060];
	v16 =	vsel vm10, v21, v16;
	v15 =	vmin.f32 v15, $5.120000000e+02  }
0x3fa: {  	v25 =	vsub.f32 $1.000000000e+00, v25;
	v16 =	vsub.f32 $1.000000000e+00, v16;
	v15 =	vtrunc.f32 v15  }
0x3fb: {  	[tilespmem:v10+s26+$0x0] =	vst.idx.add.f32.msk $0xffff, v1;
	v10 =	vmul.u32 $0x280, v13;
	v20 =	vmul.f32 $6.400000000e+01, v20;
	v15 =	vcvt.f32.s32 v15  }
0x3fc: {  	v62 =	vmul.f32 $6.400000000e+01, v25;
	v17 =	vsub.f32 $1.000000000e+00, v17;
	v16 =	vmul.f32 $6.400000000e+01, v16  }
0x3fd: {  	v18 =	vadd.s32 v15, v18;
	vm13 =	vgt.s32 v7, $0x0;
	vm14 =	vgt.s32 v8, $0x0  }
0x3fe: {  	[tilespmem:v19+s26+$0x0] =	vst.idx.add.f32.msk $0xffff, v1;
	vm15 =	vgt.s32 v9, $0x0;
	v24 =	vsel vm13, v24, v27;
	v19 =	vsel vm14, v59, v60  }
0x3ff: {  	[tilespmem:v23+s26+$0x0] =	vst.idx.add.f32.msk $0xffff, v1;
	v21 =	vsel vm15, v26, v61;
	v15 =	vsub.f32 $1.000000000e+00, v24;
	v19 =	vsub.f32 $1.000000000e+00, v19  }
0x400: {  	[tilespmem:v11+s26+$0x0] =	vst.idx.add.f32.msk $0xffff, v1;
	v11 =	vadd.f32 $1.000000000e+00, v20;
	v17 =	vmul.f32 $6.400000000e+01, v17;
	v21 =	vsub.f32 $1.000000000e+00, v21  }
0x401: {  	[tilespmem:v22+s26+$0x0] =	vst.idx.add.f32.msk $0xffff, v1;
	v13 =	vadd.f32 $1.000000000e+00, v62;
	v15 =	vmul.f32 $6.400000000e+01, v15;
	v19 =	vmul.f32 $6.400000000e+01, v19  }
0x402: {  	[tilespmem:v12+s26+$0x0] =	vst.idx.add.f32.msk $0xffff, v1;
	v63 =	vadd.f32 $1.000000000e+00, v16;
	v12 =	vadd.f32 $1.000000000e+00, v17;
	v17 =	vmul.f32 $6.400000000e+01, v21  }
0x403: {  	[tilespmem:v14+s26+$0x0] =	vst.idx.add.f32.msk $0xffff, v1;
	v11 =	vmax.f32 v11, $0.0e+00;
	v15 =	vadd.f32 $1.000000000e+00, v15;
	v16 =	vadd.f32 $1.000000000e+00, v19  }
0x404: {  	s31 =	simm.s32 $0x8;
	v14 =	vmax.f32 v63, $0.0e+00;
	[tilespmem:v18+s26+$0x0] =	vst.idx.add.f32.msk $0xffff, v1;
	v12 =	vmax.f32 v12, $0.0e+00;
	v17 =	vadd.f32 $1.000000000e+00, v17  }
.LBB2_16:
0x405: {  	s31 =	sadd.s32 $0x8, s31;
	v13 =	vmax.f32 v13, $0.0e+00;
	v15 =	vmax.f32 v15, $0.0e+00;
	v16 =	vmax.f32 v16, $0.0e+00  }
0x406: {  	v11 =	vmin.f32 v11, $5.120000000e+02;
	v14 =	vmin.f32 v14, $5.120000000e+02;
	s30 =	sadd.s32 $0x400, s30;
	s3 =	sshll.u32 s31, $0x4;
	p0 =	slt.u32 s31, $0x3F8;
	v17 =	vmax.f32 v17, $0.0e+00  }
0x407: {  	v12 =	vmin.f32 v12, $5.120000000e+02;
	s4 =	sand.u32 $0xC00, s30;
	s5 =	sshll.u32 s31, $0x2;
	v13 =	vmin.f32 v13, $5.120000000e+02;
	v15 =	vmin.f32 v15, $5.120000000e+02;
	s3 =	sand.u32 $0x3000, s3  }
0x408: {  	v11 =	vtrunc.f32 v11;
	v16 =	vmin.f32 v16, $5.120000000e+02;
	v17 =	vmin.f32 v17, $5.120000000e+02;
	s3 =	sor.u32 s4, s3;
	s4 =	sand.u32 $0x380, s5  }
0x409: {  	v6 =	vmul.u32 $0x280, v6;
	v14 =	vtrunc.f32 v14;
	v12 =	vtrunc.f32 v12;
	s3 =	sor.u32 s4, s3  }
0x40a: {  	v7 =	vmul.u32 $0x280, v7;
	v13 =	vtrunc.f32 v13;
	v15 =	vtrunc.f32 v15;
	v18 =	vld [tilespmem:s3+$0x4070]  }
0x40b: {  	v8 =	vmul.u32 $0x280, v8;
	v16 =	vtrunc.f32 v16;
	v17 =	vtrunc.f32 v17;
	v19 =	vld [tilespmem:s3+$0xC070]  }
0x40c: {  	v9 =	vmul.u32 $0x280, v9;
	v11 =	vcvt.f32.s32 v11;
	v14 =	vcvt.f32.s32 v14;
	v20 =	vld [tilespmem:s3+$0x4000]  }
0x40d: {  	v22 =	vadd.s32 v3, v2;
	v12 =	vcvt.f32.s32 v12;
	v13 =	vcvt.f32.s32 v13;
	v21 =	vld [tilespmem:s3+$0xC000]  }
0x40e: {  	v2 =	vmovc v9;
	v11 =	vadd.s32 v11, v4;
	v4 =	vcvt.f32.s32 v15;
	v15 =	vcvt.f32.s32 v16;
	v23 =	vld [tilespmem:s3+$0x4010]  }
0x40f: {  	v14 =	vadd.s32 v14, v5;
	v10 =	vadd.s32 v12, v10;
	v3 =	vcvt.f32.s32 v17;
	v9 =	vld [tilespmem:s3+$0xC010]  }
0x410: {  	v13 =	vadd.s32 v13, v6;
	v5 =	vxor.u32 $0x80000000, v18;
	v12 =	vld [tilespmem:s3+$0x4020];
	vm0 =	vgt.s32 v19, $0x0  }
0x411: {  	v17 =	vadd.s32 v4, v7;
	v6 =	vxor.u32 $0x80000000, v20;
	v16 =	vld [tilespmem:s3+$0xC020];
	v5 =	vsel vm0, v18, v5  }
0x412: {  	vm0 =	vgt.s32 v21, $0x0;
	v4 =	vmul.u32 $0x280, v21;
	v18 =	vld [tilespmem:s3+$0x4030];
	v5 =	vsub.f32 $1.000000000e+00, v5  }
0x413: {  	v15 =	vadd.s32 v15, v8;
	v7 =	vsel vm0, v20, v6;
	v20 =	vxor.u32 $0x80000000, v23;
	v6 =	vld [tilespmem:s3+$0xC030]  }
0x414: {  	v8 =	vsub.f32 $1.000000000e+00, v7;
	vm0 =	vgt.s32 v9, $0x0;
	v21 =	vld [tilespmem:s3+$0x4040];
	v24 =	vmul.f32 $6.400000000e+01, v5  }
0x415: {  	v5 =	vmul.u32 $0x280, v9;
	v20 =	vsel vm0, v23, v20;
	v9 =	vxor.u32 $0x80000000, v12;
	v7 =	vld [tilespmem:s3+$0xC040]  }
0x416: {  	v20 =	vsub.f32 $1.000000000e+00, v20;
	vm0 =	vgt.s32 v16, $0x0;
	v23 =	vld [tilespmem:s3+$0x4050];
	v24 =	vadd.f32 $1.000000000e+00, v24  }
0x417: {  	v25 =	vmul.f32 $6.400000000e+01, v8;
	v9 =	vsel vm0, v12, v9;
	v12 =	vxor.u32 $0x80000000, v18;
	v8 =	vld [tilespmem:s3+$0xC050]  }
0x418: {  	v26 =	vsub.f32 $1.000000000e+00, v9;
	vm0 =	vgt.s32 v6, $0x0;
	v27 =	vld [tilespmem:s3+$0x4060];
	v24 =	vmax.f32 v24, $0.0e+00  }
0x419: {  	v12 =	vsel vm0, v18, v12;
	v18 =	vxor.u32 $0x80000000, v21;
	v9 =	vld [tilespmem:s3+$0xC060];
	v24 =	vmin.f32 v24, $5.120000000e+02  }
0x41a: {  	v12 =	vsub.f32 $1.000000000e+00, v12;
	vm0 =	vgt.s32 v7, $0x0;
	v24 =	vtrunc.f32 v24;
	[tilespmem:v11+s26+$0x0] =	vst.idx.add.f32.msk $0xffff, v1  }
0x41b: {  	v19 =	vmul.u32 $0x280, v19;
	v11 =	vxor.u32 $0x80000000, v23;
	v24 =	vcvt.f32.s32 v24;
	[tilespmem:v14+s26+$0x0] =	vst.idx.add.f32.msk $0xffff, v1  }
0x41c: {  	v14 =	vmul.f32 $6.400000000e+01, v20;
	v18 =	vsel vm0, v21, v18;
	vm0 =	vgt.s32 v8, $0x0;
	[tilespmem:v10+s26+$0x0] =	vst.idx.add.f32.msk $0xffff, v1  }
0x41d: {  	v10 =	vsel vm0, v23, v11;
	v11 =	vxor.u32 $0x80000000, v27;
	v19 =	vadd.s32 v24, v19;
	[tilespmem:v13+s26+$0x0] =	vst.idx.add.f32.msk $0xffff, v1  }
0x41e: {  	v13 =	vsub.f32 $1.000000000e+00, v18;
	v10 =	vsub.f32 $1.000000000e+00, v10;
	vm0 =	vgt.s32 v9, $0x0;
	[tilespmem:v17+s26+$0x0] =	vst.idx.add.f32.msk $0xffff, v1  }
0x41f: {  	v12 =	vmul.f32 $6.400000000e+01, v12;
	v17 =	vmul.f32 $6.400000000e+01, v26;
	v11 =	vsel vm0, v27, v11;
	[tilespmem:v15+s26+$0x0] =	vst.idx.add.f32.msk $0xffff, v1  }
.Ltmp7:
0x420: {  	v15 =	vmul.f32 $6.400000000e+01, v13;
	v18 =	vmul.f32 $6.400000000e+01, v10;
	v11 =	vsub.f32 $1.000000000e+00, v11;
	[tilespmem:v22+s26+$0x0] =	vst.idx.add.f32.msk $0xffff, v1;
	(pc) =	sbr.rel @p0 .LBB2_16-.Ltmp7, $4  }
0x421: {  	v20 =	vadd.f32 $1.000000000e+00, v25;
	v14 =	vadd.f32 $1.000000000e+00, v14;
	v10 =	vmul.u32 $0x280, v16  }
0x422: {  	v13 =	vadd.f32 $1.000000000e+00, v12;
	v17 =	vadd.f32 $1.000000000e+00, v17;
	v21 =	vmul.f32 $6.400000000e+01, v11;
	[tilespmem:v19+s26+$0x0] =	vst.idx.add.f32.msk $0xffff, v1  }
0x423: {  	v15 =	vadd.f32 $1.000000000e+00, v15;
	v11 =	vmax.f32 v20, $0.0e+00;
	v16 =	vadd.f32 $1.000000000e+00, v18  }
0x424: {  	v14 =	vmax.f32 v14, $0.0e+00;
	v12 =	vmax.f32 v17, $0.0e+00;
	v17 =	vadd.f32 $1.000000000e+00, v21  }
0x425: {  	v13 =	vmax.f32 v13, $0.0e+00;
	v15 =	vmax.f32 v15, $0.0e+00  }
0x426: {  	v16 =	vmax.f32 v16, $0.0e+00;
	v11 =	vmin.f32 v11, $5.120000000e+02;
	v14 =	vmin.f32 v14, $5.120000000e+02  }
0x427: {  	v12 =	vmin.f32 v12, $5.120000000e+02;
	v6 =	vmul.u32 $0x280, v6;
	v7 =	vmul.u32 $0x280, v7  }
0x428: {  	v8 =	vmul.u32 $0x280, v8;
	v2 =	vadd.s32 v3, v2;
	v17 =	vmax.f32 v17, $0.0e+00  }
0x429: {  	v13 =	vmin.f32 v13, $5.120000000e+02;
	v15 =	vmin.f32 v15, $5.120000000e+02;
	v11 =	vtrunc.f32 v11  }
0x42a: {  	v16 =	vmin.f32 v16, $5.120000000e+02;
	v14 =	vtrunc.f32 v14;
	v11 =	vcvt.f32.s32 v11  }
0x42b: {  	v12 =	vtrunc.f32 v12;
	v17 =	vmin.f32 v17, $5.120000000e+02;
	v14 =	vcvt.f32.s32 v14  }
0x42c: {  	v13 =	vtrunc.f32 v13;
	v12 =	vcvt.f32.s32 v12;
	v4 =	vadd.s32 v11, v4  }
0x42d: {  	v15 =	vtrunc.f32 v15;
	v59 =	vcvt.f32.s32 v13;
	v5 =	vadd.s32 v14, v5  }
0x42e: {  	v60 =	vtrunc.f32 v16;
	v61 =	vcvt.f32.s32 v15;
	v10 =	vadd.s32 v12, v10  }
0x42f: {  	v62 =	vcvt.f32.s32 v60;
	v63 =	vtrunc.f32 v17;
	v6 =	vadd.s32 v59, v6  }
0x430: {  	v9 =	vmul.u32 $0x280, v9;
	v11 =	vcvt.f32.s32 v63;
	v7 =	vadd.s32 v61, v7;
	[tilespmem:v2+s26+$0x0] =	vst.idx.add.f32.msk $0xffff, v1  }
0x431: {  	v8 =	vadd.s32 v62, v8;
	[tilespmem:v4+s26+$0x0] =	vst.idx.add.f32.msk $0xffff, v1  }
0x432: {  	v3 =	vadd.s32 v11, v9;
	[tilespmem:v5+s26+$0x0] =	vst.idx.add.f32.msk $0xffff, v1  }
0x433: {  	[tilespmem:v10+s26+$0x0] =	vst.idx.add.f32.msk $0xffff, v1  }
0x434: {  	[tilespmem:v6+s26+$0x0] =	vst.idx.add.f32.msk $0xffff, v1  }
0x435: {  	s0 =	sadd.s32 $0x1, s0;
	[tilespmem:v7+s26+$0x0] =	vst.idx.add.f32.msk $0xffff, v1  }
0x436: {  	p0 =	sne.s32 s0, s20;
	[tilespmem:v8+s26+$0x0] =	vst.idx.add.f32.msk $0xffff, v1  }
.Ltmp8:
0x437: {  	s3 =	simm.s32 $0x80;
	s4 =	simm.s32 $0x400;
	[tilespmem:v3+s26+$0x0] =	vst.idx.add.f32.msk $0xffff, v1;
	(pc) =	sbr.rel @p0 .LBB2_1-.Ltmp8, $4  }
0x438: {  	[hbm4b:s19+s3] =	stream.strided.scatter [tilespmem:s26], [sflag:$0x5], $0x500, s4, s3, $0x38;
	[tilespmem:$0x10500] =	vst v63  }
0x439: {  	_ =	swait.ge [sflag:s1], $0x500  }
0x43a: {  	[sflag:s1] =	ssyncset.done $0x0  }
0x43b: {  	[sflag:s1] =	ssyncadd.s32 $0xFFFFFB00  }
0x43c: {  	_ =	sfence.sel $0x180000  }
0x43d: {  	[bflag:$0x0] =	sbarrier.arrive $0xFFFF  }
0x43e: {  	_ =	strace $0x90000047  }
0x43f: {  	s0 =	stileid.u32;
	[bflag:$0x2] =	sbarrier.arrive $0xFFFF  }
0x440: {  	p0 =	sne.s32 s0, $0x0;
	s0 =	rddreg [dreg:$0x3]  }
0x441: {  	s0 =	sadd.s32 @!p0 $0x100000, s0  }
0x442: {  	[sflag:s0] =	ssyncadd.tile.s32 @!p0 $0x1;
	_ =	shalt  }
.Lfunc_end2:
_tile_overlayer_lowered:
.L_overlay_start_2:
0x443: {  	(tag) =	ssettag $0x2  }
0x444: {  	s0 =	rddreg [dreg:$0x0];
	s2 =	stileid.u32  }
0x445: {  	s1 =	rddreg [dreg:$0x1];
	p0 =	sne.s32 s2, $0x0  }
0x446: {  	s3 =	rddreg [dreg:$0x2];
	[bflag:$0x3] =	sbarrier.arrive $0xFFFF;
	s2 =	simm.s32 @!p0 $0x1C05  }
0x447: {  	[timem:s3], [sflag:s2] =	dma.local @!p0 [hbm:s0], s1  }
0x448: {  	s0 =	simm.s32 @!p0 $0x5  }
0x449: {  	_ =	swait.ge @!p0 [sflag:s0], s1  }
0x44a: {  	s1 =	ssub.s32 @!p0 $0x0, s1;
	[sflag:s0] =	ssyncset.done @!p0 $0x0  }
0x44b: {  	[sflag:s0] =	ssyncadd.s32 @!p0 s1  }
0x44c: {  	[bflag:$0x3] =	sbarrier.arrive $0xFFFF  }
0x44d: {  	_ =	shalt  }

</sc_bundles>
